<compile_context>
chip_gen: v7x
topology: tpu7x:2x2x1
jax: 0.10.2.dev20260603
libtpu: 0.0.44.dev20260713+nightly
codegen_flags: <defaults>
</compile_context>

<pallas_src>
import functools

import jax
import jax.numpy as jnp
from jax import lax
from jax.experimental import pallas as pl
from jax.experimental.pallas import tpu as pltpu
from jax.experimental.pallas import tpu_sc as plsc

POOL = 7
ROWS = 2 * POOL
NPIX = ROWS * ROWS
HALF0 = 104
HALF1 = 96
IDX_PAD = 104
PATCH_ROWS = HALF0 + HALF1
NUM_TILES = 32
CCHUNKS = 256 // 16


def _prologue(boxes, image_meta, heights):
    B, N = boxes.shape[0], boxes.shape[1]
    BN = B * N
    bf = boxes.reshape(BN, 4).astype(jnp.float32)
    y1, x1, y2, x2 = bf[:, 0], bf[:, 1], bf[:, 2], bf[:, 3]
    h = y2 - y1
    w = x2 - x1
    image_shape = image_meta[0, 4:7]
    image_area = image_shape[0] * image_shape[1]
    roi_level = jnp.log(jnp.sqrt(h * w) / (224.0 / jnp.sqrt(image_area))) / jnp.log(2.0)
    lvl = jnp.minimum(5, jnp.maximum(2, 4 + jnp.round(roi_level).astype(jnp.int32)))

    hs_tab = jnp.asarray(heights, dtype=jnp.int32)
    Hs = hs_tab[lvl - 2]
    Hf = Hs.astype(jnp.float32)

    g = jnp.arange(POOL, dtype=jnp.float32) / (POOL - 1)
    ys = (y1[:, None] + g[None, :] * h[:, None]) * (Hf[:, None] - 1.0)
    xs = (x1[:, None] + g[None, :] * w[:, None]) * (Hf[:, None] - 1.0)
    y0f = jnp.floor(ys)
    x0f = jnp.floor(xs)
    ly = (ys - y0f).astype(jnp.float32)
    lx = (xs - x0f).astype(jnp.float32)
    y0i = jnp.clip(y0f.astype(jnp.int32), 0, Hs[:, None] - 1)
    y1i = jnp.clip(y0i + 1, 0, Hs[:, None] - 1)
    x0i = jnp.clip(x0f.astype(jnp.int32), 0, Hs[:, None] - 1)
    x1i = jnp.clip(x0i + 1, 0, Hs[:, None] - 1)

    rows = jnp.stack([y0i, y1i], axis=-1).reshape(BN, ROWS)
    cols = jnp.stack([x0i, x1i], axis=-1).reshape(BN, ROWS)

    box_b = jnp.repeat(jnp.arange(B, dtype=jnp.int32), N)
    flat = ((box_b[:, None] * Hs[:, None] + rows)[:, :, None] * Hs[:, None, None]
            + cols[:, None, :])
    flat = flat.reshape(BN, NPIX)

    idx = jnp.zeros((BN, 2, IDX_PAD), dtype=jnp.int32)
    idx = idx.at[:, 0, :HALF0].set(flat[:, :HALF0])
    idx = idx.at[:, 1, :NPIX - HALF0].set(flat[:, HALF0:])

    ly8 = jnp.zeros((BN, 8), jnp.float32).at[:, :POOL].set(ly)
    lx8 = jnp.zeros((BN, 8), jnp.float32).at[:, :POOL].set(lx)
    return idx, lvl, ly8, lx8


def _sc_body(per_tile, bn, f2, f3, f4, f5, idx_h, lvl_h, ly_h, lx_h, out_h,
             idx_v, lvl_v, ly_v, lx_v, patch, outb, gsem_arr):
    cid = lax.axis_index("c")
    sid = lax.axis_index("s")
    wid = sid * 2 + cid
    base = wid * per_tile

    pltpu.sync_copy(lvl_h.at[pl.ds(base, per_tile)], lvl_v)
    pltpu.sync_copy(ly_h.at[pl.ds(base, per_tile), :], ly_v)
    pltpu.sync_copy(lx_h.at[pl.ds(base, per_tile), :], lx_v)
    pltpu.sync_copy(idx_h.at[pl.ds(base, per_tile)], idx_v)

    def local(k):
        return jnp.minimum(base + k, bn - 1) - base

    gsems = (gsem_arr.at[0], gsem_arr.at[1])

    def issue_gather(k, pslot, wait=False):
        kk = local(k)
        sem = gsems[pslot]
        lvl_s = jnp.max(plsc.load_gather(lvl_v, [jnp.full((16,), kk, jnp.int32)]))
        for li, f in enumerate((f2, f3, f4, f5)):
            @pl.when(lvl_s == li + 2)
            def _(f=f, kk=kk):
                cp1 = pltpu.async_copy(f.at[idx_v.at[kk, 0, pl.ds(0, HALF0)]],
                                       patch.at[pslot, pl.ds(0, HALF0), :], sem)
                cp2 = pltpu.async_copy(f.at[idx_v.at[kk, 1, pl.ds(0, HALF1)]],
                                       patch.at[pslot, pl.ds(HALF0, HALF1), :], sem)
                if wait:
                    cp1.wait()
                    cp2.wait()

    def do_box(k, pslot):
        kk = local(k)
        ksplat = jnp.full((16,), kk, jnp.int32)

        def i_body(i, carry_i):
            lyi = plsc.load_gather(ly_v, [ksplat, jnp.full((16,), i, jnp.int32)])
            wy1 = lyi
            wy0 = 1.0 - lyi

            def j_body(j, carry_j):
                lxj = plsc.load_gather(lx_v, [ksplat, jnp.full((16,), j, jnp.int32)])
                wx1 = lxj
                wx0 = 1.0 - lxj
                w00 = wy0 * wx0
                w01 = wy0 * wx1
                w10 = wy1 * wx0
                w11 = wy1 * wx1
                p00 = (2 * i) * ROWS + 2 * j
                orow = i * POOL + j
                for c in range(CCHUNKS):
                    sl = pl.ds(c * 16, 16)
                    v00 = patch[pslot, p00, sl]
                    v01 = patch[pslot, p00 + 1, sl]
                    v10 = patch[pslot, p00 + ROWS, sl]
                    v11 = patch[pslot, p00 + ROWS + 1, sl]
                    outb[orow, sl] = (w00 * v00 + w01 * v01
                                      + w10 * v10 + w11 * v11)
                return carry_j

            lax.fori_loop(0, POOL, j_body, 0)
            return carry_i

        lax.fori_loop(0, POOL, i_body, 0)
        pltpu.sync_copy(outb, out_h.at[base + kk])

    def seq_body(k, carry):
        issue_gather(k, 0, wait=True)
        do_box(k, 0)
        return carry

    lax.fori_loop(0, per_tile, seq_body, 0)


def kernel(boxes, image_meta, feature_map_p2, feature_map_p3,
           feature_map_p4, feature_map_p5):
    B, N = boxes.shape[0], boxes.shape[1]
    BN = B * N
    C = feature_map_p2.shape[-1]
    heights = (feature_map_p2.shape[1], feature_map_p3.shape[1],
               feature_map_p4.shape[1], feature_map_p5.shape[1])

    idx, lvl, ly8, lx8 = _prologue(boxes, image_meta, heights)

    nb_pad = ((BN + NUM_TILES * 8 - 1) // (NUM_TILES * 8)) * (NUM_TILES * 8)
    per_tile = nb_pad // NUM_TILES
    idx_p = jnp.zeros((nb_pad, 2, IDX_PAD), jnp.int32).at[:BN].set(idx)
    lvl_p = jnp.full((nb_pad,), 2, jnp.int32).at[:BN].set(lvl)
    ly_p = jnp.zeros((nb_pad, 8), jnp.float32).at[:BN].set(ly8)
    lx_p = jnp.zeros((nb_pad, 8), jnp.float32).at[:BN].set(lx8)

    f2r = feature_map_p2.reshape(-1, C)
    f3r = feature_map_p3.reshape(-1, C)
    f4r = feature_map_p4.reshape(-1, C)
    f5r = feature_map_p5.reshape(-1, C)

    mesh = plsc.VectorSubcoreMesh(core_axis_name="c", subcore_axis_name="s")
    sc_call = pl.kernel(
        functools.partial(_sc_body, per_tile, BN),
        out_type=jax.ShapeDtypeStruct((BN, POOL * POOL, C), jnp.float32),
        mesh=mesh,
        compiler_params=pltpu.CompilerParams(use_tc_tiling_on_sc=False,
                                             needs_layout_passes=False),
        scratch_types=[
            pltpu.VMEM((per_tile, 2, IDX_PAD), jnp.int32),
            pltpu.VMEM((per_tile,), jnp.int32),
            pltpu.VMEM((per_tile, 8), jnp.float32),
            pltpu.VMEM((per_tile, 8), jnp.float32),
            pltpu.VMEM((2, PATCH_ROWS, C), jnp.float32),
            pltpu.VMEM((POOL * POOL, C), jnp.float32),
            pltpu.SemaphoreType.DMA((2,)),
        ],
    )
    out = sc_call(f2r, f3r, f4r, f5r, idx_p, lvl_p, ly_p, lx_p)
    return out.reshape(B, N, POOL, POOL, C)

# --- scband reference (transcript-rebuilt; emitter-appended) ---
"""Pipeline reference for scband-pyramid-roialign-2388001816806 (READ-ONLY COPY).

The authoritative reference and input builder live on the scoring server;
editing this copy changes nothing except your own understanding.
"""

import jax, jax.numpy as jnp
import numpy as np

POOL_SHAPE = (7, 7)


def crop_and_resize(fmap, boxes, box_idx, crop_h, crop_w):
    # Faithful reimplementation of tf.image.crop_and_resize (bilinear, extrapolation_value=0)
    H, W = fmap.shape[1], fmap.shape[2]
    y1, x1, y2, x2 = boxes[:, 0], boxes[:, 1], boxes[:, 2], boxes[:, 3]
    gy = jnp.arange(crop_h, dtype=jnp.float32) / (crop_h - 1)
    gx = jnp.arange(crop_w, dtype=jnp.float32) / (crop_w - 1)
    ys = (y1[:, None] + gy[None, :] * (y2 - y1)[:, None]) * (H - 1)
    xs = (x1[:, None] + gx[None, :] * (x2 - x1)[:, None]) * (W - 1)
    y0 = jnp.floor(ys)
    x0 = jnp.floor(xs)
    ly = ys - y0
    lx = xs - x0
    y0i = jnp.clip(y0.astype(jnp.int32), 0, H - 1)
    y1i = jnp.clip(y0i + 1, 0, H - 1)
    x0i = jnp.clip(x0.astype(jnp.int32), 0, W - 1)
    x1i = jnp.clip(x0i + 1, 0, W - 1)
    b = box_idx[:, None, None]
    v00 = fmap[b, y0i[:, :, None], x0i[:, None, :]]
    v01 = fmap[b, y0i[:, :, None], x1i[:, None, :]]
    v10 = fmap[b, y1i[:, :, None], x0i[:, None, :]]
    v11 = fmap[b, y1i[:, :, None], x1i[:, None, :]]
    ly_ = ly[:, :, None, None]
    lx_ = lx[:, None, :, None]
    top = v00 + (v01 - v00) * lx_
    bot = v10 + (v11 - v10) * lx_
    out = top + (bot - top) * ly_
    valid = ((ys >= 0) & (ys <= H - 1))[:, :, None] & ((xs >= 0) & (xs <= W - 1))[:, None, :]
    return out * valid[:, :, :, None].astype(out.dtype)


def pyramid_roi_align(boxes, image_meta, fmaps, pool_shape):
    B, N = boxes.shape[0], boxes.shape[1]
    h = boxes[..., 2] - boxes[..., 0]
    w = boxes[..., 3] - boxes[..., 1]
    image_shape = image_meta[0, 4:7]
    image_area = image_shape[0] * image_shape[1]
    roi_level = jnp.log(jnp.sqrt(h * w) / (224.0 / jnp.sqrt(image_area))) / jnp.log(2.0)
    roi_level = jnp.minimum(5, jnp.maximum(2, 4 + jnp.round(roi_level).astype(jnp.int32)))
    # static rewrite of tf.where/gather_nd per-level dispatch: crop every box at every
    # level, select with the level mask, and sum. Output order is identical to the
    # original's re-sorted batch-major box order. Level boxes are stop_gradient'ed
    # exactly as in the original.
    boxes_flat = jax.lax.stop_gradient(boxes.reshape(B * N, 4))
    box_idx = jnp.repeat(jnp.arange(B, dtype=jnp.int32), N)
    levels_flat = roi_level.reshape(B * N)
    ph, pw = pool_shape
    C = fmaps[0].shape[-1]
    pooled = jnp.zeros((B * N, ph, pw, C), dtype=fmaps[0].dtype)
    for i, level in enumerate(range(2, 6)):
        crop = crop_and_resize(fmaps[i], boxes_flat, box_idx, ph, pw)
        mask = (levels_flat == level).astype(crop.dtype)[:, None, None, None]
        pooled = pooled + crop * mask
    return pooled.reshape(B, N, ph, pw, C)


def setup_inputs(seed: int = 0):
    key = jax.random.key(seed)
    ks = jax.random.split(key, 8)
    B, N, C = 2, 1000, 256
    y1 = jax.random.uniform(ks[0], (B, N), minval=0.0, maxval=0.7)
    x1 = jax.random.uniform(ks[1], (B, N), minval=0.0, maxval=0.7)
    h = jax.random.uniform(ks[2], (B, N), minval=0.02, maxval=0.5)
    w = jax.random.uniform(ks[3], (B, N), minval=0.02, maxval=0.5)
    boxes = jnp.stack([y1, x1, jnp.minimum(y1 + h, 1.0), jnp.minimum(x1 + w, 1.0)], axis=-1)
    meta = np.zeros((B, 93), dtype=np.float32)
    meta[:, 1:4] = [1024.0, 1024.0, 3.0]
    meta[:, 4:7] = [1024.0, 1024.0, 3.0]
    image_meta = jnp.asarray(meta)
    fp2 = jax.random.normal(ks[4], (B, 256, 256, C), dtype=jnp.float32)
    fp3 = jax.random.normal(ks[5], (B, 128, 128, C), dtype=jnp.float32)
    fp4 = jax.random.normal(ks[6], (B, 64, 64, C), dtype=jnp.float32)
    fp5 = jax.random.normal(ks[7], (B, 32, 32, C), dtype=jnp.float32)
    return {"boxes": boxes, "image_meta": image_meta, "feature_map_p2": fp2, "feature_map_p3": fp3, "feature_map_p4": fp4, "feature_map_p5": fp5}


def reference(boxes, image_meta, feature_map_p2, feature_map_p3, feature_map_p4, feature_map_p5):
    return pyramid_roi_align(boxes, image_meta, [feature_map_p2, feature_map_p3, feature_map_p4, feature_map_p5], POOL_SHAPE)

if __name__ == "__main__":
    import jax
    _d = setup_inputs()
    print(jax.jit(kernel)(*tuple(_d.values())))

</pallas_src>

<mosaic_0001>
#map = affine_map<(d0, d1) -> (0, 0)>
#map1 = affine_map<(d0, d1) -> (0, 0, 0)>
#map2 = affine_map<(d0, d1) -> (0)>
module attributes {stable_mosaic.version = 14 : i64} {
  func.func @_sc_body(%arg0: i32, %arg1: i32, %arg2: memref<131072x256xf32, #tpu.memory_space<hbm>>, %arg3: memref<32768x256xf32, #tpu.memory_space<hbm>>, %arg4: memref<8192x256xf32, #tpu.memory_space<hbm>>, %arg5: memref<2048x256xf32, #tpu.memory_space<hbm>>, %arg6: memref<2048x2x104xi32, #tpu.memory_space<hbm>>, %arg7: memref<2048xi32, #tpu.memory_space<hbm>>, %arg8: memref<2048x8xf32, #tpu.memory_space<hbm>>, %arg9: memref<2048x8xf32, #tpu.memory_space<hbm>>, %arg10: memref<2000x49x256xf32, #tpu.memory_space<hbm>>, %arg11: memref<64x2x104xi32, #tpu.memory_space<vmem>>, %arg12: memref<64xi32, #tpu.memory_space<vmem>>, %arg13: memref<64x8xf32, #tpu.memory_space<vmem>>, %arg14: memref<64x8xf32, #tpu.memory_space<vmem>>, %arg15: memref<2x200x256xf32, #tpu.memory_space<vmem>>, %arg16: memref<49x256xf32, #tpu.memory_space<vmem>>, %arg17: memref<2x!tpu.dma_semaphore, #tpu.memory_space<semaphore_mem>>) attributes {dimension_semantics = [#tpu.dimension_semantics<core_parallel>, #tpu.dimension_semantics<subcore_parallel>], iteration_bounds = array<i64: 2, 16>, scalar_prefetch = 0 : i64, scratch_operands = 7 : i64, tpu.core_type = #tpu.core_type<sc_vector_subcore>, window_params = [{transform_indices = #map}, {transform_indices = #map}, {transform_indices = #map}, {transform_indices = #map}, {transform_indices = #map1}, {transform_indices = #map2}, {transform_indices = #map}, {transform_indices = #map}, {transform_indices = #map1}]} {
    %mul3A = arith.constant 2 : i32
    %mul3A_0 = arith.muli %arg1, %mul3A : i32
    %add3A = arith.addi %mul3A_0, %arg0 : i32
    %mul3A_1 = arith.constant 64 : i32
    %mul3A_2 = arith.muli %add3A, %mul3A_1 : i32
    "tpu.region"() ({
      %run_scoped3A = tpu.sem_alloc : memref<!tpu.dma_semaphore, #tpu.memory_space<semaphore_mem>>
      %dma_start3A = tpu.memref_slice %arg7[%mul3A_2] : memref<2048xi32, #tpu.memory_space<hbm>> -> memref<64xi32, #tpu.memory_space<hbm>>
      %dma_start3A_9 = tpu.memref_slice %arg7[%mul3A_2] : memref<2048xi32, #tpu.memory_space<hbm>> -> memref<64xi32, #tpu.memory_space<hbm>>
      tpu.enqueue_dma source(%dma_start3A_9 : memref<64xi32, #tpu.memory_space<hbm>>) target(%arg12 : memref<64xi32, #tpu.memory_space<vmem>>) target_semaphore(%run_scoped3A : memref<!tpu.dma_semaphore, #tpu.memory_space<semaphore_mem>>)
      %dma_wait3A = tpu.memref_slice %arg7[%mul3A_2] : memref<2048xi32, #tpu.memory_space<hbm>> -> memref<64xi32, #tpu.memory_space<hbm>>
      %dma_wait3A_10 = tpu.memref_slice %arg7[%mul3A_2] : memref<2048xi32, #tpu.memory_space<hbm>> -> memref<64xi32, #tpu.memory_space<hbm>>
      tpu.wait_dma2 semaphore(%run_scoped3A : memref<!tpu.dma_semaphore, #tpu.memory_space<semaphore_mem>>) src(%dma_wait3A_10 : memref<64xi32, #tpu.memory_space<hbm>>) dst(%arg12 : memref<64xi32, #tpu.memory_space<vmem>>)
      tpu.yield
    }) : () -> ()
    "tpu.region"() ({
      %run_scoped3A = tpu.sem_alloc : memref<!tpu.dma_semaphore, #tpu.memory_space<semaphore_mem>>
      %dma_start3A = arith.constant 0 : i32
      %dma_start3A_9 = tpu.memref_slice %arg8[%mul3A_2, %dma_start3A] : memref<2048x8xf32, #tpu.memory_space<hbm>> -> memref<64x8xf32, #tpu.memory_space<hbm>>
      %dma_start3A_10 = arith.constant 0 : i32
      %dma_start3A_11 = tpu.memref_slice %arg8[%mul3A_2, %dma_start3A_10] : memref<2048x8xf32, #tpu.memory_space<hbm>> -> memref<64x8xf32, #tpu.memory_space<hbm>>
      tpu.enqueue_dma source(%dma_start3A_11 : memref<64x8xf32, #tpu.memory_space<hbm>>) target(%arg13 : memref<64x8xf32, #tpu.memory_space<vmem>>) target_semaphore(%run_scoped3A : memref<!tpu.dma_semaphore, #tpu.memory_space<semaphore_mem>>)
      %dma_wait3A = arith.constant 0 : i32
      %dma_wait3A_12 = tpu.memref_slice %arg8[%mul3A_2, %dma_wait3A] : memref<2048x8xf32, #tpu.memory_space<hbm>> -> memref<64x8xf32, #tpu.memory_space<hbm>>
      %dma_wait3A_13 = arith.constant 0 : i32
      %dma_wait3A_14 = tpu.memref_slice %arg8[%mul3A_2, %dma_wait3A_13] : memref<2048x8xf32, #tpu.memory_space<hbm>> -> memref<64x8xf32, #tpu.memory_space<hbm>>
      tpu.wait_dma2 semaphore(%run_scoped3A : memref<!tpu.dma_semaphore, #tpu.memory_space<semaphore_mem>>) src(%dma_wait3A_14 : memref<64x8xf32, #tpu.memory_space<hbm>>) dst(%arg13 : memref<64x8xf32, #tpu.memory_space<vmem>>)
      tpu.yield
    }) : () -> ()
    "tpu.region"() ({
      %run_scoped3A = tpu.sem_alloc : memref<!tpu.dma_semaphore, #tpu.memory_space<semaphore_mem>>
      %dma_start3A = arith.constant 0 : i32
      %dma_start3A_9 = tpu.memref_slice %arg9[%mul3A_2, %dma_start3A] : memref<2048x8xf32, #tpu.memory_space<hbm>> -> memref<64x8xf32, #tpu.memory_space<hbm>>
      %dma_start3A_10 = arith.constant 0 : i32
      %dma_start3A_11 = tpu.memref_slice %arg9[%mul3A_2, %dma_start3A_10] : memref<2048x8xf32, #tpu.memory_space<hbm>> -> memref<64x8xf32, #tpu.memory_space<hbm>>
      tpu.enqueue_dma source(%dma_start3A_11 : memref<64x8xf32, #tpu.memory_space<hbm>>) target(%arg14 : memref<64x8xf32, #tpu.memory_space<vmem>>) target_semaphore(%run_scoped3A : memref<!tpu.dma_semaphore, #tpu.memory_space<semaphore_mem>>)
      %dma_wait3A = arith.constant 0 : i32
      %dma_wait3A_12 = tpu.memref_slice %arg9[%mul3A_2, %dma_wait3A] : memref<2048x8xf32, #tpu.memory_space<hbm>> -> memref<64x8xf32, #tpu.memory_space<hbm>>
      %dma_wait3A_13 = arith.constant 0 : i32
      %dma_wait3A_14 = tpu.memref_slice %arg9[%mul3A_2, %dma_wait3A_13] : memref<2048x8xf32, #tpu.memory_space<hbm>> -> memref<64x8xf32, #tpu.memory_space<hbm>>
      tpu.wait_dma2 semaphore(%run_scoped3A : memref<!tpu.dma_semaphore, #tpu.memory_space<semaphore_mem>>) src(%dma_wait3A_14 : memref<64x8xf32, #tpu.memory_space<hbm>>) dst(%arg14 : memref<64x8xf32, #tpu.memory_space<vmem>>)
      tpu.yield
    }) : () -> ()
    "tpu.region"() ({
      %run_scoped3A = tpu.sem_alloc : memref<!tpu.dma_semaphore, #tpu.memory_space<semaphore_mem>>
      %dma_start3A = arith.constant 0 : i32
      %dma_start3A_9 = arith.constant 0 : i32
      %dma_start3A_10 = tpu.memref_slice %arg6[%mul3A_2, %dma_start3A, %dma_start3A_9] : memref<2048x2x104xi32, #tpu.memory_space<hbm>> -> memref<64x2x104xi32, #tpu.memory_space<hbm>>
      %dma_start3A_11 = arith.constant 0 : i32
      %dma_start3A_12 = arith.constant 0 : i32
      %dma_start3A_13 = tpu.memref_slice %arg6[%mul3A_2, %dma_start3A_11, %dma_start3A_12] : memref<2048x2x104xi32, #tpu.memory_space<hbm>> -> memref<64x2x104xi32, #tpu.memory_space<hbm>>
      tpu.enqueue_dma source(%dma_start3A_13 : memref<64x2x104xi32, #tpu.memory_space<hbm>>) target(%arg11 : memref<64x2x104xi32, #tpu.memory_space<vmem>>) target_semaphore(%run_scoped3A : memref<!tpu.dma_semaphore, #tpu.memory_space<semaphore_mem>>)
      %dma_wait3A = arith.constant 0 : i32
      %dma_wait3A_14 = arith.constant 0 : i32
      %dma_wait3A_15 = tpu.memref_slice %arg6[%mul3A_2, %dma_wait3A, %dma_wait3A_14] : memref<2048x2x104xi32, #tpu.memory_space<hbm>> -> memref<64x2x104xi32, #tpu.memory_space<hbm>>
      %dma_wait3A_16 = arith.constant 0 : i32
      %dma_wait3A_17 = arith.constant 0 : i32
      %dma_wait3A_18 = tpu.memref_slice %arg6[%mul3A_2, %dma_wait3A_16, %dma_wait3A_17] : memref<2048x2x104xi32, #tpu.memory_space<hbm>> -> memref<64x2x104xi32, #tpu.memory_space<hbm>>
      tpu.wait_dma2 semaphore(%run_scoped3A : memref<!tpu.dma_semaphore, #tpu.memory_space<semaphore_mem>>) src(%dma_wait3A_18 : memref<64x2x104xi32, #tpu.memory_space<hbm>>) dst(%arg11 : memref<64x2x104xi32, #tpu.memory_space<vmem>>)
      tpu.yield
    }) : () -> ()
    %scan3A = arith.constant 0 : i32
    %scan3A_3 = arith.constant 0 : i32
    %scan3A_4 = arith.constant 0 : i32
    %scan3A_5 = arith.constant 64 : i32
    %scan3A_6 = arith.addi %scan3A_4, %scan3A_5 : i32
    %scan3A_7 = arith.constant 1 : i32
    scf.for %scan3A_9 = %scan3A_4 to %scan3A_6 step %scan3A_7  : i32 {
      %add3A_10 = arith.addi %mul3A_2, %scan3A_9 : i32
      %min3A = arith.constant 1999 : i32
      %min3A_11 = arith.minsi %add3A_10, %min3A : i32
      %sub3A = arith.subi %min3A_11, %mul3A_2 : i32
      %broadcast_in_dim3A = vector.broadcast %sub3A : i32 to vector<16xi32>
      %gather3A = tpu.vector_load_idx %arg12[%broadcast_in_dim3A] : memref<64xi32, #tpu.memory_space<vmem>>[vector<16xi32>], vector<16xi32>,
      %reduce_max3A = arith.constant true
      %reduce_max3A_12 = vector.broadcast %reduce_max3A : i1 to vector<16xi1>
      %reduce_max3A_13 = arith.constant -2147483648 : i32
      %reduce_max3A_14 = vector.broadcast %reduce_max3A_13 : i32 to vector<16xi32>
      %reduce_max3A_15 = arith.xori %gather3A, %reduce_max3A_14 : vector<16xi32>
      %reduce_max3A_16 = tpu.scan <max>, %reduce_max3A_15 masked %reduce_max3A_12 : vector<16xi32>, vector<16xi1> -> vector<16xi32>
      %reduce_max3A_17 = arith.xori %reduce_max3A_16, %reduce_max3A_14 : vector<16xi32>
      %reduce_max3A_18 = vector.extract %reduce_max3A_17[15] : i32 from vector<16xi32>
      %eq3A = arith.constant 2 : i32
      %eq3A_19 = arith.cmpi eq, %reduce_max3A_18, %eq3A : i32
      %convert_element_type3A = arith.extui %eq3A_19 : i1 to i32
      %cond3A = arith.constant 0 : i32
      %cond3A_20 = arith.cmpi ne, %convert_element_type3A, %cond3A : i32
      scf.if %cond3A_20 {
        %dma_start3A = arith.constant 0 : i32
        %dma_start3A_48 = arith.constant 0 : i32
        %dma_start3A_49 = arith.constant 0 : i32
        %dma_start3A_50 = arith.constant 0 : i32
        %dma_start3A_51 = tpu.memref_slice %arg15[%dma_start3A_48, %dma_start3A_49, %dma_start3A_50] : memref<2x200x256xf32, #tpu.memory_space<vmem>> -> memref<1x104x256xf32, #tpu.memory_space<vmem>>
        %dma_start3A_52 = tpu.memref_squeeze %dma_start3A_51 : memref<1x104x256xf32, #tpu.memory_space<vmem>> -> memref<104x256xf32, #tpu.memory_space<vmem>>
        %dma_start3A_53 = arith.constant 0 : i32
        %dma_start3A_54 = tpu.memref_slice %arg11[%sub3A, %dma_start3A, %dma_start3A_53] : memref<64x2x104xi32, #tpu.memory_space<vmem>> -> memref<1x1x104xi32, #tpu.memory_space<vmem>>
        %dma_start3A_55 = tpu.memref_squeeze %dma_start3A_54 : memref<1x1x104xi32, #tpu.memory_space<vmem>> -> memref<104xi32, #tpu.memory_space<vmem>>
        %dma_start3A_56 = arith.constant 0 : i32
        %dma_start3A_57 = arith.constant 0 : i32
        %dma_start3A_58 = tpu.memref_slice %arg2[%dma_start3A_56, %dma_start3A_57] : memref<131072x256xf32, #tpu.memory_space<hbm>> -> memref<131072x256xf32, #tpu.memory_space<hbm>>
        %dma_start3A_59 = tpu.memref_slice %arg17[%scan3A_3] : memref<2x!tpu.dma_semaphore, #tpu.memory_space<semaphore_mem>> -> memref<1x!tpu.dma_semaphore, #tpu.memory_space<semaphore_mem>>
        %dma_start3A_60 = tpu.memref_squeeze %dma_start3A_59 : memref<1x!tpu.dma_semaphore, #tpu.memory_space<semaphore_mem>> -> memref<!tpu.dma_semaphore, #tpu.memory_space<semaphore_mem>>
        tpu.enqueue_indirect_dma source(%dma_start3A_58 : memref<131072x256xf32, #tpu.memory_space<hbm>>) target(%dma_start3A_52 : memref<104x256xf32, #tpu.memory_space<vmem>>) offsets(%dma_start3A_55 : memref<104xi32, #tpu.memory_space<vmem>>) semaphore(%dma_start3A_60 : memref<!tpu.dma_semaphore, #tpu.memory_space<semaphore_mem>>)
        %dma_start3A_61 = arith.constant 1 : i32
        %dma_start3A_62 = arith.constant 0 : i32
        %dma_start3A_63 = arith.constant 104 : i32
        %dma_start3A_64 = arith.constant 0 : i32
        %dma_start3A_65 = tpu.memref_slice %arg15[%dma_start3A_62, %dma_start3A_63, %dma_start3A_64] : memref<2x200x256xf32, #tpu.memory_space<vmem>> -> memref<1x96x256xf32, #tpu.memory_space<vmem>>
        %dma_start3A_66 = tpu.memref_squeeze %dma_start3A_65 : memref<1x96x256xf32, #tpu.memory_space<vmem>> -> memref<96x256xf32, #tpu.memory_space<vmem>>
        %dma_start3A_67 = arith.constant 0 : i32
        %dma_start3A_68 = tpu.memref_slice %arg11[%sub3A, %dma_start3A_61, %dma_start3A_67] : memref<64x2x104xi32, #tpu.memory_space<vmem>> -> memref<1x1x96xi32, #tpu.memory_space<vmem>>
        %dma_start3A_69 = tpu.memref_squeeze %dma_start3A_68 : memref<1x1x96xi32, #tpu.memory_space<vmem>> -> memref<96xi32, #tpu.memory_space<vmem>>
        %dma_start3A_70 = arith.constant 0 : i32
        %dma_start3A_71 = arith.constant 0 : i32
        %dma_start3A_72 = tpu.memref_slice %arg2[%dma_start3A_70, %dma_start3A_71] : memref<131072x256xf32, #tpu.memory_space<hbm>> -> memref<131072x256xf32, #tpu.memory_space<hbm>>
        %dma_start3A_73 = tpu.memref_slice %arg17[%scan3A_3] : memref<2x!tpu.dma_semaphore, #tpu.memory_space<semaphore_mem>> -> memref<1x!tpu.dma_semaphore, #tpu.memory_space<semaphore_mem>>
        %dma_start3A_74 = tpu.memref_squeeze %dma_start3A_73 : memref<1x!tpu.dma_semaphore, #tpu.memory_space<semaphore_mem>> -> memref<!tpu.dma_semaphore, #tpu.memory_space<semaphore_mem>>
        tpu.enqueue_indirect_dma source(%dma_start3A_72 : memref<131072x256xf32, #tpu.memory_space<hbm>>) target(%dma_start3A_66 : memref<96x256xf32, #tpu.memory_space<vmem>>) offsets(%dma_start3A_69 : memref<96xi32, #tpu.memory_space<vmem>>) semaphore(%dma_start3A_74 : memref<!tpu.dma_semaphore, #tpu.memory_space<semaphore_mem>>)
        %dma_wait3A = arith.constant 0 : i32
        %dma_wait3A_75 = arith.constant 0 : i32
        %dma_wait3A_76 = arith.constant 0 : i32
        %dma_wait3A_77 = arith.constant 0 : i32
        %dma_wait3A_78 = tpu.memref_slice %arg15[%dma_wait3A_75, %dma_wait3A_76, %dma_wait3A_77] : memref<2x200x256xf32, #tpu.memory_space<vmem>> -> memref<1x104x256xf32, #tpu.memory_space<vmem>>
        %dma_wait3A_79 = tpu.memref_squeeze %dma_wait3A_78 : memref<1x104x256xf32, #tpu.memory_space<vmem>> -> memref<104x256xf32, #tpu.memory_space<vmem>>
        %dma_wait3A_80 = arith.constant 0 : i32
        %dma_wait3A_81 = tpu.memref_slice %arg11[%sub3A, %dma_wait3A, %dma_wait3A_80] : memref<64x2x104xi32, #tpu.memory_space<vmem>> -> memref<1x1x104xi32, #tpu.memory_space<vmem>>
        %dma_wait3A_82 = tpu.memref_squeeze %dma_wait3A_81 : memref<1x1x104xi32, #tpu.memory_space<vmem>> -> memref<104xi32, #tpu.memory_space<vmem>>
        %dma_wait3A_83 = arith.constant 0 : i32
        %dma_wait3A_84 = arith.constant 0 : i32
        %dma_wait3A_85 = tpu.memref_slice %arg2[%dma_wait3A_83, %dma_wait3A_84] : memref<131072x256xf32, #tpu.memory_space<hbm>> -> memref<131072x256xf32, #tpu.memory_space<hbm>>
        %dma_wait3A_86 = tpu.memref_slice %arg17[%scan3A_3] : memref<2x!tpu.dma_semaphore, #tpu.memory_space<semaphore_mem>> -> memref<1x!tpu.dma_semaphore, #tpu.memory_space<semaphore_mem>>
        %dma_wait3A_87 = tpu.memref_squeeze %dma_wait3A_86 : memref<1x!tpu.dma_semaphore, #tpu.memory_space<semaphore_mem>> -> memref<!tpu.dma_semaphore, #tpu.memory_space<semaphore_mem>>
        tpu.wait_indirect_dma semaphore(%dma_wait3A_87 : memref<!tpu.dma_semaphore, #tpu.memory_space<semaphore_mem>>) src(%dma_wait3A_85 : memref<131072x256xf32, #tpu.memory_space<hbm>>) dst(%dma_wait3A_79 : memref<104x256xf32, #tpu.memory_space<vmem>>)
        %dma_wait3A_88 = arith.constant 1 : i32
        %dma_wait3A_89 = arith.constant 0 : i32
        %dma_wait3A_90 = arith.constant 104 : i32
        %dma_wait3A_91 = arith.constant 0 : i32
        %dma_wait3A_92 = tpu.memref_slice %arg15[%dma_wait3A_89, %dma_wait3A_90, %dma_wait3A_91] : memref<2x200x256xf32, #tpu.memory_space<vmem>> -> memref<1x96x256xf32, #tpu.memory_space<vmem>>
        %dma_wait3A_93 = tpu.memref_squeeze %dma_wait3A_92 : memref<1x96x256xf32, #tpu.memory_space<vmem>> -> memref<96x256xf32, #tpu.memory_space<vmem>>
        %dma_wait3A_94 = arith.constant 0 : i32
        %dma_wait3A_95 = tpu.memref_slice %arg11[%sub3A, %dma_wait3A_88, %dma_wait3A_94] : memref<64x2x104xi32, #tpu.memory_space<vmem>> -> memref<1x1x96xi32, #tpu.memory_space<vmem>>
        %dma_wait3A_96 = tpu.memref_squeeze %dma_wait3A_95 : memref<1x1x96xi32, #tpu.memory_space<vmem>> -> memref<96xi32, #tpu.memory_space<vmem>>
        %dma_wait3A_97 = arith.constant 0 : i32
        %dma_wait3A_98 = arith.constant 0 : i32
        %dma_wait3A_99 = tpu.memref_slice %arg2[%dma_wait3A_97, %dma_wait3A_98] : memref<131072x256xf32, #tpu.memory_space<hbm>> -> memref<131072x256xf32, #tpu.memory_space<hbm>>
        %dma_wait3A_100 = tpu.memref_slice %arg17[%scan3A_3] : memref<2x!tpu.dma_semaphore, #tpu.memory_space<semaphore_mem>> -> memref<1x!tpu.dma_semaphore, #tpu.memory_space<semaphore_mem>>
        %dma_wait3A_101 = tpu.memref_squeeze %dma_wait3A_100 : memref<1x!tpu.dma_semaphore, #tpu.memory_space<semaphore_mem>> -> memref<!tpu.dma_semaphore, #tpu.memory_space<semaphore_mem>>
        tpu.wait_indirect_dma semaphore(%dma_wait3A_101 : memref<!tpu.dma_semaphore, #tpu.memory_space<semaphore_mem>>) src(%dma_wait3A_99 : memref<131072x256xf32, #tpu.memory_space<hbm>>) dst(%dma_wait3A_93 : memref<96x256xf32, #tpu.memory_space<vmem>>)
      } else {
      }
      %eq3A_21 = arith.constant 3 : i32
      %eq3A_22 = arith.cmpi eq, %reduce_max3A_18, %eq3A_21 : i32
      %convert_element_type3A_23 = arith.extui %eq3A_22 : i1 to i32
      %cond3A_24 = arith.constant 0 : i32
      %cond3A_25 = arith.cmpi ne, %convert_element_type3A_23, %cond3A_24 : i32
      scf.if %cond3A_25 {
        %dma_start3A = arith.constant 0 : i32
        %dma_start3A_48 = arith.constant 0 : i32
        %dma_start3A_49 = arith.constant 0 : i32
        %dma_start3A_50 = arith.constant 0 : i32
        %dma_start3A_51 = tpu.memref_slice %arg15[%dma_start3A_48, %dma_start3A_49, %dma_start3A_50] : memref<2x200x256xf32, #tpu.memory_space<vmem>> -> memref<1x104x256xf32, #tpu.memory_space<vmem>>
        %dma_start3A_52 = tpu.memref_squeeze %dma_start3A_51 : memref<1x104x256xf32, #tpu.memory_space<vmem>> -> memref<104x256xf32, #tpu.memory_space<vmem>>
        %dma_start3A_53 = arith.constant 0 : i32
        %dma_start3A_54 = tpu.memref_slice %arg11[%sub3A, %dma_start3A, %dma_start3A_53] : memref<64x2x104xi32, #tpu.memory_space<vmem>> -> memref<1x1x104xi32, #tpu.memory_space<vmem>>
        %dma_start3A_55 = tpu.memref_squeeze %dma_start3A_54 : memref<1x1x104xi32, #tpu.memory_space<vmem>> -> memref<104xi32, #tpu.memory_space<vmem>>
        %dma_start3A_56 = arith.constant 0 : i32
        %dma_start3A_57 = arith.constant 0 : i32
        %dma_start3A_58 = tpu.memref_slice %arg3[%dma_start3A_56, %dma_start3A_57] : memref<32768x256xf32, #tpu.memory_space<hbm>> -> memref<32768x256xf32, #tpu.memory_space<hbm>>
        %dma_start3A_59 = tpu.memref_slice %arg17[%scan3A_3] : memref<2x!tpu.dma_semaphore, #tpu.memory_space<semaphore_mem>> -> memref<1x!tpu.dma_semaphore, #tpu.memory_space<semaphore_mem>>
        %dma_start3A_60 = tpu.memref_squeeze %dma_start3A_59 : memref<1x!tpu.dma_semaphore, #tpu.memory_space<semaphore_mem>> -> memref<!tpu.dma_semaphore, #tpu.memory_space<semaphore_mem>>
        tpu.enqueue_indirect_dma source(%dma_start3A_58 : memref<32768x256xf32, #tpu.memory_space<hbm>>) target(%dma_start3A_52 : memref<104x256xf32, #tpu.memory_space<vmem>>) offsets(%dma_start3A_55 : memref<104xi32, #tpu.memory_space<vmem>>) semaphore(%dma_start3A_60 : memref<!tpu.dma_semaphore, #tpu.memory_space<semaphore_mem>>)
        %dma_start3A_61 = arith.constant 1 : i32
        %dma_start3A_62 = arith.constant 0 : i32
        %dma_start3A_63 = arith.constant 104 : i32
        %dma_start3A_64 = arith.constant 0 : i32
        %dma_start3A_65 = tpu.memref_slice %arg15[%dma_start3A_62, %dma_start3A_63, %dma_start3A_64] : memref<2x200x256xf32, #tpu.memory_space<vmem>> -> memref<1x96x256xf32, #tpu.memory_space<vmem>>
        %dma_start3A_66 = tpu.memref_squeeze %dma_start3A_65 : memref<1x96x256xf32, #tpu.memory_space<vmem>> -> memref<96x256xf32, #tpu.memory_space<vmem>>
        %dma_start3A_67 = arith.constant 0 : i32
        %dma_start3A_68 = tpu.memref_slice %arg11[%sub3A, %dma_start3A_61, %dma_start3A_67] : memref<64x2x104xi32, #tpu.memory_space<vmem>> -> memref<1x1x96xi32, #tpu.memory_space<vmem>>
        %dma_start3A_69 = tpu.memref_squeeze %dma_start3A_68 : memref<1x1x96xi32, #tpu.memory_space<vmem>> -> memref<96xi32, #tpu.memory_space<vmem>>
        %dma_start3A_70 = arith.constant 0 : i32
        %dma_start3A_71 = arith.constant 0 : i32
        %dma_start3A_72 = tpu.memref_slice %arg3[%dma_start3A_70, %dma_start3A_71] : memref<32768x256xf32, #tpu.memory_space<hbm>> -> memref<32768x256xf32, #tpu.memory_space<hbm>>
        %dma_start3A_73 = tpu.memref_slice %arg17[%scan3A_3] : memref<2x!tpu.dma_semaphore, #tpu.memory_space<semaphore_mem>> -> memref<1x!tpu.dma_semaphore, #tpu.memory_space<semaphore_mem>>
        %dma_start3A_74 = tpu.memref_squeeze %dma_start3A_73 : memref<1x!tpu.dma_semaphore, #tpu.memory_space<semaphore_mem>> -> memref<!tpu.dma_semaphore, #tpu.memory_space<semaphore_mem>>
        tpu.enqueue_indirect_dma source(%dma_start3A_72 : memref<32768x256xf32, #tpu.memory_space<hbm>>) target(%dma_start3A_66 : memref<96x256xf32, #tpu.memory_space<vmem>>) offsets(%dma_start3A_69 : memref<96xi32, #tpu.memory_space<vmem>>) semaphore(%dma_start3A_74 : memref<!tpu.dma_semaphore, #tpu.memory_space<semaphore_mem>>)
        %dma_wait3A = arith.constant 0 : i32
        %dma_wait3A_75 = arith.constant 0 : i32
        %dma_wait3A_76 = arith.constant 0 : i32
        %dma_wait3A_77 = arith.constant 0 : i32
        %dma_wait3A_78 = tpu.memref_slice %arg15[%dma_wait3A_75, %dma_wait3A_76, %dma_wait3A_77] : memref<2x200x256xf32, #tpu.memory_space<vmem>> -> memref<1x104x256xf32, #tpu.memory_space<vmem>>
        %dma_wait3A_79 = tpu.memref_squeeze %dma_wait3A_78 : memref<1x104x256xf32, #tpu.memory_space<vmem>> -> memref<104x256xf32, #tpu.memory_space<vmem>>
        %dma_wait3A_80 = arith.constant 0 : i32
        %dma_wait3A_81 = tpu.memref_slice %arg11[%sub3A, %dma_wait3A, %dma_wait3A_80] : memref<64x2x104xi32, #tpu.memory_space<vmem>> -> memref<1x1x104xi32, #tpu.memory_space<vmem>>
        %dma_wait3A_82 = tpu.memref_squeeze %dma_wait3A_81 : memref<1x1x104xi32, #tpu.memory_space<vmem>> -> memref<104xi32, #tpu.memory_space<vmem>>
        %dma_wait3A_83 = arith.constant 0 : i32
        %dma_wait3A_84 = arith.constant 0 : i32
        %dma_wait3A_85 = tpu.memref_slice %arg3[%dma_wait3A_83, %dma_wait3A_84] : memref<32768x256xf32, #tpu.memory_space<hbm>> -> memref<32768x256xf32, #tpu.memory_space<hbm>>
        %dma_wait3A_86 = tpu.memref_slice %arg17[%scan3A_3] : memref<2x!tpu.dma_semaphore, #tpu.memory_space<semaphore_mem>> -> memref<1x!tpu.dma_semaphore, #tpu.memory_space<semaphore_mem>>
        %dma_wait3A_87 = tpu.memref_squeeze %dma_wait3A_86 : memref<1x!tpu.dma_semaphore, #tpu.memory_space<semaphore_mem>> -> memref<!tpu.dma_semaphore, #tpu.memory_space<semaphore_mem>>
        tpu.wait_indirect_dma semaphore(%dma_wait3A_87 : memref<!tpu.dma_semaphore, #tpu.memory_space<semaphore_mem>>) src(%dma_wait3A_85 : memref<32768x256xf32, #tpu.memory_space<hbm>>) dst(%dma_wait3A_79 : memref<104x256xf32, #tpu.memory_space<vmem>>)
        %dma_wait3A_88 = arith.constant 1 : i32
        %dma_wait3A_89 = arith.constant 0 : i32
        %dma_wait3A_90 = arith.constant 104 : i32
        %dma_wait3A_91 = arith.constant 0 : i32
        %dma_wait3A_92 = tpu.memref_slice %arg15[%dma_wait3A_89, %dma_wait3A_90, %dma_wait3A_91] : memref<2x200x256xf32, #tpu.memory_space<vmem>> -> memref<1x96x256xf32, #tpu.memory_space<vmem>>
        %dma_wait3A_93 = tpu.memref_squeeze %dma_wait3A_92 : memref<1x96x256xf32, #tpu.memory_space<vmem>> -> memref<96x256xf32, #tpu.memory_space<vmem>>
        %dma_wait3A_94 = arith.constant 0 : i32
        %dma_wait3A_95 = tpu.memref_slice %arg11[%sub3A, %dma_wait3A_88, %dma_wait3A_94] : memref<64x2x104xi32, #tpu.memory_space<vmem>> -> memref<1x1x96xi32, #tpu.memory_space<vmem>>
        %dma_wait3A_96 = tpu.memref_squeeze %dma_wait3A_95 : memref<1x1x96xi32, #tpu.memory_space<vmem>> -> memref<96xi32, #tpu.memory_space<vmem>>
        %dma_wait3A_97 = arith.constant 0 : i32
        %dma_wait3A_98 = arith.constant 0 : i32
        %dma_wait3A_99 = tpu.memref_slice %arg3[%dma_wait3A_97, %dma_wait3A_98] : memref<32768x256xf32, #tpu.memory_space<hbm>> -> memref<32768x256xf32, #tpu.memory_space<hbm>>
        %dma_wait3A_100 = tpu.memref_slice %arg17[%scan3A_3] : memref<2x!tpu.dma_semaphore, #tpu.memory_space<semaphore_mem>> -> memref<1x!tpu.dma_semaphore, #tpu.memory_space<semaphore_mem>>
        %dma_wait3A_101 = tpu.memref_squeeze %dma_wait3A_100 : memref<1x!tpu.dma_semaphore, #tpu.memory_space<semaphore_mem>> -> memref<!tpu.dma_semaphore, #tpu.memory_space<semaphore_mem>>
        tpu.wait_indirect_dma semaphore(%dma_wait3A_101 : memref<!tpu.dma_semaphore, #tpu.memory_space<semaphore_mem>>) src(%dma_wait3A_99 : memref<32768x256xf32, #tpu.memory_space<hbm>>) dst(%dma_wait3A_93 : memref<96x256xf32, #tpu.memory_space<vmem>>)
      } else {
      }
      %eq3A_26 = arith.constant 4 : i32
      %eq3A_27 = arith.cmpi eq, %reduce_max3A_18, %eq3A_26 : i32
      %convert_element_type3A_28 = arith.extui %eq3A_27 : i1 to i32
      %cond3A_29 = arith.constant 0 : i32
      %cond3A_30 = arith.cmpi ne, %convert_element_type3A_28, %cond3A_29 : i32
      scf.if %cond3A_30 {
        %dma_start3A = arith.constant 0 : i32
        %dma_start3A_48 = arith.constant 0 : i32
        %dma_start3A_49 = arith.constant 0 : i32
        %dma_start3A_50 = arith.constant 0 : i32
        %dma_start3A_51 = tpu.memref_slice %arg15[%dma_start3A_48, %dma_start3A_49, %dma_start3A_50] : memref<2x200x256xf32, #tpu.memory_space<vmem>> -> memref<1x104x256xf32, #tpu.memory_space<vmem>>
        %dma_start3A_52 = tpu.memref_squeeze %dma_start3A_51 : memref<1x104x256xf32, #tpu.memory_space<vmem>> -> memref<104x256xf32, #tpu.memory_space<vmem>>
        %dma_start3A_53 = arith.constant 0 : i32
        %dma_start3A_54 = tpu.memref_slice %arg11[%sub3A, %dma_start3A, %dma_start3A_53] : memref<64x2x104xi32, #tpu.memory_space<vmem>> -> memref<1x1x104xi32, #tpu.memory_space<vmem>>
        %dma_start3A_55 = tpu.memref_squeeze %dma_start3A_54 : memref<1x1x104xi32, #tpu.memory_space<vmem>> -> memref<104xi32, #tpu.memory_space<vmem>>
        %dma_start3A_56 = arith.constant 0 : i32
        %dma_start3A_57 = arith.constant 0 : i32
        %dma_start3A_58 = tpu.memref_slice %arg4[%dma_start3A_56, %dma_start3A_57] : memref<8192x256xf32, #tpu.memory_space<hbm>> -> memref<8192x256xf32, #tpu.memory_space<hbm>>
        %dma_start3A_59 = tpu.memref_slice %arg17[%scan3A_3] : memref<2x!tpu.dma_semaphore, #tpu.memory_space<semaphore_mem>> -> memref<1x!tpu.dma_semaphore, #tpu.memory_space<semaphore_mem>>
        %dma_start3A_60 = tpu.memref_squeeze %dma_start3A_59 : memref<1x!tpu.dma_semaphore, #tpu.memory_space<semaphore_mem>> -> memref<!tpu.dma_semaphore, #tpu.memory_space<semaphore_mem>>
        tpu.enqueue_indirect_dma source(%dma_start3A_58 : memref<8192x256xf32, #tpu.memory_space<hbm>>) target(%dma_start3A_52 : memref<104x256xf32, #tpu.memory_space<vmem>>) offsets(%dma_start3A_55 : memref<104xi32, #tpu.memory_space<vmem>>) semaphore(%dma_start3A_60 : memref<!tpu.dma_semaphore, #tpu.memory_space<semaphore_mem>>)
        %dma_start3A_61 = arith.constant 1 : i32
        %dma_start3A_62 = arith.constant 0 : i32
        %dma_start3A_63 = arith.constant 104 : i32
        %dma_start3A_64 = arith.constant 0 : i32
        %dma_start3A_65 = tpu.memref_slice %arg15[%dma_start3A_62, %dma_start3A_63, %dma_start3A_64] : memref<2x200x256xf32, #tpu.memory_space<vmem>> -> memref<1x96x256xf32, #tpu.memory_space<vmem>>
        %dma_start3A_66 = tpu.memref_squeeze %dma_start3A_65 : memref<1x96x256xf32, #tpu.memory_space<vmem>> -> memref<96x256xf32, #tpu.memory_space<vmem>>
        %dma_start3A_67 = arith.constant 0 : i32
        %dma_start3A_68 = tpu.memref_slice %arg11[%sub3A, %dma_start3A_61, %dma_start3A_67] : memref<64x2x104xi32, #tpu.memory_space<vmem>> -> memref<1x1x96xi32, #tpu.memory_space<vmem>>
        %dma_start3A_69 = tpu.memref_squeeze %dma_start3A_68 : memref<1x1x96xi32, #tpu.memory_space<vmem>> -> memref<96xi32, #tpu.memory_space<vmem>>
        %dma_start3A_70 = arith.constant 0 : i32
        %dma_start3A_71 = arith.constant 0 : i32
        %dma_start3A_72 = tpu.memref_slice %arg4[%dma_start3A_70, %dma_start3A_71] : memref<8192x256xf32, #tpu.memory_space<hbm>> -> memref<8192x256xf32, #tpu.memory_space<hbm>>
        %dma_start3A_73 = tpu.memref_slice %arg17[%scan3A_3] : memref<2x!tpu.dma_semaphore, #tpu.memory_space<semaphore_mem>> -> memref<1x!tpu.dma_semaphore, #tpu.memory_space<semaphore_mem>>
        %dma_start3A_74 = tpu.memref_squeeze %dma_start3A_73 : memref<1x!tpu.dma_semaphore, #tpu.memory_space<semaphore_mem>> -> memref<!tpu.dma_semaphore, #tpu.memory_space<semaphore_mem>>
        tpu.enqueue_indirect_dma source(%dma_start3A_72 : memref<8192x256xf32, #tpu.memory_space<hbm>>) target(%dma_start3A_66 : memref<96x256xf32, #tpu.memory_space<vmem>>) offsets(%dma_start3A_69 : memref<96xi32, #tpu.memory_space<vmem>>) semaphore(%dma_start3A_74 : memref<!tpu.dma_semaphore, #tpu.memory_space<semaphore_mem>>)
        %dma_wait3A = arith.constant 0 : i32
        %dma_wait3A_75 = arith.constant 0 : i32
        %dma_wait3A_76 = arith.constant 0 : i32
        %dma_wait3A_77 = arith.constant 0 : i32
        %dma_wait3A_78 = tpu.memref_slice %arg15[%dma_wait3A_75, %dma_wait3A_76, %dma_wait3A_77] : memref<2x200x256xf32, #tpu.memory_space<vmem>> -> memref<1x104x256xf32, #tpu.memory_space<vmem>>
        %dma_wait3A_79 = tpu.memref_squeeze %dma_wait3A_78 : memref<1x104x256xf32, #tpu.memory_space<vmem>> -> memref<104x256xf32, #tpu.memory_space<vmem>>
        %dma_wait3A_80 = arith.constant 0 : i32
        %dma_wait3A_81 = tpu.memref_slice %arg11[%sub3A, %dma_wait3A, %dma_wait3A_80] : memref<64x2x104xi32, #tpu.memory_space<vmem>> -> memref<1x1x104xi32, #tpu.memory_space<vmem>>
        %dma_wait3A_82 = tpu.memref_squeeze %dma_wait3A_81 : memref<1x1x104xi32, #tpu.memory_space<vmem>> -> memref<104xi32, #tpu.memory_space<vmem>>
        %dma_wait3A_83 = arith.constant 0 : i32
        %dma_wait3A_84 = arith.constant 0 : i32
        %dma_wait3A_85 = tpu.memref_slice %arg4[%dma_wait3A_83, %dma_wait3A_84] : memref<8192x256xf32, #tpu.memory_space<hbm>> -> memref<8192x256xf32, #tpu.memory_space<hbm>>
        %dma_wait3A_86 = tpu.memref_slice %arg17[%scan3A_3] : memref<2x!tpu.dma_semaphore, #tpu.memory_space<semaphore_mem>> -> memref<1x!tpu.dma_semaphore, #tpu.memory_space<semaphore_mem>>
        %dma_wait3A_87 = tpu.memref_squeeze %dma_wait3A_86 : memref<1x!tpu.dma_semaphore, #tpu.memory_space<semaphore_mem>> -> memref<!tpu.dma_semaphore, #tpu.memory_space<semaphore_mem>>
        tpu.wait_indirect_dma semaphore(%dma_wait3A_87 : memref<!tpu.dma_semaphore, #tpu.memory_space<semaphore_mem>>) src(%dma_wait3A_85 : memref<8192x256xf32, #tpu.memory_space<hbm>>) dst(%dma_wait3A_79 : memref<104x256xf32, #tpu.memory_space<vmem>>)
        %dma_wait3A_88 = arith.constant 1 : i32
        %dma_wait3A_89 = arith.constant 0 : i32
        %dma_wait3A_90 = arith.constant 104 : i32
        %dma_wait3A_91 = arith.constant 0 : i32
        %dma_wait3A_92 = tpu.memref_slice %arg15[%dma_wait3A_89, %dma_wait3A_90, %dma_wait3A_91] : memref<2x200x256xf32, #tpu.memory_space<vmem>> -> memref<1x96x256xf32, #tpu.memory_space<vmem>>
        %dma_wait3A_93 = tpu.memref_squeeze %dma_wait3A_92 : memref<1x96x256xf32, #tpu.memory_space<vmem>> -> memref<96x256xf32, #tpu.memory_space<vmem>>
        %dma_wait3A_94 = arith.constant 0 : i32
        %dma_wait3A_95 = tpu.memref_slice %arg11[%sub3A, %dma_wait3A_88, %dma_wait3A_94] : memref<64x2x104xi32, #tpu.memory_space<vmem>> -> memref<1x1x96xi32, #tpu.memory_space<vmem>>
        %dma_wait3A_96 = tpu.memref_squeeze %dma_wait3A_95 : memref<1x1x96xi32, #tpu.memory_space<vmem>> -> memref<96xi32, #tpu.memory_space<vmem>>
        %dma_wait3A_97 = arith.constant 0 : i32
        %dma_wait3A_98 = arith.constant 0 : i32
        %dma_wait3A_99 = tpu.memref_slice %arg4[%dma_wait3A_97, %dma_wait3A_98] : memref<8192x256xf32, #tpu.memory_space<hbm>> -> memref<8192x256xf32, #tpu.memory_space<hbm>>
        %dma_wait3A_100 = tpu.memref_slice %arg17[%scan3A_3] : memref<2x!tpu.dma_semaphore, #tpu.memory_space<semaphore_mem>> -> memref<1x!tpu.dma_semaphore, #tpu.memory_space<semaphore_mem>>
        %dma_wait3A_101 = tpu.memref_squeeze %dma_wait3A_100 : memref<1x!tpu.dma_semaphore, #tpu.memory_space<semaphore_mem>> -> memref<!tpu.dma_semaphore, #tpu.memory_space<semaphore_mem>>
        tpu.wait_indirect_dma semaphore(%dma_wait3A_101 : memref<!tpu.dma_semaphore, #tpu.memory_space<semaphore_mem>>) src(%dma_wait3A_99 : memref<8192x256xf32, #tpu.memory_space<hbm>>) dst(%dma_wait3A_93 : memref<96x256xf32, #tpu.memory_space<vmem>>)
      } else {
      }
      %eq3A_31 = arith.constant 5 : i32
      %eq3A_32 = arith.cmpi eq, %reduce_max3A_18, %eq3A_31 : i32
      %convert_element_type3A_33 = arith.extui %eq3A_32 : i1 to i32
      %cond3A_34 = arith.constant 0 : i32
      %cond3A_35 = arith.cmpi ne, %convert_element_type3A_33, %cond3A_34 : i32
      scf.if %cond3A_35 {
        %dma_start3A = arith.constant 0 : i32
        %dma_start3A_48 = arith.constant 0 : i32
        %dma_start3A_49 = arith.constant 0 : i32
        %dma_start3A_50 = arith.constant 0 : i32
        %dma_start3A_51 = tpu.memref_slice %arg15[%dma_start3A_48, %dma_start3A_49, %dma_start3A_50] : memref<2x200x256xf32, #tpu.memory_space<vmem>> -> memref<1x104x256xf32, #tpu.memory_space<vmem>>
        %dma_start3A_52 = tpu.memref_squeeze %dma_start3A_51 : memref<1x104x256xf32, #tpu.memory_space<vmem>> -> memref<104x256xf32, #tpu.memory_space<vmem>>
        %dma_start3A_53 = arith.constant 0 : i32
        %dma_start3A_54 = tpu.memref_slice %arg11[%sub3A, %dma_start3A, %dma_start3A_53] : memref<64x2x104xi32, #tpu.memory_space<vmem>> -> memref<1x1x104xi32, #tpu.memory_space<vmem>>
        %dma_start3A_55 = tpu.memref_squeeze %dma_start3A_54 : memref<1x1x104xi32, #tpu.memory_space<vmem>> -> memref<104xi32, #tpu.memory_space<vmem>>
        %dma_start3A_56 = arith.constant 0 : i32
        %dma_start3A_57 = arith.constant 0 : i32
        %dma_start3A_58 = tpu.memref_slice %arg5[%dma_start3A_56, %dma_start3A_57] : memref<2048x256xf32, #tpu.memory_space<hbm>> -> memref<2048x256xf32, #tpu.memory_space<hbm>>
        %dma_start3A_59 = tpu.memref_slice %arg17[%scan3A_3] : memref<2x!tpu.dma_semaphore, #tpu.memory_space<semaphore_mem>> -> memref<1x!tpu.dma_semaphore, #tpu.memory_space<semaphore_mem>>
        %dma_start3A_60 = tpu.memref_squeeze %dma_start3A_59 : memref<1x!tpu.dma_semaphore, #tpu.memory_space<semaphore_mem>> -> memref<!tpu.dma_semaphore, #tpu.memory_space<semaphore_mem>>
        tpu.enqueue_indirect_dma source(%dma_start3A_58 : memref<2048x256xf32, #tpu.memory_space<hbm>>) target(%dma_start3A_52 : memref<104x256xf32, #tpu.memory_space<vmem>>) offsets(%dma_start3A_55 : memref<104xi32, #tpu.memory_space<vmem>>) semaphore(%dma_start3A_60 : memref<!tpu.dma_semaphore, #tpu.memory_space<semaphore_mem>>)
        %dma_start3A_61 = arith.constant 1 : i32
        %dma_start3A_62 = arith.constant 0 : i32
        %dma_start3A_63 = arith.constant 104 : i32
        %dma_start3A_64 = arith.constant 0 : i32
        %dma_start3A_65 = tpu.memref_slice %arg15[%dma_start3A_62, %dma_start3A_63, %dma_start3A_64] : memref<2x200x256xf32, #tpu.memory_space<vmem>> -> memref<1x96x256xf32, #tpu.memory_space<vmem>>
        %dma_start3A_66 = tpu.memref_squeeze %dma_start3A_65 : memref<1x96x256xf32, #tpu.memory_space<vmem>> -> memref<96x256xf32, #tpu.memory_space<vmem>>
        %dma_start3A_67 = arith.constant 0 : i32
        %dma_start3A_68 = tpu.memref_slice %arg11[%sub3A, %dma_start3A_61, %dma_start3A_67] : memref<64x2x104xi32, #tpu.memory_space<vmem>> -> memref<1x1x96xi32, #tpu.memory_space<vmem>>
        %dma_start3A_69 = tpu.memref_squeeze %dma_start3A_68 : memref<1x1x96xi32, #tpu.memory_space<vmem>> -> memref<96xi32, #tpu.memory_space<vmem>>
        %dma_start3A_70 = arith.constant 0 : i32
        %dma_start3A_71 = arith.constant 0 : i32
        %dma_start3A_72 = tpu.memref_slice %arg5[%dma_start3A_70, %dma_start3A_71] : memref<2048x256xf32, #tpu.memory_space<hbm>> -> memref<2048x256xf32, #tpu.memory_space<hbm>>
        %dma_start3A_73 = tpu.memref_slice %arg17[%scan3A_3] : memref<2x!tpu.dma_semaphore, #tpu.memory_space<semaphore_mem>> -> memref<1x!tpu.dma_semaphore, #tpu.memory_space<semaphore_mem>>
        %dma_start3A_74 = tpu.memref_squeeze %dma_start3A_73 : memref<1x!tpu.dma_semaphore, #tpu.memory_space<semaphore_mem>> -> memref<!tpu.dma_semaphore, #tpu.memory_space<semaphore_mem>>
        tpu.enqueue_indirect_dma source(%dma_start3A_72 : memref<2048x256xf32, #tpu.memory_space<hbm>>) target(%dma_start3A_66 : memref<96x256xf32, #tpu.memory_space<vmem>>) offsets(%dma_start3A_69 : memref<96xi32, #tpu.memory_space<vmem>>) semaphore(%dma_start3A_74 : memref<!tpu.dma_semaphore, #tpu.memory_space<semaphore_mem>>)
        %dma_wait3A = arith.constant 0 : i32
        %dma_wait3A_75 = arith.constant 0 : i32
        %dma_wait3A_76 = arith.constant 0 : i32
        %dma_wait3A_77 = arith.constant 0 : i32
        %dma_wait3A_78 = tpu.memref_slice %arg15[%dma_wait3A_75, %dma_wait3A_76, %dma_wait3A_77] : memref<2x200x256xf32, #tpu.memory_space<vmem>> -> memref<1x104x256xf32, #tpu.memory_space<vmem>>
        %dma_wait3A_79 = tpu.memref_squeeze %dma_wait3A_78 : memref<1x104x256xf32, #tpu.memory_space<vmem>> -> memref<104x256xf32, #tpu.memory_space<vmem>>
        %dma_wait3A_80 = arith.constant 0 : i32
        %dma_wait3A_81 = tpu.memref_slice %arg11[%sub3A, %dma_wait3A, %dma_wait3A_80] : memref<64x2x104xi32, #tpu.memory_space<vmem>> -> memref<1x1x104xi32, #tpu.memory_space<vmem>>
        %dma_wait3A_82 = tpu.memref_squeeze %dma_wait3A_81 : memref<1x1x104xi32, #tpu.memory_space<vmem>> -> memref<104xi32, #tpu.memory_space<vmem>>
        %dma_wait3A_83 = arith.constant 0 : i32
        %dma_wait3A_84 = arith.constant 0 : i32
        %dma_wait3A_85 = tpu.memref_slice %arg5[%dma_wait3A_83, %dma_wait3A_84] : memref<2048x256xf32, #tpu.memory_space<hbm>> -> memref<2048x256xf32, #tpu.memory_space<hbm>>
        %dma_wait3A_86 = tpu.memref_slice %arg17[%scan3A_3] : memref<2x!tpu.dma_semaphore, #tpu.memory_space<semaphore_mem>> -> memref<1x!tpu.dma_semaphore, #tpu.memory_space<semaphore_mem>>
        %dma_wait3A_87 = tpu.memref_squeeze %dma_wait3A_86 : memref<1x!tpu.dma_semaphore, #tpu.memory_space<semaphore_mem>> -> memref<!tpu.dma_semaphore, #tpu.memory_space<semaphore_mem>>
        tpu.wait_indirect_dma semaphore(%dma_wait3A_87 : memref<!tpu.dma_semaphore, #tpu.memory_space<semaphore_mem>>) src(%dma_wait3A_85 : memref<2048x256xf32, #tpu.memory_space<hbm>>) dst(%dma_wait3A_79 : memref<104x256xf32, #tpu.memory_space<vmem>>)
        %dma_wait3A_88 = arith.constant 1 : i32
        %dma_wait3A_89 = arith.constant 0 : i32
        %dma_wait3A_90 = arith.constant 104 : i32
        %dma_wait3A_91 = arith.constant 0 : i32
        %dma_wait3A_92 = tpu.memref_slice %arg15[%dma_wait3A_89, %dma_wait3A_90, %dma_wait3A_91] : memref<2x200x256xf32, #tpu.memory_space<vmem>> -> memref<1x96x256xf32, #tpu.memory_space<vmem>>
        %dma_wait3A_93 = tpu.memref_squeeze %dma_wait3A_92 : memref<1x96x256xf32, #tpu.memory_space<vmem>> -> memref<96x256xf32, #tpu.memory_space<vmem>>
        %dma_wait3A_94 = arith.constant 0 : i32
        %dma_wait3A_95 = tpu.memref_slice %arg11[%sub3A, %dma_wait3A_88, %dma_wait3A_94] : memref<64x2x104xi32, #tpu.memory_space<vmem>> -> memref<1x1x96xi32, #tpu.memory_space<vmem>>
        %dma_wait3A_96 = tpu.memref_squeeze %dma_wait3A_95 : memref<1x1x96xi32, #tpu.memory_space<vmem>> -> memref<96xi32, #tpu.memory_space<vmem>>
        %dma_wait3A_97 = arith.constant 0 : i32
        %dma_wait3A_98 = arith.constant 0 : i32
        %dma_wait3A_99 = tpu.memref_slice %arg5[%dma_wait3A_97, %dma_wait3A_98] : memref<2048x256xf32, #tpu.memory_space<hbm>> -> memref<2048x256xf32, #tpu.memory_space<hbm>>
        %dma_wait3A_100 = tpu.memref_slice %arg17[%scan3A_3] : memref<2x!tpu.dma_semaphore, #tpu.memory_space<semaphore_mem>> -> memref<1x!tpu.dma_semaphore, #tpu.memory_space<semaphore_mem>>
        %dma_wait3A_101 = tpu.memref_squeeze %dma_wait3A_100 : memref<1x!tpu.dma_semaphore, #tpu.memory_space<semaphore_mem>> -> memref<!tpu.dma_semaphore, #tpu.memory_space<semaphore_mem>>
        tpu.wait_indirect_dma semaphore(%dma_wait3A_101 : memref<!tpu.dma_semaphore, #tpu.memory_space<semaphore_mem>>) src(%dma_wait3A_99 : memref<2048x256xf32, #tpu.memory_space<hbm>>) dst(%dma_wait3A_93 : memref<96x256xf32, #tpu.memory_space<vmem>>)
      } else {
      }
      %add3A_36 = arith.addi %mul3A_2, %scan3A_9 : i32
      %min3A_37 = arith.constant 1999 : i32
      %min3A_38 = arith.minsi %add3A_36, %min3A_37 : i32
      %sub3A_39 = arith.subi %min3A_38, %mul3A_2 : i32
      %broadcast_in_dim3A_40 = vector.broadcast %sub3A_39 : i32 to vector<16xi32>
      %scan3A_41 = arith.constant 0 : i32
      %scan3A_42 = arith.constant 0 : i32
      %scan3A_43 = arith.constant 7 : i32
      %scan3A_44 = arith.addi %scan3A_42, %scan3A_43 : i32
      %scan3A_45 = arith.constant 1 : i32
      scf.for %scan3A_48 = %scan3A_42 to %scan3A_44 step %scan3A_45  : i32 {
        %broadcast_in_dim3A_49 = vector.broadcast %scan3A_48 : i32 to vector<16xi32>
        %gather3A_50 = tpu.vector_load_idx %arg13[%broadcast_in_dim3A_40, %broadcast_in_dim3A_49] : memref<64x8xf32, #tpu.memory_space<vmem>>[vector<16xi32>, vector<16xi32>], vector<16xf32>,
        %sub3A_51 = arith.constant 1.000000e+00 : f32
        %sub3A_52 = vector.broadcast %sub3A_51 : f32 to vector<16xf32>
        %sub3A_53 = arith.subf %sub3A_52, %gather3A_50 : vector<16xf32>
        %scan3A_54 = arith.constant 0 : i32
        %scan3A_55 = arith.constant 0 : i32
        %scan3A_56 = arith.constant 7 : i32
        %scan3A_57 = arith.addi %scan3A_55, %scan3A_56 : i32
        %scan3A_58 = arith.constant 1 : i32
        scf.for %scan3A_60 = %scan3A_55 to %scan3A_57 step %scan3A_58  : i32 {
          %broadcast_in_dim3A_61 = vector.broadcast %scan3A_60 : i32 to vector<16xi32>
          %gather3A_62 = tpu.vector_load_idx %arg14[%broadcast_in_dim3A_40, %broadcast_in_dim3A_61] : memref<64x8xf32, #tpu.memory_space<vmem>>[vector<16xi32>, vector<16xi32>], vector<16xf32>,
          %sub3A_63 = arith.constant 1.000000e+00 : f32
          %sub3A_64 = vector.broadcast %sub3A_63 : f32 to vector<16xf32>
          %sub3A_65 = arith.subf %sub3A_64, %gather3A_62 : vector<16xf32>
          %mul3A_66 = arith.mulf %sub3A_53, %sub3A_65 : vector<16xf32>
          %mul3A_67 = arith.mulf %sub3A_53, %gather3A_62 : vector<16xf32>
          %mul3A_68 = arith.mulf %gather3A_50, %sub3A_65 : vector<16xf32>
          %mul3A_69 = arith.mulf %gather3A_50, %gather3A_62 : vector<16xf32>
          %mul3A_70 = arith.constant 2 : i32
          %mul3A_71 = arith.muli %mul3A_70, %scan3A_48 : i32
          %mul3A_72 = arith.constant 14 : i32
          %mul3A_73 = arith.muli %mul3A_71, %mul3A_72 : i32
          %mul3A_74 = arith.constant 2 : i32
          %mul3A_75 = arith.muli %mul3A_74, %scan3A_60 : i32
          %add3A_76 = arith.addi %mul3A_73, %mul3A_75 : i32
          %mul3A_77 = arith.constant 7 : i32
          %mul3A_78 = arith.muli %scan3A_48, %mul3A_77 : i32
          %add3A_79 = arith.addi %mul3A_78, %scan3A_60 : i32
          %get3A = arith.constant 0 : i32
          %get3A_80 = arith.index_cast %get3A : i32 to index
          %get3A_81 = arith.index_cast %add3A_76 : i32 to index
          %get3A_82 = arith.constant 0 : index
          %get3A_83 = tpu.vector_load %arg15[%get3A_80, %get3A_81, %get3A_82] {strides = array<i32>} : memref<2x200x256xf32, #tpu.memory_space<vmem>>, vector<16xf32>,
          %add3A_84 = arith.constant 1 : i32
          %add3A_85 = arith.addi %add3A_76, %add3A_84 : i32
          %get3A_86 = arith.constant 0 : i32
          %get3A_87 = arith.index_cast %get3A_86 : i32 to index
          %get3A_88 = arith.index_cast %add3A_85 : i32 to index
          %get3A_89 = arith.constant 0 : index
          %get3A_90 = tpu.vector_load %arg15[%get3A_87, %get3A_88, %get3A_89] {strides = array<i32>} : memref<2x200x256xf32, #tpu.memory_space<vmem>>, vector<16xf32>,
          %add3A_91 = arith.constant 14 : i32
          %add3A_92 = arith.addi %add3A_76, %add3A_91 : i32
          %get3A_93 = arith.constant 0 : i32
          %get3A_94 = arith.index_cast %get3A_93 : i32 to index
          %get3A_95 = arith.index_cast %add3A_92 : i32 to index
          %get3A_96 = arith.constant 0 : index
          %get3A_97 = tpu.vector_load %arg15[%get3A_94, %get3A_95, %get3A_96] {strides = array<i32>} : memref<2x200x256xf32, #tpu.memory_space<vmem>>, vector<16xf32>,
          %add3A_98 = arith.constant 14 : i32
          %add3A_99 = arith.addi %add3A_76, %add3A_98 : i32
          %add3A_100 = arith.constant 1 : i32
          %add3A_101 = arith.addi %add3A_99, %add3A_100 : i32
          %get3A_102 = arith.constant 0 : i32
          %get3A_103 = arith.index_cast %get3A_102 : i32 to index
          %get3A_104 = arith.index_cast %add3A_101 : i32 to index
          %get3A_105 = arith.constant 0 : index
          %get3A_106 = tpu.vector_load %arg15[%get3A_103, %get3A_104, %get3A_105] {strides = array<i32>} : memref<2x200x256xf32, #tpu.memory_space<vmem>>, vector<16xf32>,
          %mul3A_107 = arith.mulf %mul3A_66, %get3A_83 : vector<16xf32>
          %mul3A_108 = arith.mulf %mul3A_67, %get3A_90 : vector<16xf32>
          %add3A_109 = arith.addf %mul3A_107, %mul3A_108 : vector<16xf32>
          %mul3A_110 = arith.mulf %mul3A_68, %get3A_97 : vector<16xf32>
          %add3A_111 = arith.addf %add3A_109, %mul3A_110 : vector<16xf32>
          %mul3A_112 = arith.mulf %mul3A_69, %get3A_106 : vector<16xf32>
          %add3A_113 = arith.addf %add3A_111, %mul3A_112 : vector<16xf32>
          %swap3A = arith.index_cast %add3A_79 : i32 to index
          %swap3A_114 = arith.constant 0 : index
          %swap3A_115 = tpu.vector_load %arg16[%swap3A, %swap3A_114] {strides = array<i32>} : memref<49x256xf32, #tpu.memory_space<vmem>>, vector<16xf32>,
          tpu.vector_store %arg16[%swap3A, %swap3A_114], %add3A_113 {strides = array<i32>} : memref<49x256xf32, #tpu.memory_space<vmem>>, vector<16xf32>,
          %get3A_116 = arith.constant 0 : i32
          %get3A_117 = arith.index_cast %get3A_116 : i32 to index
          %get3A_118 = arith.index_cast %add3A_76 : i32 to index
          %get3A_119 = arith.constant 16 : index
          %get3A_120 = tpu.vector_load %arg15[%get3A_117, %get3A_118, %get3A_119] {strides = array<i32>} : memref<2x200x256xf32, #tpu.memory_space<vmem>>, vector<16xf32>,
          %add3A_121 = arith.constant 1 : i32
          %add3A_122 = arith.addi %add3A_76, %add3A_121 : i32
          %get3A_123 = arith.constant 0 : i32
          %get3A_124 = arith.index_cast %get3A_123 : i32 to index
          %get3A_125 = arith.index_cast %add3A_122 : i32 to index
          %get3A_126 = arith.constant 16 : index
          %get3A_127 = tpu.vector_load %arg15[%get3A_124, %get3A_125, %get3A_126] {strides = array<i32>} : memref<2x200x256xf32, #tpu.memory_space<vmem>>, vector<16xf32>,
          %add3A_128 = arith.constant 14 : i32
          %add3A_129 = arith.addi %add3A_76, %add3A_128 : i32
          %get3A_130 = arith.constant 0 : i32
          %get3A_131 = arith.index_cast %get3A_130 : i32 to index
          %get3A_132 = arith.index_cast %add3A_129 : i32 to index
          %get3A_133 = arith.constant 16 : index
          %get3A_134 = tpu.vector_load %arg15[%get3A_131, %get3A_132, %get3A_133] {strides = array<i32>} : memref<2x200x256xf32, #tpu.memory_space<vmem>>, vector<16xf32>,
          %add3A_135 = arith.constant 14 : i32
          %add3A_136 = arith.addi %add3A_76, %add3A_135 : i32
          %add3A_137 = arith.constant 1 : i32
          %add3A_138 = arith.addi %add3A_136, %add3A_137 : i32
          %get3A_139 = arith.constant 0 : i32
          %get3A_140 = arith.index_cast %get3A_139 : i32 to index
          %get3A_141 = arith.index_cast %add3A_138 : i32 to index
          %get3A_142 = arith.constant 16 : index
          %get3A_143 = tpu.vector_load %arg15[%get3A_140, %get3A_141, %get3A_142] {strides = array<i32>} : memref<2x200x256xf32, #tpu.memory_space<vmem>>, vector<16xf32>,
          %mul3A_144 = arith.mulf %mul3A_66, %get3A_120 : vector<16xf32>
          %mul3A_145 = arith.mulf %mul3A_67, %get3A_127 : vector<16xf32>
          %add3A_146 = arith.addf %mul3A_144, %mul3A_145 : vector<16xf32>
          %mul3A_147 = arith.mulf %mul3A_68, %get3A_134 : vector<16xf32>
          %add3A_148 = arith.addf %add3A_146, %mul3A_147 : vector<16xf32>
          %mul3A_149 = arith.mulf %mul3A_69, %get3A_143 : vector<16xf32>
          %add3A_150 = arith.addf %add3A_148, %mul3A_149 : vector<16xf32>
          %swap3A_151 = arith.index_cast %add3A_79 : i32 to index
          %swap3A_152 = arith.constant 16 : index
          %swap3A_153 = tpu.vector_load %arg16[%swap3A_151, %swap3A_152] {strides = array<i32>} : memref<49x256xf32, #tpu.memory_space<vmem>>, vector<16xf32>,
          tpu.vector_store %arg16[%swap3A_151, %swap3A_152], %add3A_150 {strides = array<i32>} : memref<49x256xf32, #tpu.memory_space<vmem>>, vector<16xf32>,
          %get3A_154 = arith.constant 0 : i32
          %get3A_155 = arith.index_cast %get3A_154 : i32 to index
          %get3A_156 = arith.index_cast %add3A_76 : i32 to index
          %get3A_157 = arith.constant 32 : index
          %get3A_158 = tpu.vector_load %arg15[%get3A_155, %get3A_156, %get3A_157] {strides = array<i32>} : memref<2x200x256xf32, #tpu.memory_space<vmem>>, vector<16xf32>,
          %add3A_159 = arith.constant 1 : i32
          %add3A_160 = arith.addi %add3A_76, %add3A_159 : i32
          %get3A_161 = arith.constant 0 : i32
          %get3A_162 = arith.index_cast %get3A_161 : i32 to index
          %get3A_163 = arith.index_cast %add3A_160 : i32 to index
          %get3A_164 = arith.constant 32 : index
          %get3A_165 = tpu.vector_load %arg15[%get3A_162, %get3A_163, %get3A_164] {strides = array<i32>} : memref<2x200x256xf32, #tpu.memory_space<vmem>>, vector<16xf32>,
          %add3A_166 = arith.constant 14 : i32
          %add3A_167 = arith.addi %add3A_76, %add3A_166 : i32
          %get3A_168 = arith.constant 0 : i32
          %get3A_169 = arith.index_cast %get3A_168 : i32 to index
          %get3A_170 = arith.index_cast %add3A_167 : i32 to index
          %get3A_171 = arith.constant 32 : index
          %get3A_172 = tpu.vector_load %arg15[%get3A_169, %get3A_170, %get3A_171] {strides = array<i32>} : memref<2x200x256xf32, #tpu.memory_space<vmem>>, vector<16xf32>,
          %add3A_173 = arith.constant 14 : i32
          %add3A_174 = arith.addi %add3A_76, %add3A_173 : i32
          %add3A_175 = arith.constant 1 : i32
          %add3A_176 = arith.addi %add3A_174, %add3A_175 : i32
          %get3A_177 = arith.constant 0 : i32
          %get3A_178 = arith.index_cast %get3A_177 : i32 to index
          %get3A_179 = arith.index_cast %add3A_176 : i32 to index
          %get3A_180 = arith.constant 32 : index
          %get3A_181 = tpu.vector_load %arg15[%get3A_178, %get3A_179, %get3A_180] {strides = array<i32>} : memref<2x200x256xf32, #tpu.memory_space<vmem>>, vector<16xf32>,
          %mul3A_182 = arith.mulf %mul3A_66, %get3A_158 : vector<16xf32>
          %mul3A_183 = arith.mulf %mul3A_67, %get3A_165 : vector<16xf32>
          %add3A_184 = arith.addf %mul3A_182, %mul3A_183 : vector<16xf32>
          %mul3A_185 = arith.mulf %mul3A_68, %get3A_172 : vector<16xf32>
          %add3A_186 = arith.addf %add3A_184, %mul3A_185 : vector<16xf32>
          %mul3A_187 = arith.mulf %mul3A_69, %get3A_181 : vector<16xf32>
          %add3A_188 = arith.addf %add3A_186, %mul3A_187 : vector<16xf32>
          %swap3A_189 = arith.index_cast %add3A_79 : i32 to index
          %swap3A_190 = arith.constant 32 : index
          %swap3A_191 = tpu.vector_load %arg16[%swap3A_189, %swap3A_190] {strides = array<i32>} : memref<49x256xf32, #tpu.memory_space<vmem>>, vector<16xf32>,
          tpu.vector_store %arg16[%swap3A_189, %swap3A_190], %add3A_188 {strides = array<i32>} : memref<49x256xf32, #tpu.memory_space<vmem>>, vector<16xf32>,
          %get3A_192 = arith.constant 0 : i32
          %get3A_193 = arith.index_cast %get3A_192 : i32 to index
          %get3A_194 = arith.index_cast %add3A_76 : i32 to index
          %get3A_195 = arith.constant 48 : index
          %get3A_196 = tpu.vector_load %arg15[%get3A_193, %get3A_194, %get3A_195] {strides = array<i32>} : memref<2x200x256xf32, #tpu.memory_space<vmem>>, vector<16xf32>,
          %add3A_197 = arith.constant 1 : i32
          %add3A_198 = arith.addi %add3A_76, %add3A_197 : i32
          %get3A_199 = arith.constant 0 : i32
          %get3A_200 = arith.index_cast %get3A_199 : i32 to index
          %get3A_201 = arith.index_cast %add3A_198 : i32 to index
          %get3A_202 = arith.constant 48 : index
          %get3A_203 = tpu.vector_load %arg15[%get3A_200, %get3A_201, %get3A_202] {strides = array<i32>} : memref<2x200x256xf32, #tpu.memory_space<vmem>>, vector<16xf32>,
          %add3A_204 = arith.constant 14 : i32
          %add3A_205 = arith.addi %add3A_76, %add3A_204 : i32
          %get3A_206 = arith.constant 0 : i32
          %get3A_207 = arith.index_cast %get3A_206 : i32 to index
          %get3A_208 = arith.index_cast %add3A_205 : i32 to index
          %get3A_209 = arith.constant 48 : index
          %get3A_210 = tpu.vector_load %arg15[%get3A_207, %get3A_208, %get3A_209] {strides = array<i32>} : memref<2x200x256xf32, #tpu.memory_space<vmem>>, vector<16xf32>,
          %add3A_211 = arith.constant 14 : i32
          %add3A_212 = arith.addi %add3A_76, %add3A_211 : i32
          %add3A_213 = arith.constant 1 : i32
          %add3A_214 = arith.addi %add3A_212, %add3A_213 : i32
          %get3A_215 = arith.constant 0 : i32
          %get3A_216 = arith.index_cast %get3A_215 : i32 to index
          %get3A_217 = arith.index_cast %add3A_214 : i32 to index
          %get3A_218 = arith.constant 48 : index
          %get3A_219 = tpu.vector_load %arg15[%get3A_216, %get3A_217, %get3A_218] {strides = array<i32>} : memref<2x200x256xf32, #tpu.memory_space<vmem>>, vector<16xf32>,
          %mul3A_220 = arith.mulf %mul3A_66, %get3A_196 : vector<16xf32>
          %mul3A_221 = arith.mulf %mul3A_67, %get3A_203 : vector<16xf32>
          %add3A_222 = arith.addf %mul3A_220, %mul3A_221 : vector<16xf32>
          %mul3A_223 = arith.mulf %mul3A_68, %get3A_210 : vector<16xf32>
          %add3A_224 = arith.addf %add3A_222, %mul3A_223 : vector<16xf32>
          %mul3A_225 = arith.mulf %mul3A_69, %get3A_219 : vector<16xf32>
          %add3A_226 = arith.addf %add3A_224, %mul3A_225 : vector<16xf32>
          %swap3A_227 = arith.index_cast %add3A_79 : i32 to index
          %swap3A_228 = arith.constant 48 : index
          %swap3A_229 = tpu.vector_load %arg16[%swap3A_227, %swap3A_228] {strides = array<i32>} : memref<49x256xf32, #tpu.memory_space<vmem>>, vector<16xf32>,
          tpu.vector_store %arg16[%swap3A_227, %swap3A_228], %add3A_226 {strides = array<i32>} : memref<49x256xf32, #tpu.memory_space<vmem>>, vector<16xf32>,
          %get3A_230 = arith.constant 0 : i32
          %get3A_231 = arith.index_cast %get3A_230 : i32 to index
          %get3A_232 = arith.index_cast %add3A_76 : i32 to index
          %get3A_233 = arith.constant 64 : index
          %get3A_234 = tpu.vector_load %arg15[%get3A_231, %get3A_232, %get3A_233] {strides = array<i32>} : memref<2x200x256xf32, #tpu.memory_space<vmem>>, vector<16xf32>,
          %add3A_235 = arith.constant 1 : i32
          %add3A_236 = arith.addi %add3A_76, %add3A_235 : i32
          %get3A_237 = arith.constant 0 : i32
          %get3A_238 = arith.index_cast %get3A_237 : i32 to index
          %get3A_239 = arith.index_cast %add3A_236 : i32 to index
          %get3A_240 = arith.constant 64 : index
          %get3A_241 = tpu.vector_load %arg15[%get3A_238, %get3A_239, %get3A_240] {strides = array<i32>} : memref<2x200x256xf32, #tpu.memory_space<vmem>>, vector<16xf32>,
          %add3A_242 = arith.constant 14 : i32
          %add3A_243 = arith.addi %add3A_76, %add3A_242 : i32
          %get3A_244 = arith.constant 0 : i32
          %get3A_245 = arith.index_cast %get3A_244 : i32 to index
          %get3A_246 = arith.index_cast %add3A_243 : i32 to index
          %get3A_247 = arith.constant 64 : index
          %get3A_248 = tpu.vector_load %arg15[%get3A_245, %get3A_246, %get3A_247] {strides = array<i32>} : memref<2x200x256xf32, #tpu.memory_space<vmem>>, vector<16xf32>,
          %add3A_249 = arith.constant 14 : i32
          %add3A_250 = arith.addi %add3A_76, %add3A_249 : i32
          %add3A_251 = arith.constant 1 : i32
          %add3A_252 = arith.addi %add3A_250, %add3A_251 : i32
          %get3A_253 = arith.constant 0 : i32
          %get3A_254 = arith.index_cast %get3A_253 : i32 to index
          %get3A_255 = arith.index_cast %add3A_252 : i32 to index
          %get3A_256 = arith.constant 64 : index
          %get3A_257 = tpu.vector_load %arg15[%get3A_254, %get3A_255, %get3A_256] {strides = array<i32>} : memref<2x200x256xf32, #tpu.memory_space<vmem>>, vector<16xf32>,
          %mul3A_258 = arith.mulf %mul3A_66, %get3A_234 : vector<16xf32>
          %mul3A_259 = arith.mulf %mul3A_67, %get3A_241 : vector<16xf32>
          %add3A_260 = arith.addf %mul3A_258, %mul3A_259 : vector<16xf32>
          %mul3A_261 = arith.mulf %mul3A_68, %get3A_248 : vector<16xf32>
          %add3A_262 = arith.addf %add3A_260, %mul3A_261 : vector<16xf32>
          %mul3A_263 = arith.mulf %mul3A_69, %get3A_257 : vector<16xf32>
          %add3A_264 = arith.addf %add3A_262, %mul3A_263 : vector<16xf32>
          %swap3A_265 = arith.index_cast %add3A_79 : i32 to index
          %swap3A_266 = arith.constant 64 : index
          %swap3A_267 = tpu.vector_load %arg16[%swap3A_265, %swap3A_266] {strides = array<i32>} : memref<49x256xf32, #tpu.memory_space<vmem>>, vector<16xf32>,
          tpu.vector_store %arg16[%swap3A_265, %swap3A_266], %add3A_264 {strides = array<i32>} : memref<49x256xf32, #tpu.memory_space<vmem>>, vector<16xf32>,
          %get3A_268 = arith.constant 0 : i32
          %get3A_269 = arith.index_cast %get3A_268 : i32 to index
          %get3A_270 = arith.index_cast %add3A_76 : i32 to index
          %get3A_271 = arith.constant 80 : index
          %get3A_272 = tpu.vector_load %arg15[%get3A_269, %get3A_270, %get3A_271] {strides = array<i32>} : memref<2x200x256xf32, #tpu.memory_space<vmem>>, vector<16xf32>,
          %add3A_273 = arith.constant 1 : i32
          %add3A_274 = arith.addi %add3A_76, %add3A_273 : i32
          %get3A_275 = arith.constant 0 : i32
          %get3A_276 = arith.index_cast %get3A_275 : i32 to index
          %get3A_277 = arith.index_cast %add3A_274 : i32 to index
          %get3A_278 = arith.constant 80 : index
          %get3A_279 = tpu.vector_load %arg15[%get3A_276, %get3A_277, %get3A_278] {strides = array<i32>} : memref<2x200x256xf32, #tpu.memory_space<vmem>>, vector<16xf32>,
          %add3A_280 = arith.constant 14 : i32
          %add3A_281 = arith.addi %add3A_76, %add3A_280 : i32
          %get3A_282 = arith.constant 0 : i32
          %get3A_283 = arith.index_cast %get3A_282 : i32 to index
          %get3A_284 = arith.index_cast %add3A_281 : i32 to index
          %get3A_285 = arith.constant 80 : index
          %get3A_286 = tpu.vector_load %arg15[%get3A_283, %get3A_284, %get3A_285] {strides = array<i32>} : memref<2x200x256xf32, #tpu.memory_space<vmem>>, vector<16xf32>,
          %add3A_287 = arith.constant 14 : i32
          %add3A_288 = arith.addi %add3A_76, %add3A_287 : i32
          %add3A_289 = arith.constant 1 : i32
          %add3A_290 = arith.addi %add3A_288, %add3A_289 : i32
          %get3A_291 = arith.constant 0 : i32
          %get3A_292 = arith.index_cast %get3A_291 : i32 to index
          %get3A_293 = arith.index_cast %add3A_290 : i32 to index
          %get3A_294 = arith.constant 80 : index
          %get3A_295 = tpu.vector_load %arg15[%get3A_292, %get3A_293, %get3A_294] {strides = array<i32>} : memref<2x200x256xf32, #tpu.memory_space<vmem>>, vector<16xf32>,
          %mul3A_296 = arith.mulf %mul3A_66, %get3A_272 : vector<16xf32>
          %mul3A_297 = arith.mulf %mul3A_67, %get3A_279 : vector<16xf32>
          %add3A_298 = arith.addf %mul3A_296, %mul3A_297 : vector<16xf32>
          %mul3A_299 = arith.mulf %mul3A_68, %get3A_286 : vector<16xf32>
          %add3A_300 = arith.addf %add3A_298, %mul3A_299 : vector<16xf32>
          %mul3A_301 = arith.mulf %mul3A_69, %get3A_295 : vector<16xf32>
          %add3A_302 = arith.addf %add3A_300, %mul3A_301 : vector<16xf32>
          %swap3A_303 = arith.index_cast %add3A_79 : i32 to index
          %swap3A_304 = arith.constant 80 : index
          %swap3A_305 = tpu.vector_load %arg16[%swap3A_303, %swap3A_304] {strides = array<i32>} : memref<49x256xf32, #tpu.memory_space<vmem>>, vector<16xf32>,
          tpu.vector_store %arg16[%swap3A_303, %swap3A_304], %add3A_302 {strides = array<i32>} : memref<49x256xf32, #tpu.memory_space<vmem>>, vector<16xf32>,
          %get3A_306 = arith.constant 0 : i32
          %get3A_307 = arith.index_cast %get3A_306 : i32 to index
          %get3A_308 = arith.index_cast %add3A_76 : i32 to index
          %get3A_309 = arith.constant 96 : index
          %get3A_310 = tpu.vector_load %arg15[%get3A_307, %get3A_308, %get3A_309] {strides = array<i32>} : memref<2x200x256xf32, #tpu.memory_space<vmem>>, vector<16xf32>,
          %add3A_311 = arith.constant 1 : i32
          %add3A_312 = arith.addi %add3A_76, %add3A_311 : i32
          %get3A_313 = arith.constant 0 : i32
          %get3A_314 = arith.index_cast %get3A_313 : i32 to index
          %get3A_315 = arith.index_cast %add3A_312 : i32 to index
          %get3A_316 = arith.constant 96 : index
          %get3A_317 = tpu.vector_load %arg15[%get3A_314, %get3A_315, %get3A_316] {strides = array<i32>} : memref<2x200x256xf32, #tpu.memory_space<vmem>>, vector<16xf32>,
          %add3A_318 = arith.constant 14 : i32
          %add3A_319 = arith.addi %add3A_76, %add3A_318 : i32
          %get3A_320 = arith.constant 0 : i32
          %get3A_321 = arith.index_cast %get3A_320 : i32 to index
          %get3A_322 = arith.index_cast %add3A_319 : i32 to index
          %get3A_323 = arith.constant 96 : index
          %get3A_324 = tpu.vector_load %arg15[%get3A_321, %get3A_322, %get3A_323] {strides = array<i32>} : memref<2x200x256xf32, #tpu.memory_space<vmem>>, vector<16xf32>,
          %add3A_325 = arith.constant 14 : i32
          %add3A_326 = arith.addi %add3A_76, %add3A_325 : i32
          %add3A_327 = arith.constant 1 : i32
          %add3A_328 = arith.addi %add3A_326, %add3A_327 : i32
          %get3A_329 = arith.constant 0 : i32
          %get3A_330 = arith.index_cast %get3A_329 : i32 to index
          %get3A_331 = arith.index_cast %add3A_328 : i32 to index
          %get3A_332 = arith.constant 96 : index
          %get3A_333 = tpu.vector_load %arg15[%get3A_330, %get3A_331, %get3A_332] {strides = array<i32>} : memref<2x200x256xf32, #tpu.memory_space<vmem>>, vector<16xf32>,
          %mul3A_334 = arith.mulf %mul3A_66, %get3A_310 : vector<16xf32>
          %mul3A_335 = arith.mulf %mul3A_67, %get3A_317 : vector<16xf32>
          %add3A_336 = arith.addf %mul3A_334, %mul3A_335 : vector<16xf32>
          %mul3A_337 = arith.mulf %mul3A_68, %get3A_324 : vector<16xf32>
          %add3A_338 = arith.addf %add3A_336, %mul3A_337 : vector<16xf32>
          %mul3A_339 = arith.mulf %mul3A_69, %get3A_333 : vector<16xf32>
          %add3A_340 = arith.addf %add3A_338, %mul3A_339 : vector<16xf32>
          %swap3A_341 = arith.index_cast %add3A_79 : i32 to index
          %swap3A_342 = arith.constant 96 : index
          %swap3A_343 = tpu.vector_load %arg16[%swap3A_341, %swap3A_342] {strides = array<i32>} : memref<49x256xf32, #tpu.memory_space<vmem>>, vector<16xf32>,
          tpu.vector_store %arg16[%swap3A_341, %swap3A_342], %add3A_340 {strides = array<i32>} : memref<49x256xf32, #tpu.memory_space<vmem>>, vector<16xf32>,
          %get3A_344 = arith.constant 0 : i32
          %get3A_345 = arith.index_cast %get3A_344 : i32 to index
          %get3A_346 = arith.index_cast %add3A_76 : i32 to index
          %get3A_347 = arith.constant 112 : index
          %get3A_348 = tpu.vector_load %arg15[%get3A_345, %get3A_346, %get3A_347] {strides = array<i32>} : memref<2x200x256xf32, #tpu.memory_space<vmem>>, vector<16xf32>,
          %add3A_349 = arith.constant 1 : i32
          %add3A_350 = arith.addi %add3A_76, %add3A_349 : i32
          %get3A_351 = arith.constant 0 : i32
          %get3A_352 = arith.index_cast %get3A_351 : i32 to index
          %get3A_353 = arith.index_cast %add3A_350 : i32 to index
          %get3A_354 = arith.constant 112 : index
          %get3A_355 = tpu.vector_load %arg15[%get3A_352, %get3A_353, %get3A_354] {strides = array<i32>} : memref<2x200x256xf32, #tpu.memory_space<vmem>>, vector<16xf32>,
          %add3A_356 = arith.constant 14 : i32
          %add3A_357 = arith.addi %add3A_76, %add3A_356 : i32
          %get3A_358 = arith.constant 0 : i32
          %get3A_359 = arith.index_cast %get3A_358 : i32 to index
          %get3A_360 = arith.index_cast %add3A_357 : i32 to index
          %get3A_361 = arith.constant 112 : index
          %get3A_362 = tpu.vector_load %arg15[%get3A_359, %get3A_360, %get3A_361] {strides = array<i32>} : memref<2x200x256xf32, #tpu.memory_space<vmem>>, vector<16xf32>,
          %add3A_363 = arith.constant 14 : i32
          %add3A_364 = arith.addi %add3A_76, %add3A_363 : i32
          %add3A_365 = arith.constant 1 : i32
          %add3A_366 = arith.addi %add3A_364, %add3A_365 : i32
          %get3A_367 = arith.constant 0 : i32
          %get3A_368 = arith.index_cast %get3A_367 : i32 to index
          %get3A_369 = arith.index_cast %add3A_366 : i32 to index
          %get3A_370 = arith.constant 112 : index
          %get3A_371 = tpu.vector_load %arg15[%get3A_368, %get3A_369, %get3A_370] {strides = array<i32>} : memref<2x200x256xf32, #tpu.memory_space<vmem>>, vector<16xf32>,
          %mul3A_372 = arith.mulf %mul3A_66, %get3A_348 : vector<16xf32>
          %mul3A_373 = arith.mulf %mul3A_67, %get3A_355 : vector<16xf32>
          %add3A_374 = arith.addf %mul3A_372, %mul3A_373 : vector<16xf32>
          %mul3A_375 = arith.mulf %mul3A_68, %get3A_362 : vector<16xf32>
          %add3A_376 = arith.addf %add3A_374, %mul3A_375 : vector<16xf32>
          %mul3A_377 = arith.mulf %mul3A_69, %get3A_371 : vector<16xf32>
          %add3A_378 = arith.addf %add3A_376, %mul3A_377 : vector<16xf32>
          %swap3A_379 = arith.index_cast %add3A_79 : i32 to index
          %swap3A_380 = arith.constant 112 : index
          %swap3A_381 = tpu.vector_load %arg16[%swap3A_379, %swap3A_380] {strides = array<i32>} : memref<49x256xf32, #tpu.memory_space<vmem>>, vector<16xf32>,
          tpu.vector_store %arg16[%swap3A_379, %swap3A_380], %add3A_378 {strides = array<i32>} : memref<49x256xf32, #tpu.memory_space<vmem>>, vector<16xf32>,
          %get3A_382 = arith.constant 0 : i32
          %get3A_383 = arith.index_cast %get3A_382 : i32 to index
          %get3A_384 = arith.index_cast %add3A_76 : i32 to index
          %get3A_385 = arith.constant 128 : index
          %get3A_386 = tpu.vector_load %arg15[%get3A_383, %get3A_384, %get3A_385] {strides = array<i32>} : memref<2x200x256xf32, #tpu.memory_space<vmem>>, vector<16xf32>,
          %add3A_387 = arith.constant 1 : i32
          %add3A_388 = arith.addi %add3A_76, %add3A_387 : i32
          %get3A_389 = arith.constant 0 : i32
          %get3A_390 = arith.index_cast %get3A_389 : i32 to index
          %get3A_391 = arith.index_cast %add3A_388 : i32 to index
          %get3A_392 = arith.constant 128 : index
          %get3A_393 = tpu.vector_load %arg15[%get3A_390, %get3A_391, %get3A_392] {strides = array<i32>} : memref<2x200x256xf32, #tpu.memory_space<vmem>>, vector<16xf32>,
          %add3A_394 = arith.constant 14 : i32
          %add3A_395 = arith.addi %add3A_76, %add3A_394 : i32
          %get3A_396 = arith.constant 0 : i32
          %get3A_397 = arith.index_cast %get3A_396 : i32 to index
          %get3A_398 = arith.index_cast %add3A_395 : i32 to index
          %get3A_399 = arith.constant 128 : index
          %get3A_400 = tpu.vector_load %arg15[%get3A_397, %get3A_398, %get3A_399] {strides = array<i32>} : memref<2x200x256xf32, #tpu.memory_space<vmem>>, vector<16xf32>,
          %add3A_401 = arith.constant 14 : i32
          %add3A_402 = arith.addi %add3A_76, %add3A_401 : i32
          %add3A_403 = arith.constant 1 : i32
          %add3A_404 = arith.addi %add3A_402, %add3A_403 : i32
          %get3A_405 = arith.constant 0 : i32
          %get3A_406 = arith.index_cast %get3A_405 : i32 to index
          %get3A_407 = arith.index_cast %add3A_404 : i32 to index
          %get3A_408 = arith.constant 128 : index
          %get3A_409 = tpu.vector_load %arg15[%get3A_406, %get3A_407, %get3A_408] {strides = array<i32>} : memref<2x200x256xf32, #tpu.memory_space<vmem>>, vector<16xf32>,
          %mul3A_410 = arith.mulf %mul3A_66, %get3A_386 : vector<16xf32>
          %mul3A_411 = arith.mulf %mul3A_67, %get3A_393 : vector<16xf32>
          %add3A_412 = arith.addf %mul3A_410, %mul3A_411 : vector<16xf32>
          %mul3A_413 = arith.mulf %mul3A_68, %get3A_400 : vector<16xf32>
          %add3A_414 = arith.addf %add3A_412, %mul3A_413 : vector<16xf32>
          %mul3A_415 = arith.mulf %mul3A_69, %get3A_409 : vector<16xf32>
          %add3A_416 = arith.addf %add3A_414, %mul3A_415 : vector<16xf32>
          %swap3A_417 = arith.index_cast %add3A_79 : i32 to index
          %swap3A_418 = arith.constant 128 : index
          %swap3A_419 = tpu.vector_load %arg16[%swap3A_417, %swap3A_418] {strides = array<i32>} : memref<49x256xf32, #tpu.memory_space<vmem>>, vector<16xf32>,
          tpu.vector_store %arg16[%swap3A_417, %swap3A_418], %add3A_416 {strides = array<i32>} : memref<49x256xf32, #tpu.memory_space<vmem>>, vector<16xf32>,
          %get3A_420 = arith.constant 0 : i32
          %get3A_421 = arith.index_cast %get3A_420 : i32 to index
          %get3A_422 = arith.index_cast %add3A_76 : i32 to index
          %get3A_423 = arith.constant 144 : index
          %get3A_424 = tpu.vector_load %arg15[%get3A_421, %get3A_422, %get3A_423] {strides = array<i32>} : memref<2x200x256xf32, #tpu.memory_space<vmem>>, vector<16xf32>,
          %add3A_425 = arith.constant 1 : i32
          %add3A_426 = arith.addi %add3A_76, %add3A_425 : i32
          %get3A_427 = arith.constant 0 : i32
          %get3A_428 = arith.index_cast %get3A_427 : i32 to index
          %get3A_429 = arith.index_cast %add3A_426 : i32 to index
          %get3A_430 = arith.constant 144 : index
          %get3A_431 = tpu.vector_load %arg15[%get3A_428, %get3A_429, %get3A_430] {strides = array<i32>} : memref<2x200x256xf32, #tpu.memory_space<vmem>>, vector<16xf32>,
          %add3A_432 = arith.constant 14 : i32
          %add3A_433 = arith.addi %add3A_76, %add3A_432 : i32
          %get3A_434 = arith.constant 0 : i32
          %get3A_435 = arith.index_cast %get3A_434 : i32 to index
          %get3A_436 = arith.index_cast %add3A_433 : i32 to index
          %get3A_437 = arith.constant 144 : index
          %get3A_438 = tpu.vector_load %arg15[%get3A_435, %get3A_436, %get3A_437] {strides = array<i32>} : memref<2x200x256xf32, #tpu.memory_space<vmem>>, vector<16xf32>,
          %add3A_439 = arith.constant 14 : i32
          %add3A_440 = arith.addi %add3A_76, %add3A_439 : i32
          %add3A_441 = arith.constant 1 : i32
          %add3A_442 = arith.addi %add3A_440, %add3A_441 : i32
          %get3A_443 = arith.constant 0 : i32
          %get3A_444 = arith.index_cast %get3A_443 : i32 to index
          %get3A_445 = arith.index_cast %add3A_442 : i32 to index
          %get3A_446 = arith.constant 144 : index
          %get3A_447 = tpu.vector_load %arg15[%get3A_444, %get3A_445, %get3A_446] {strides = array<i32>} : memref<2x200x256xf32, #tpu.memory_space<vmem>>, vector<16xf32>,
          %mul3A_448 = arith.mulf %mul3A_66, %get3A_424 : vector<16xf32>
          %mul3A_449 = arith.mulf %mul3A_67, %get3A_431 : vector<16xf32>
          %add3A_450 = arith.addf %mul3A_448, %mul3A_449 : vector<16xf32>
          %mul3A_451 = arith.mulf %mul3A_68, %get3A_438 : vector<16xf32>
          %add3A_452 = arith.addf %add3A_450, %mul3A_451 : vector<16xf32>
          %mul3A_453 = arith.mulf %mul3A_69, %get3A_447 : vector<16xf32>
          %add3A_454 = arith.addf %add3A_452, %mul3A_453 : vector<16xf32>
          %swap3A_455 = arith.index_cast %add3A_79 : i32 to index
          %swap3A_456 = arith.constant 144 : index
          %swap3A_457 = tpu.vector_load %arg16[%swap3A_455, %swap3A_456] {strides = array<i32>} : memref<49x256xf32, #tpu.memory_space<vmem>>, vector<16xf32>,
          tpu.vector_store %arg16[%swap3A_455, %swap3A_456], %add3A_454 {strides = array<i32>} : memref<49x256xf32, #tpu.memory_space<vmem>>, vector<16xf32>,
          %get3A_458 = arith.constant 0 : i32
          %get3A_459 = arith.index_cast %get3A_458 : i32 to index
          %get3A_460 = arith.index_cast %add3A_76 : i32 to index
          %get3A_461 = arith.constant 160 : index
          %get3A_462 = tpu.vector_load %arg15[%get3A_459, %get3A_460, %get3A_461] {strides = array<i32>} : memref<2x200x256xf32, #tpu.memory_space<vmem>>, vector<16xf32>,
          %add3A_463 = arith.constant 1 : i32
          %add3A_464 = arith.addi %add3A_76, %add3A_463 : i32
          %get3A_465 = arith.constant 0 : i32
          %get3A_466 = arith.index_cast %get3A_465 : i32 to index
          %get3A_467 = arith.index_cast %add3A_464 : i32 to index
          %get3A_468 = arith.constant 160 : index
          %get3A_469 = tpu.vector_load %arg15[%get3A_466, %get3A_467, %get3A_468] {strides = array<i32>} : memref<2x200x256xf32, #tpu.memory_space<vmem>>, vector<16xf32>,
          %add3A_470 = arith.constant 14 : i32
          %add3A_471 = arith.addi %add3A_76, %add3A_470 : i32
          %get3A_472 = arith.constant 0 : i32
          %get3A_473 = arith.index_cast %get3A_472 : i32 to index
          %get3A_474 = arith.index_cast %add3A_471 : i32 to index
          %get3A_475 = arith.constant 160 : index
          %get3A_476 = tpu.vector_load %arg15[%get3A_473, %get3A_474, %get3A_475] {strides = array<i32>} : memref<2x200x256xf32, #tpu.memory_space<vmem>>, vector<16xf32>,
          %add3A_477 = arith.constant 14 : i32
          %add3A_478 = arith.addi %add3A_76, %add3A_477 : i32
          %add3A_479 = arith.constant 1 : i32
          %add3A_480 = arith.addi %add3A_478, %add3A_479 : i32
          %get3A_481 = arith.constant 0 : i32
          %get3A_482 = arith.index_cast %get3A_481 : i32 to index
          %get3A_483 = arith.index_cast %add3A_480 : i32 to index
          %get3A_484 = arith.constant 160 : index
          %get3A_485 = tpu.vector_load %arg15[%get3A_482, %get3A_483, %get3A_484] {strides = array<i32>} : memref<2x200x256xf32, #tpu.memory_space<vmem>>, vector<16xf32>,
          %mul3A_486 = arith.mulf %mul3A_66, %get3A_462 : vector<16xf32>
          %mul3A_487 = arith.mulf %mul3A_67, %get3A_469 : vector<16xf32>
          %add3A_488 = arith.addf %mul3A_486, %mul3A_487 : vector<16xf32>
          %mul3A_489 = arith.mulf %mul3A_68, %get3A_476 : vector<16xf32>
          %add3A_490 = arith.addf %add3A_488, %mul3A_489 : vector<16xf32>
          %mul3A_491 = arith.mulf %mul3A_69, %get3A_485 : vector<16xf32>
          %add3A_492 = arith.addf %add3A_490, %mul3A_491 : vector<16xf32>
          %swap3A_493 = arith.index_cast %add3A_79 : i32 to index
          %swap3A_494 = arith.constant 160 : index
          %swap3A_495 = tpu.vector_load %arg16[%swap3A_493, %swap3A_494] {strides = array<i32>} : memref<49x256xf32, #tpu.memory_space<vmem>>, vector<16xf32>,
          tpu.vector_store %arg16[%swap3A_493, %swap3A_494], %add3A_492 {strides = array<i32>} : memref<49x256xf32, #tpu.memory_space<vmem>>, vector<16xf32>,
          %get3A_496 = arith.constant 0 : i32
          %get3A_497 = arith.index_cast %get3A_496 : i32 to index
          %get3A_498 = arith.index_cast %add3A_76 : i32 to index
          %get3A_499 = arith.constant 176 : index
          %get3A_500 = tpu.vector_load %arg15[%get3A_497, %get3A_498, %get3A_499] {strides = array<i32>} : memref<2x200x256xf32, #tpu.memory_space<vmem>>, vector<16xf32>,
          %add3A_501 = arith.constant 1 : i32
          %add3A_502 = arith.addi %add3A_76, %add3A_501 : i32
          %get3A_503 = arith.constant 0 : i32
          %get3A_504 = arith.index_cast %get3A_503 : i32 to index
          %get3A_505 = arith.index_cast %add3A_502 : i32 to index
          %get3A_506 = arith.constant 176 : index
          %get3A_507 = tpu.vector_load %arg15[%get3A_504, %get3A_505, %get3A_506] {strides = array<i32>} : memref<2x200x256xf32, #tpu.memory_space<vmem>>, vector<16xf32>,
          %add3A_508 = arith.constant 14 : i32
          %add3A_509 = arith.addi %add3A_76, %add3A_508 : i32
          %get3A_510 = arith.constant 0 : i32
          %get3A_511 = arith.index_cast %get3A_510 : i32 to index
          %get3A_512 = arith.index_cast %add3A_509 : i32 to index
          %get3A_513 = arith.constant 176 : index
          %get3A_514 = tpu.vector_load %arg15[%get3A_511, %get3A_512, %get3A_513] {strides = array<i32>} : memref<2x200x256xf32, #tpu.memory_space<vmem>>, vector<16xf32>,
          %add3A_515 = arith.constant 14 : i32
          %add3A_516 = arith.addi %add3A_76, %add3A_515 : i32
          %add3A_517 = arith.constant 1 : i32
          %add3A_518 = arith.addi %add3A_516, %add3A_517 : i32
          %get3A_519 = arith.constant 0 : i32
          %get3A_520 = arith.index_cast %get3A_519 : i32 to index
          %get3A_521 = arith.index_cast %add3A_518 : i32 to index
          %get3A_522 = arith.constant 176 : index
          %get3A_523 = tpu.vector_load %arg15[%get3A_520, %get3A_521, %get3A_522] {strides = array<i32>} : memref<2x200x256xf32, #tpu.memory_space<vmem>>, vector<16xf32>,
          %mul3A_524 = arith.mulf %mul3A_66, %get3A_500 : vector<16xf32>
          %mul3A_525 = arith.mulf %mul3A_67, %get3A_507 : vector<16xf32>
          %add3A_526 = arith.addf %mul3A_524, %mul3A_525 : vector<16xf32>
          %mul3A_527 = arith.mulf %mul3A_68, %get3A_514 : vector<16xf32>
          %add3A_528 = arith.addf %add3A_526, %mul3A_527 : vector<16xf32>
          %mul3A_529 = arith.mulf %mul3A_69, %get3A_523 : vector<16xf32>
          %add3A_530 = arith.addf %add3A_528, %mul3A_529 : vector<16xf32>
          %swap3A_531 = arith.index_cast %add3A_79 : i32 to index
          %swap3A_532 = arith.constant 176 : index
          %swap3A_533 = tpu.vector_load %arg16[%swap3A_531, %swap3A_532] {strides = array<i32>} : memref<49x256xf32, #tpu.memory_space<vmem>>, vector<16xf32>,
          tpu.vector_store %arg16[%swap3A_531, %swap3A_532], %add3A_530 {strides = array<i32>} : memref<49x256xf32, #tpu.memory_space<vmem>>, vector<16xf32>,
          %get3A_534 = arith.constant 0 : i32
          %get3A_535 = arith.index_cast %get3A_534 : i32 to index
          %get3A_536 = arith.index_cast %add3A_76 : i32 to index
          %get3A_537 = arith.constant 192 : index
          %get3A_538 = tpu.vector_load %arg15[%get3A_535, %get3A_536, %get3A_537] {strides = array<i32>} : memref<2x200x256xf32, #tpu.memory_space<vmem>>, vector<16xf32>,
          %add3A_539 = arith.constant 1 : i32
          %add3A_540 = arith.addi %add3A_76, %add3A_539 : i32
          %get3A_541 = arith.constant 0 : i32
          %get3A_542 = arith.index_cast %get3A_541 : i32 to index
          %get3A_543 = arith.index_cast %add3A_540 : i32 to index
          %get3A_544 = arith.constant 192 : index
          %get3A_545 = tpu.vector_load %arg15[%get3A_542, %get3A_543, %get3A_544] {strides = array<i32>} : memref<2x200x256xf32, #tpu.memory_space<vmem>>, vector<16xf32>,
          %add3A_546 = arith.constant 14 : i32
          %add3A_547 = arith.addi %add3A_76, %add3A_546 : i32
          %get3A_548 = arith.constant 0 : i32
          %get3A_549 = arith.index_cast %get3A_548 : i32 to index
          %get3A_550 = arith.index_cast %add3A_547 : i32 to index
          %get3A_551 = arith.constant 192 : index
          %get3A_552 = tpu.vector_load %arg15[%get3A_549, %get3A_550, %get3A_551] {strides = array<i32>} : memref<2x200x256xf32, #tpu.memory_space<vmem>>, vector<16xf32>,
          %add3A_553 = arith.constant 14 : i32
          %add3A_554 = arith.addi %add3A_76, %add3A_553 : i32
          %add3A_555 = arith.constant 1 : i32
          %add3A_556 = arith.addi %add3A_554, %add3A_555 : i32
          %get3A_557 = arith.constant 0 : i32
          %get3A_558 = arith.index_cast %get3A_557 : i32 to index
          %get3A_559 = arith.index_cast %add3A_556 : i32 to index
          %get3A_560 = arith.constant 192 : index
          %get3A_561 = tpu.vector_load %arg15[%get3A_558, %get3A_559, %get3A_560] {strides = array<i32>} : memref<2x200x256xf32, #tpu.memory_space<vmem>>, vector<16xf32>,
          %mul3A_562 = arith.mulf %mul3A_66, %get3A_538 : vector<16xf32>
          %mul3A_563 = arith.mulf %mul3A_67, %get3A_545 : vector<16xf32>
          %add3A_564 = arith.addf %mul3A_562, %mul3A_563 : vector<16xf32>
          %mul3A_565 = arith.mulf %mul3A_68, %get3A_552 : vector<16xf32>
          %add3A_566 = arith.addf %add3A_564, %mul3A_565 : vector<16xf32>
          %mul3A_567 = arith.mulf %mul3A_69, %get3A_561 : vector<16xf32>
          %add3A_568 = arith.addf %add3A_566, %mul3A_567 : vector<16xf32>
          %swap3A_569 = arith.index_cast %add3A_79 : i32 to index
          %swap3A_570 = arith.constant 192 : index
          %swap3A_571 = tpu.vector_load %arg16[%swap3A_569, %swap3A_570] {strides = array<i32>} : memref<49x256xf32, #tpu.memory_space<vmem>>, vector<16xf32>,
          tpu.vector_store %arg16[%swap3A_569, %swap3A_570], %add3A_568 {strides = array<i32>} : memref<49x256xf32, #tpu.memory_space<vmem>>, vector<16xf32>,
          %get3A_572 = arith.constant 0 : i32
          %get3A_573 = arith.index_cast %get3A_572 : i32 to index
          %get3A_574 = arith.index_cast %add3A_76 : i32 to index
          %get3A_575 = arith.constant 208 : index
          %get3A_576 = tpu.vector_load %arg15[%get3A_573, %get3A_574, %get3A_575] {strides = array<i32>} : memref<2x200x256xf32, #tpu.memory_space<vmem>>, vector<16xf32>,
          %add3A_577 = arith.constant 1 : i32
          %add3A_578 = arith.addi %add3A_76, %add3A_577 : i32
          %get3A_579 = arith.constant 0 : i32
          %get3A_580 = arith.index_cast %get3A_579 : i32 to index
          %get3A_581 = arith.index_cast %add3A_578 : i32 to index
          %get3A_582 = arith.constant 208 : index
          %get3A_583 = tpu.vector_load %arg15[%get3A_580, %get3A_581, %get3A_582] {strides = array<i32>} : memref<2x200x256xf32, #tpu.memory_space<vmem>>, vector<16xf32>,
          %add3A_584 = arith.constant 14 : i32
          %add3A_585 = arith.addi %add3A_76, %add3A_584 : i32
          %get3A_586 = arith.constant 0 : i32
          %get3A_587 = arith.index_cast %get3A_586 : i32 to index
          %get3A_588 = arith.index_cast %add3A_585 : i32 to index
          %get3A_589 = arith.constant 208 : index
          %get3A_590 = tpu.vector_load %arg15[%get3A_587, %get3A_588, %get3A_589] {strides = array<i32>} : memref<2x200x256xf32, #tpu.memory_space<vmem>>, vector<16xf32>,
          %add3A_591 = arith.constant 14 : i32
          %add3A_592 = arith.addi %add3A_76, %add3A_591 : i32
          %add3A_593 = arith.constant 1 : i32
          %add3A_594 = arith.addi %add3A_592, %add3A_593 : i32
          %get3A_595 = arith.constant 0 : i32
          %get3A_596 = arith.index_cast %get3A_595 : i32 to index
          %get3A_597 = arith.index_cast %add3A_594 : i32 to index
          %get3A_598 = arith.constant 208 : index
          %get3A_599 = tpu.vector_load %arg15[%get3A_596, %get3A_597, %get3A_598] {strides = array<i32>} : memref<2x200x256xf32, #tpu.memory_space<vmem>>, vector<16xf32>,
          %mul3A_600 = arith.mulf %mul3A_66, %get3A_576 : vector<16xf32>
          %mul3A_601 = arith.mulf %mul3A_67, %get3A_583 : vector<16xf32>
          %add3A_602 = arith.addf %mul3A_600, %mul3A_601 : vector<16xf32>
          %mul3A_603 = arith.mulf %mul3A_68, %get3A_590 : vector<16xf32>
          %add3A_604 = arith.addf %add3A_602, %mul3A_603 : vector<16xf32>
          %mul3A_605 = arith.mulf %mul3A_69, %get3A_599 : vector<16xf32>
          %add3A_606 = arith.addf %add3A_604, %mul3A_605 : vector<16xf32>
          %swap3A_607 = arith.index_cast %add3A_79 : i32 to index
          %swap3A_608 = arith.constant 208 : index
          %swap3A_609 = tpu.vector_load %arg16[%swap3A_607, %swap3A_608] {strides = array<i32>} : memref<49x256xf32, #tpu.memory_space<vmem>>, vector<16xf32>,
          tpu.vector_store %arg16[%swap3A_607, %swap3A_608], %add3A_606 {strides = array<i32>} : memref<49x256xf32, #tpu.memory_space<vmem>>, vector<16xf32>,
          %get3A_610 = arith.constant 0 : i32
          %get3A_611 = arith.index_cast %get3A_610 : i32 to index
          %get3A_612 = arith.index_cast %add3A_76 : i32 to index
          %get3A_613 = arith.constant 224 : index
          %get3A_614 = tpu.vector_load %arg15[%get3A_611, %get3A_612, %get3A_613] {strides = array<i32>} : memref<2x200x256xf32, #tpu.memory_space<vmem>>, vector<16xf32>,
          %add3A_615 = arith.constant 1 : i32
          %add3A_616 = arith.addi %add3A_76, %add3A_615 : i32
          %get3A_617 = arith.constant 0 : i32
          %get3A_618 = arith.index_cast %get3A_617 : i32 to index
          %get3A_619 = arith.index_cast %add3A_616 : i32 to index
          %get3A_620 = arith.constant 224 : index
          %get3A_621 = tpu.vector_load %arg15[%get3A_618, %get3A_619, %get3A_620] {strides = array<i32>} : memref<2x200x256xf32, #tpu.memory_space<vmem>>, vector<16xf32>,
          %add3A_622 = arith.constant 14 : i32
          %add3A_623 = arith.addi %add3A_76, %add3A_622 : i32
          %get3A_624 = arith.constant 0 : i32
          %get3A_625 = arith.index_cast %get3A_624 : i32 to index
          %get3A_626 = arith.index_cast %add3A_623 : i32 to index
          %get3A_627 = arith.constant 224 : index
          %get3A_628 = tpu.vector_load %arg15[%get3A_625, %get3A_626, %get3A_627] {strides = array<i32>} : memref<2x200x256xf32, #tpu.memory_space<vmem>>, vector<16xf32>,
          %add3A_629 = arith.constant 14 : i32
          %add3A_630 = arith.addi %add3A_76, %add3A_629 : i32
          %add3A_631 = arith.constant 1 : i32
          %add3A_632 = arith.addi %add3A_630, %add3A_631 : i32
          %get3A_633 = arith.constant 0 : i32
          %get3A_634 = arith.index_cast %get3A_633 : i32 to index
          %get3A_635 = arith.index_cast %add3A_632 : i32 to index
          %get3A_636 = arith.constant 224 : index
          %get3A_637 = tpu.vector_load %arg15[%get3A_634, %get3A_635, %get3A_636] {strides = array<i32>} : memref<2x200x256xf32, #tpu.memory_space<vmem>>, vector<16xf32>,
          %mul3A_638 = arith.mulf %mul3A_66, %get3A_614 : vector<16xf32>
          %mul3A_639 = arith.mulf %mul3A_67, %get3A_621 : vector<16xf32>
          %add3A_640 = arith.addf %mul3A_638, %mul3A_639 : vector<16xf32>
          %mul3A_641 = arith.mulf %mul3A_68, %get3A_628 : vector<16xf32>
          %add3A_642 = arith.addf %add3A_640, %mul3A_641 : vector<16xf32>
          %mul3A_643 = arith.mulf %mul3A_69, %get3A_637 : vector<16xf32>
          %add3A_644 = arith.addf %add3A_642, %mul3A_643 : vector<16xf32>
          %swap3A_645 = arith.index_cast %add3A_79 : i32 to index
          %swap3A_646 = arith.constant 224 : index
          %swap3A_647 = tpu.vector_load %arg16[%swap3A_645, %swap3A_646] {strides = array<i32>} : memref<49x256xf32, #tpu.memory_space<vmem>>, vector<16xf32>,
          tpu.vector_store %arg16[%swap3A_645, %swap3A_646], %add3A_644 {strides = array<i32>} : memref<49x256xf32, #tpu.memory_space<vmem>>, vector<16xf32>,
          %get3A_648 = arith.constant 0 : i32
          %get3A_649 = arith.index_cast %get3A_648 : i32 to index
          %get3A_650 = arith.index_cast %add3A_76 : i32 to index
          %get3A_651 = arith.constant 240 : index
          %get3A_652 = tpu.vector_load %arg15[%get3A_649, %get3A_650, %get3A_651] {strides = array<i32>} : memref<2x200x256xf32, #tpu.memory_space<vmem>>, vector<16xf32>,
          %add3A_653 = arith.constant 1 : i32
          %add3A_654 = arith.addi %add3A_76, %add3A_653 : i32
          %get3A_655 = arith.constant 0 : i32
          %get3A_656 = arith.index_cast %get3A_655 : i32 to index
          %get3A_657 = arith.index_cast %add3A_654 : i32 to index
          %get3A_658 = arith.constant 240 : index
          %get3A_659 = tpu.vector_load %arg15[%get3A_656, %get3A_657, %get3A_658] {strides = array<i32>} : memref<2x200x256xf32, #tpu.memory_space<vmem>>, vector<16xf32>,
          %add3A_660 = arith.constant 14 : i32
          %add3A_661 = arith.addi %add3A_76, %add3A_660 : i32
          %get3A_662 = arith.constant 0 : i32
          %get3A_663 = arith.index_cast %get3A_662 : i32 to index
          %get3A_664 = arith.index_cast %add3A_661 : i32 to index
          %get3A_665 = arith.constant 240 : index
          %get3A_666 = tpu.vector_load %arg15[%get3A_663, %get3A_664, %get3A_665] {strides = array<i32>} : memref<2x200x256xf32, #tpu.memory_space<vmem>>, vector<16xf32>,
          %add3A_667 = arith.constant 14 : i32
          %add3A_668 = arith.addi %add3A_76, %add3A_667 : i32
          %add3A_669 = arith.constant 1 : i32
          %add3A_670 = arith.addi %add3A_668, %add3A_669 : i32
          %get3A_671 = arith.constant 0 : i32
          %get3A_672 = arith.index_cast %get3A_671 : i32 to index
          %get3A_673 = arith.index_cast %add3A_670 : i32 to index
          %get3A_674 = arith.constant 240 : index
          %get3A_675 = tpu.vector_load %arg15[%get3A_672, %get3A_673, %get3A_674] {strides = array<i32>} : memref<2x200x256xf32, #tpu.memory_space<vmem>>, vector<16xf32>,
          %mul3A_676 = arith.mulf %mul3A_66, %get3A_652 : vector<16xf32>
          %mul3A_677 = arith.mulf %mul3A_67, %get3A_659 : vector<16xf32>
          %add3A_678 = arith.addf %mul3A_676, %mul3A_677 : vector<16xf32>
          %mul3A_679 = arith.mulf %mul3A_68, %get3A_666 : vector<16xf32>
          %add3A_680 = arith.addf %add3A_678, %mul3A_679 : vector<16xf32>
          %mul3A_681 = arith.mulf %mul3A_69, %get3A_675 : vector<16xf32>
          %add3A_682 = arith.addf %add3A_680, %mul3A_681 : vector<16xf32>
          %swap3A_683 = arith.index_cast %add3A_79 : i32 to index
          %swap3A_684 = arith.constant 240 : index
          %swap3A_685 = tpu.vector_load %arg16[%swap3A_683, %swap3A_684] {strides = array<i32>} : memref<49x256xf32, #tpu.memory_space<vmem>>, vector<16xf32>,
          tpu.vector_store %arg16[%swap3A_683, %swap3A_684], %add3A_682 {strides = array<i32>} : memref<49x256xf32, #tpu.memory_space<vmem>>, vector<16xf32>,
        }
        %scan3A_59 = arith.constant 7 : i32
      }
      %scan3A_46 = arith.constant 7 : i32
      %add3A_47 = arith.addi %mul3A_2, %sub3A_39 : i32
      "tpu.region"() ({
        %run_scoped3A = tpu.sem_alloc : memref<!tpu.dma_semaphore, #tpu.memory_space<semaphore_mem>>
        %dma_start3A = arith.constant 0 : i32
        %dma_start3A_48 = arith.constant 0 : i32
        %dma_start3A_49 = tpu.memref_slice %arg10[%add3A_47, %dma_start3A, %dma_start3A_48] : memref<2000x49x256xf32, #tpu.memory_space<hbm>> -> memref<1x49x256xf32, #tpu.memory_space<hbm>>
        %dma_start3A_50 = tpu.memref_squeeze %dma_start3A_49 : memref<1x49x256xf32, #tpu.memory_space<hbm>> -> memref<49x256xf32, #tpu.memory_space<hbm>>
        %dma_start3A_51 = arith.constant 0 : i32
        %dma_start3A_52 = arith.constant 0 : i32
        %dma_start3A_53 = tpu.memref_slice %arg10[%add3A_47, %dma_start3A_51, %dma_start3A_52] : memref<2000x49x256xf32, #tpu.memory_space<hbm>> -> memref<1x49x256xf32, #tpu.memory_space<hbm>>
        %dma_start3A_54 = tpu.memref_squeeze %dma_start3A_53 : memref<1x49x256xf32, #tpu.memory_space<hbm>> -> memref<49x256xf32, #tpu.memory_space<hbm>>
        tpu.enqueue_dma source(%arg16 : memref<49x256xf32, #tpu.memory_space<vmem>>) target(%dma_start3A_54 : memref<49x256xf32, #tpu.memory_space<hbm>>) target_semaphore(%run_scoped3A : memref<!tpu.dma_semaphore, #tpu.memory_space<semaphore_mem>>)
        %dma_wait3A = arith.constant 0 : i32
        %dma_wait3A_55 = arith.constant 0 : i32
        %dma_wait3A_56 = tpu.memref_slice %arg10[%add3A_47, %dma_wait3A, %dma_wait3A_55] : memref<2000x49x256xf32, #tpu.memory_space<hbm>> -> memref<1x49x256xf32, #tpu.memory_space<hbm>>
        %dma_wait3A_57 = tpu.memref_squeeze %dma_wait3A_56 : memref<1x49x256xf32, #tpu.memory_space<hbm>> -> memref<49x256xf32, #tpu.memory_space<hbm>>
        %dma_wait3A_58 = arith.constant 0 : i32
        %dma_wait3A_59 = arith.constant 0 : i32
        %dma_wait3A_60 = tpu.memref_slice %arg10[%add3A_47, %dma_wait3A_58, %dma_wait3A_59] : memref<2000x49x256xf32, #tpu.memory_space<hbm>> -> memref<1x49x256xf32, #tpu.memory_space<hbm>>
        %dma_wait3A_61 = tpu.memref_squeeze %dma_wait3A_60 : memref<1x49x256xf32, #tpu.memory_space<hbm>> -> memref<49x256xf32, #tpu.memory_space<hbm>>
        tpu.wait_dma2 semaphore(%run_scoped3A : memref<!tpu.dma_semaphore, #tpu.memory_space<semaphore_mem>>) src(%arg16 : memref<49x256xf32, #tpu.memory_space<vmem>>) dst(%dma_wait3A_61 : memref<49x256xf32, #tpu.memory_space<hbm>>)
        tpu.yield
      }) : () -> ()
    }
    %scan3A_8 = arith.constant 64 : i32
    return
  }
}

</mosaic_0001>

<sc_bundles>
// kernel: kernel.3.cloned.1.call-start
scs
__scs_entry_jumppad:
0x0: {  	(pc) =	sbr.rel $0x88, $3  }
0x1: {  	(tag) =	ssettag $0x0;
	lr =	simm.s32 $0x1  }
0x2: {  	[smem:$0x3F9B] =	sst lr;
	_ =	strace $0xD0000000  }
0x3: {  	_ = 	snop  }
0x4: {  	_ = 	snop  }
0x5: {  	_ = 	snop  }
0x6: {  	_ = 	snop  }
0x7: {  	_ = 	snop  }
__scs_overlays_trampoline_lowered:
0x8: {  	[smem:$0x3FAA] =	sst s0  }
0x9: {  	[smem:$0x3FAB] =	sst s1  }
0xa: {  	[smem:$0x3FAC] =	sst s2  }
0xb: {  	[smem:$0x3FAD] =	sst s3  }
0xc: {  	[smem:$0x3FAE] =	sst s4  }
0xd: {  	[smem:$0x3FAF] =	sst s5  }
0xe: {  	[smem:$0x3FB0] =	sst s6  }
0xf: {  	[smem:$0x3FB1] =	sst s7  }
0x10: {  	[smem:$0x3FB2] =	sst s8  }
0x11: {  	[smem:$0x3FB3] =	sst s9;
	s0 =	simm.s32 @!p0 $0x0  }
0x12: {  	s1 =	sld [smem:$0x3F99];
	s0 =	simm.s32 @p0 $0x1  }
0x13: {  	[smem:$0x3FB4] =	sst s0;
	s0 =	simm.s32 @!p1 $0x0  }
0x14: {  	s2 =	sld [smem:$0x3F98];
	s0 =	simm.s32 @p1 $0x1  }
0x15: {  	[smem:$0x3FB5] =	sst s0;
	s0 =	simm.s32 @!p2 $0x0  }
0x16: {  	s3 =	sld [smem:$0x3FDB];
	s0 =	simm.s32 @p2 $0x1  }
0x17: {  	s4 =	simm.s32 $0x1BF5;
	[smem:$0x3FB7] =	sst s0  }
0x18: {  	s0 =	sld [smem:$0x3F9A];
	_ =	swait.ge [sflag:s4], $0x0  }
0x19: {  	s7 =	sld [smem:$0x3F9B]  }
0x1a: {  	s8 =	sadd.s32 $0xFFFFE003, lr  }
0x1b: {  	s9 =	sadd.s32 $0xFFFFFEF7, lr;
	s5 =	simm.s32 $0xFFFFFFFF;
	p2 =	slt.u32 s8, $0xFFFFF086  }
0x1c: {  	p1 =	slt.u32 s9, $0xF7A;
	s5 =	simm.s32 @!p2 $0x0  }
0x1d: {  	s5 =	simm.s32 @p1 $0x1;
	p0 =	seq.s32 s7, s2  }
0x1e: {  	s7 =	smul.u32 @!p0 $0xF7A, s2;
	p2 =	seq.s32 @!p0 s5, $0x0  }
0x1f: {  	s9 =	smul.u32 $0xF7A, s1;
	s8 =	simm.s32 @!p0 $0x1BF5;
	p2 =	por !p2, p0  }
0x20: {  	[sflag:s8] =	ssyncset.s32 @!p0 $0xFFFFF086;
	s6 =	sadd.s32 @!p0 s3, s7;
	s7 =	simm.s32 @!p0 $0x108  }
0x21: {  	s3 =	sadd.s32 s3, s9;
	s6 =	sadd.s32 @!p0 $0x88, s6;
	s7 =	simm.s32 @p2 $0x1082  }
0x22: {  	[simem:s7], [sflag:s8] =	dma.local @!p0 [hbm:s6], $0xF7A  }
0x23: {  	s9 =	sor.u32 $0xD0000000, s2;
	s6 =	simm.s32 $0x108;
	_ =	swait.ge @!p0 [sflag:s8], $0x0  }
0x24: {  	s3 =	sadd.s32 $0x88, s3;
	s6 =	simm.s32 @!p1 $0x1082;
	[sflag:s4] =	ssyncset.s32 $0xFFFFF086  }
0x25: {  	[simem:s6], [sflag:s4] =	dma.local [hbm:s3], $0xF7A  }
0x26: {  	[smem:$0x3F9B] =	sst s1;
	(tag) =	ssettag s2;
	_ =	strace s9  }
0x27: {  	s1 =	sld [smem:$0x3FAB]  }
0x28: {  	s2 =	sld [smem:$0x3FAC]  }
0x29: {  	s4 =	sld [smem:$0x3FAE]  }
0x2a: {  	p0 =	seq.s32 s5, $0x0;
	s5 =	sld [smem:$0x3FAF]  }
0x2b: {  	s6 =	sld [smem:$0x3FB0]  }
0x2c: {  	s7 =	sld [smem:$0x3FB1]  }
0x2d: {  	s3 =	simm.s32 $0x108;
	s8 =	sld [smem:$0x3FB2]  }
0x2e: {  	s3 =	simm.s32 @!p0 $0x1082;
	s9 =	sld [smem:$0x3FB3]  }
0x2f: {  	lr =	sadd.s32 s0, s3;
	s0 =	sld [smem:$0x3FAA]  }
0x30: {  	s3 =	sld [smem:$0x3FAD]  }
0x31: {  	[smem:$0x3FB6] =	sst s10  }
0x32: {  	s10 =	sld [smem:$0x3FB4];
	_ =	sdelay $0x3  }
0x33: {  	p0 =	seq.s32 s10, $0x1;
	s10 =	sld [smem:$0x3FB6];
	_ =	sdelay $0x3  }
0x34: {  	[smem:$0x3FB6] =	sst s10  }
0x35: {  	s10 =	sld [smem:$0x3FB5];
	_ =	sdelay $0x3  }
0x36: {  	p1 =	seq.s32 s10, $0x1;
	s10 =	sld [smem:$0x3FB6];
	_ =	sdelay $0x3  }
0x37: {  	[smem:$0x3FB6] =	sst s10  }
0x38: {  	s10 =	sld [smem:$0x3FB7]  }
0x39: {  	_ = 	snop;
	(pc) =	sbr.ind lr, $3  }
0x3a: {  	_ = 	snop  }
0x3b: {  	_ = 	snop  }
0x3c: {  	p2 =	seq.s32 s10, $0x1;
	s10 =	sld [smem:$0x3FB6]  }
0x3d: {  	_ =	shalt  }
0x3e: {  	_ =	shalt  }
0x3f: {  	_ =	shalt  }
0x40: {  	_ =	shalt  }
0x41: {  	_ =	shalt  }
0x42: {  	_ =	shalt  }
0x43: {  	_ =	shalt  }
0x44: {  	_ =	shalt  }
0x45: {  	_ =	shalt  }
0x46: {  	_ =	shalt  }
0x47: {  	_ =	shalt  }
0x48: {  	_ =	shalt  }
0x49: {  	_ =	shalt  }
0x4a: {  	_ =	shalt  }
0x4b: {  	_ =	shalt  }
0x4c: {  	_ =	shalt  }
0x4d: {  	_ =	shalt  }
0x4e: {  	_ =	shalt  }
0x4f: {  	_ =	shalt  }
0x50: {  	_ =	shalt  }
0x51: {  	_ =	shalt  }
0x52: {  	_ =	shalt  }
0x53: {  	_ =	shalt  }
0x54: {  	_ =	shalt  }
0x55: {  	_ =	shalt  }
0x56: {  	_ =	shalt  }
0x57: {  	_ =	shalt  }
0x58: {  	_ =	shalt  }
0x59: {  	_ =	shalt  }
0x5a: {  	_ =	shalt  }
0x5b: {  	_ =	shalt  }
0x5c: {  	_ =	shalt  }
0x5d: {  	_ =	shalt  }
0x5e: {  	_ =	shalt  }
0x5f: {  	_ =	shalt  }
0x60: {  	_ =	shalt  }
0x61: {  	_ =	shalt  }
0x62: {  	_ =	shalt  }
0x63: {  	_ =	shalt  }
0x64: {  	_ =	shalt  }
0x65: {  	_ =	shalt  }
0x66: {  	_ =	shalt  }
0x67: {  	_ =	shalt  }
0x68: {  	_ =	shalt  }
0x69: {  	_ =	shalt  }
0x6a: {  	_ =	shalt  }
0x6b: {  	_ =	shalt  }
0x6c: {  	_ =	shalt  }
0x6d: {  	_ =	shalt  }
0x6e: {  	_ =	shalt  }
0x6f: {  	_ =	shalt  }
0x70: {  	_ =	shalt  }
0x71: {  	_ =	shalt  }
0x72: {  	_ =	shalt  }
0x73: {  	_ =	shalt  }
0x74: {  	_ =	shalt  }
0x75: {  	_ =	shalt  }
0x76: {  	_ =	shalt  }
0x77: {  	_ =	shalt  }
0x78: {  	_ =	shalt  }
0x79: {  	_ =	shalt  }
0x7a: {  	_ =	shalt  }
0x7b: {  	_ =	shalt  }
0x7c: {  	_ =	shalt  }
0x7d: {  	_ =	shalt  }
0x7e: {  	_ =	shalt  }
0x7f: {  	_ =	shalt  }
0x80: {  	_ =	shalt  }
0x81: {  	_ =	shalt  }
0x82: {  	_ =	shalt  }
0x83: {  	_ =	shalt  }
0x84: {  	_ =	shalt  }
0x85: {  	_ =	shalt  }
0x86: {  	_ =	shalt  }
0x87: {  	_ =	shalt  }
.Lfunc_end0:
.L_simem_size_0:
called_computation.4_lowered:
.L_overlay_start_0:
0x88: {  	s2 =	sld [smem:$0x3FD9]  }
0x89: {  	s3 =	sld [smem:$0x3FFE];
	_ =	sdelay $0x1  }
0x8a: {  	s1 =	srdreg.scid  }
0x8b: {  	s0 =	sand.u32 $0x1, s1  }
0x8c: {  	s17 =	sshll.u32 s0, $0xA;
	s2 =	sadd.s32 s3, s2  }
0x8d: {  	s2 =	sadd.s32 s2, s17  }
0x8e: {  	[smem:$0x3FC2] =	sst s2  }
0x8f: {  	_ = 	snop  }
0x90: {  	s2 =	sld [smem:$0x3FD0];
	(tm) =	ssettm $0x1  }
0x91: {  	s18 =	sld [smem:$0x3FFB];
	_ =	sdelay $0x3  }
0x92: {  	_ =	strace s18  }
0x93: {  	s3 =	sld [smem:$0x3FFC];
	_ =	sdelay $0x3  }
0x94: {  	_ =	strace s3  }
0x95: {  	s3 =	sld [smem:$0x3FFD];
	_ =	sdelay $0x3  }
0x96: {  	_ =	strace s3  }
0x97: {  	_ =	strace $0x8FFFFFFF  }
0x98: {  	s19 =	sld [smem:$0x3FDB];
	_ =	sdelay $0x1  }
0x99: {  	s4 =	simm.s32 $_scs_section_size  }
0x9a: {  	s5 =	simm.s32 $_size__tile_overlayer_lowered;
	s6 =	simm.s32 $_tile_overlayer_lowered  }
0x9b: {  	s22 =	simm.s32 $0x1BFF;
	s21 =	sshll.u32 s6, $0x1;
	s3 =	sadd.s32 s4, s19  }
0x9c: {  	s7 =	simm.s32 $0x0;
	s20 =	sshll.u32 s5, $0x1;
	s5 =	sadd.s32 s21, s3  }
0x9d: {  	[timem:s7], [sflag:s22] =	dma.local [hbm:s5], s20  }
0x9e: {  	_ =	swait.ge [sflag:s22], s20  }
0x9f: {  	s4 =	ssub.s32 $0x0, s20;
	[sflag:s22] =	ssyncset.done $0x0  }
0xa0: {  	[sflag:s22] =	ssyncadd.s32 s4;
	_ =	sdelay $0x1  }
0xa1: {  	s23 =	simm.s32 $0x1B8B  }
0xa2: {  	_ =	swait.ge [sflag:s23], $0x1  }
0xa3: {  	[sflag:s23] =	ssyncset.done $0x0  }
0xa4: {  	s25 =	simm.s32 $0x1B8E;
	s24 =	sld [smem:$0x3FFE];
	[sflag:s23] =	ssyncadd.s32 $0xFFFFFFFF  }
0xa5: {  	s26 =	simm.s32 $execute0_lowered;
	[smem:$0x3FD2] =	sst s25  }
0xa6: {  	s5 =	sshll.u32 s26, $0x1;
	_ =	strace $0x8000004C;
	[dreg:$0x1] =	wrdreg $0xFFFFFFFF  }
0xa7: {  	s28 =	simm.s32 $_size_execute0_lowered;
	s3 =	sadd.s32 s3, s5;
	[dreg:$0x0] =	wrdreg $0x0  }
0xa8: {  	s5 =	sshll.u32 s28, $0x1;
	[dreg:$0x2] =	wrdreg s3  }
0xa9: {  	[dreg:$0x3] =	wrdreg s5  }
0xaa: {  	[dreg:$0x4] =	wrdreg $0xC0  }
0xab: {  	_ =	task [dreg:s7], $0x5FFFF  }
0xac: {  	[dreg:$0x1] =	wrdreg $0xFFFFFFFF  }
0xad: {  	[dreg:$0x0] =	wrdreg $0x60  }
0xae: {  	[dreg:$0x2] =	wrdreg s24  }
0xaf: {  	[dreg:$0x3] =	wrdreg s2  }
0xb0: {  	[dreg:$0x4] =	wrdreg $0x9  }
0xb1: {  	_ =	task.clear_ibuf [dreg:s7], $0x5FFFF;
	_ =	strace $0x9000004C  }
0xb2: {  	s29 =	simm.s32 $0x9;
	_ =	strace $0x8000004E  }
0xb3: {  	_ =	swait.ge [sflag:s29], $0x1  }
0xb4: {  	[sflag:s29] =	ssyncadd.s32 $0xFFFFFFFF  }
0xb5: {  	_ =	strace $0x9000004E  }
0xb6: {  	_ =	sfence  }
0xb7: {  	s30 =	sld [smem:$0x0];
	_ =	sdelay $0x2  }
0xb8: {  	s31 =	sshll.u32 s1, $0xD;
	s1 =	sshrl.u32 s1, $0x2  }
0xb9: {  	s3 =	sand.u32 $0x4000, s31;
	s1 =	sadd.s32 s1, s30  }
0xba: {  	s0 =	sor.u32 s3, s0;
	s1 =	sshll.u32 s1, $0x11  }
0xbb: {  	s0 =	sor.u32 s1, s0  }
0xbc: {  	s0 =	sadd.s32 $0x8F2B, s0  }
0xbd: {  	[sflag:s0] =	ssyncadd.remote.s32 $0x1  }
0xbe: {  	_ =	sfence.sel $0xFFFF  }
0xbf: {  	[dreg:$0x0] =	wrdreg $0xFFFFFFFF;
	(pc) =	sbr.abs _section_cstart, $3  }
0xc0: {  	[dreg:$0x1] =	wrdreg $0xFFFFFFFF  }
0xc1: {  	_ =	task.clear_ibuf [dreg:s7], $0x2FFFF;
	_ =	strace $0x9FFFFFFF  }
0xc2: {  	(tm) =	ssettm $0x7FFFFFFF  }
0xc3: {  	_ =	shalt  }
tec
execute0_lowered:
.L_overlay_start_1:
0x0: {  	(tag) =	ssettag $0x1  }
0x1: {  	s0 =	rddreg [dreg:$0x0]  }
0x2: {  	s2 =	rddreg [dreg:$0x1]  }
0x3: {  	s1 =	srdreg.scid;
	s4 =	stileid.u32;
	s3 =	simm.s32 $0x0  }
0x4: {  	s14 =	simm.s32 $0x3400;
	s15 =	simm.s32 $0x3;
	s16 =	simm.s32 $0x3440  }
0x5: {  	s17 =	simm.s32 $0x3640;
	s18 =	simm.s32 $0x68;
	s19 =	simm.s32 $0x3840  }
0x6: {  	s20 =	simm.s32 $0x60;
	s21 =	simm.s32 $0xA040;
	s22 =	simm.s32 $0x1  }
0x7: {  	s23 =	simm.s32 $0x1C840;
	s24 =	simm.s32 $0x0;
	s1 =	sand.u32 $0x1, s1  }
0x8: {  	s4 =	sshll.u32 s4, $0x7;
	[smem:$0x7FF] =	sst s3;
	s5 =	sshll.u32 s1, $0x6  }
0x9: {  	s6 =	sadd.s32 $0x2E00, s0;
	s7 =	sadd.s32 $0x520E00, s0;
	s4 =	sor.u32 s5, s4  }
0xa: {  	s8 =	sadd.s32 $0x510E00, s0;
	s9 =	smul.u32 $0x1A, s4;
	s10 =	sshrl.u32 s4, $0x3  }
0xb: {  	_ =	strace $0x8000004D;
	s5 =	sadd.s32 $0x102E00, s0;
	s10 =	sadd.s32 s10, s0  }
0xc: {  	s9 =	sadd.s32 s9, s0;
	s0 =	sadd.s32 s4, s0;
	s10 =	sadd.s32 $0x560E00, s10  }
0xd: {  	s1 =	ssub.s32 $0x2, s1;
	[dreg:$0x3] =	wrdreg s10;
	s30 =	sadd.s32 $0x510600, s0  }
0xe: {  	s11 =	sshrl.u32 s1, $0x1;
	s0 =	sadd.s32 $0x50FE00, s0;
	[dreg:$0x4] =	wrdreg s30  }
0xf: {  	s1 =	ssub.s32 s1, s11;
	s31 =	sadd.s32 $0x502E00, s9;
	[dreg:$0x5] =	wrdreg s0  }
0x10: {  	s28 =	simm.s32 $0x0;
	s13 =	smax.u32 s1, $0x1;
	[dreg:$0x6] =	wrdreg s31  }
.LBB2_1:
0x11: {  	s0 =	rddreg [dreg:$0x3]  }
0x12: {  	[tilespmem:s14], [sflag:$0x3] =	stream.linear.gather [hbm4b:s0+s3], $0x40, $0x38;
	[tilespmem:$0x1F940] =	vst v63  }
0x13: {  	_ =	swait.ge [sflag:s15], $0x40  }
0x14: {  	[sflag:s15] =	ssyncset.done $0x0  }
0x15: {  	s29 =	rddreg [dreg:$0x4];
	[sflag:s15] =	ssyncadd.s32 $0xFFFFFFC0  }
0x16: {  	[tilespmem:s16], [sflag:$0x3] =	stream.linear.gather [hbm4b:s29+s3], $0x200, $0x38;
	[tilespmem:$0x1F940] =	vst v63  }
0x17: {  	_ =	swait.ge [sflag:s15], $0x200  }
0x18: {  	[sflag:s15] =	ssyncset.done $0x0  }
0x19: {  	s30 =	rddreg [dreg:$0x5];
	[sflag:s15] =	ssyncadd.s32 $0xFFFFFE00  }
0x1a: {  	[tilespmem:s17], [sflag:$0x3] =	stream.linear.gather [hbm4b:s30+s3], $0x200, $0x38;
	[tilespmem:$0x1F940] =	vst v63  }
0x1b: {  	_ =	swait.ge [sflag:s15], $0x200  }
0x1c: {  	[sflag:s15] =	ssyncset.done $0x0  }
0x1d: {  	s31 =	rddreg [dreg:$0x6];
	[sflag:s15] =	ssyncadd.s32 $0xFFFFFE00  }
0x1e: {  	[tilespmem:s3], [sflag:$0x3] =	stream.linear.gather [hbm4b:s31+s3], $0x3400, $0x38;
	[tilespmem:$0x1F940] =	vst v63  }
0x1f: {  	_ =	swait.ge [sflag:s15], $0x3400  }
0x20: {  	[sflag:s15] =	ssyncset.done $0x0  }
0x21: {  	s25 =	simm.s32 $0x0;
	[sflag:s15] =	ssyncadd.s32 $0xFFFFCC00  }
.LBB2_2:
0x22: {  	s26 =	sor.u32 s4, s25  }
0x23: {  	p0 =	slt.s32 s26, $0x7CF  }
0x24: {  	s26 =	simm.s32 @!p0 $0x7CF  }
0x25: {  	s0 =	ssub.s32 s26, s4  }
0x26: {  	v0 =	vmov s0;
	_ =	sdelay $0x4  }
0x27: {  	v1 =	vld.idx.msk [tilespmem:v0+s14+$0x0], $0xffff;
	_ =	sdelay $0x4  }
0x28: {  	v1 =	vxor.u32 $0x80000000, v1  }
0x29: {  	(xrf0) =	vmax.scan.msk.u32 $0xffff, v1;
	_ =	sdelay $0x5  }
0x2a: {  	v1, _, _ =	vpop (xrf0)  }
0x2b: {  	(v2sf) =	vpush v1, $0xF;
	_ =	sdelay $0xe  }
0x2c: {  	s1 =	spop (v2sf)  }
0x2d: {  	s1 =	sxor.u32 $0x80000000, s1  }
0x2e: {  	p0 =	sgt.s32 s1, $0x3  }
.Ltmp0:
0x2f: {  	_ = 	snop;
	(pc) =	sbr.rel @p0 .LBB2_5-.Ltmp0, $1  }
0x30: {  	_ =	sdelay $0x3  }
0x31: {  	p0 =	seq.s32 s1, $0x2  }
0x32: {  	p1 =	seq.s32 @!p0 s1, $0x3  }
0x33: {  	p1 =	por p0, p1  }
.Ltmp1:
0x34: {  	_ = 	snop;
	(pc) =	sbr.rel @!p1 .LBB2_9-.Ltmp1, $1  }
0x35: {  	_ =	sdelay $0x3  }
.Ltmp2:
0x36: {  	(pc) =	sbr.rel .LBB2_8-.Ltmp2, $3  }
0x37: {  	_ =	sdelay $0x1  }
0x38: {  	s9 =	smov.u32 s6  }
0x39: {  	s9 =	smov.u32 @p0 s5  }
.LBB2_5:
0x3a: {  	p0 =	seq.s32 s1, $0x4  }
.Ltmp3:
0x3b: {  	_ = 	snop;
	(pc) =	sbr.rel @p0 .LBB2_8-.Ltmp3, $2  }
0x3c: {  	_ =	sdelay $0x2  }
0x3d: {  	s9 =	smov.u32 s7  }
0x3e: {  	p0 =	seq.s32 s1, $0x5  }
.Ltmp4:
0x3f: {  	_ = 	snop;
	(pc) =	sbr.rel @!p0 .LBB2_9-.Ltmp4, $1  }
0x40: {  	_ =	sdelay $0x3  }
0x41: {  	s9 =	smov.u32 s8  }
.LBB2_8:
0x42: {  	s0 =	smul.u32 $0x340, s0;
	_ =	sdelay $0x1  }
0x43: {  	s0 =	sshra.s32 s0, $0x2  }
0x44: {  	[tilespmem:s19], [sflag:$0x1] =	stream.indirect.gather [hbm4b:s9+s18], $0x100, s0, s18, $0xb8;
	[tilespmem:$0x1F940] =	vst v63  }
0x45: {  	s0 =	sadd.s32 $0x68, s0  }
0x46: {  	[tilespmem:s21], [sflag:$0x1] =	stream.indirect.gather [hbm4b:s9+s20], $0x100, s0, s20, $0xb8;
	[tilespmem:$0x1F940] =	vst v63  }
0x47: {  	_ =	swait.ge [sflag:s22], $0x6800  }
0x48: {  	[sflag:s22] =	ssyncset.done $0x0  }
0x49: {  	[sflag:s22] =	ssyncadd.s32 $0xFFFF9800  }
0x4a: {  	_ =	swait.ge [sflag:s22], $0x6000  }
0x4b: {  	[sflag:s22] =	ssyncset.done $0x0  }
0x4c: {  	[sflag:s22] =	ssyncadd.s32 $0xFFFFA000  }
.LBB2_9:
0x4d: {  	v0 =	vshll.u32 v0, $0x3;
	s10 =	simm.s32 $0x4830;
	s11 =	simm.s32 $0x1C8C0;
	s31 =	simm.s32 $0x0  }
.LBB2_10:
0x4e: {  	v1 =	vmov s31  }
0x4f: {  	v2 =	vmov s28;
	v1 =	vand.u32 $0x7, v1  }
0x50: {  	v2 =	vand.u32 $0x7, v2;
	v1 =	vbroadcast v1, $0x0  }
0x51: {  	v2 =	vbroadcast v2, $0x0  }
0x52: {  	v1 =	vor.u32 v0, v1  }
0x53: {  	v2 =	vor.u32 v0, v2;
	_ =	sdelay $0x3  }
0x54: {  	v1 =	vld.idx.msk [tilespmem:v1+s16+$0x0], $0xffff  }
0x55: {  	v4 =	vld.idx.msk [tilespmem:v2+s17+$0x0], $0xffff;
	_ =	sdelay $0x2  }
0x56: {  	v7 =	vld [tilespmem:s10+$0xFFFFF010]  }
0x57: {  	v8 =	vld [tilespmem:s10+$0xFFFFF110]  }
0x58: {  	v2 =	vsub.f32 $1.000000000e+00, v1;
	v5 =	vsub.f32 $1.000000000e+00, v4  }
0x59: {  	v9 =	vld [tilespmem:s10+$0xFFFFFE10]  }
0x5a: {  	v3 =	vmul.f32 v4, v2;
	v6 =	vmul.f32 v5, v2  }
0x5b: {  	v10 =	vld [tilespmem:s10+$0xFFFFFF10];
	v5 =	vmul.f32 v5, v1  }
0x5c: {  	v8 =	vmul.f32 v8, v3;
	v7 =	vmul.f32 v6, v7;
	_ =	sdelay $0x1  }
0x5d: {  	v4 =	vmul.f32 v4, v1;
	v9 =	vmul.f32 v9, v5;
	v7 =	vadd.f32 v8, v7;
	_ =	sdelay $0x1  }
0x5e: {  	v8 =	vmul.f32 v10, v4;
	v7 =	vadd.f32 v9, v7;
	_ =	sdelay $0x1  }
0x5f: {  	v7 =	vadd.f32 v8, v7;
	_ =	sdelay $0x1  }
0x60: {  	[tilespmem:s11+$0xFFFFFF80] =	vst v7  }
0x61: {  	v7 =	vld [tilespmem:s10+$0xFFFFF020]  }
0x62: {  	v8 =	vld [tilespmem:s10+$0xFFFFF120];
	_ =	sdelay $0x1  }
0x63: {  	v9 =	vld [tilespmem:s10+$0xFFFFFE20];
	_ =	sdelay $0x1  }
0x64: {  	v10 =	vld [tilespmem:s10+$0xFFFFFF20]  }
0x65: {  	v7 =	vmul.f32 v7, v6;
	v8 =	vmul.f32 v8, v3;
	_ =	sdelay $0x1  }
0x66: {  	v9 =	vmul.f32 v9, v5;
	v7 =	vadd.f32 v8, v7;
	_ =	sdelay $0x1  }
0x67: {  	v8 =	vmul.f32 v10, v4;
	v7 =	vadd.f32 v9, v7;
	_ =	sdelay $0x1  }
0x68: {  	v7 =	vadd.f32 v8, v7;
	_ =	sdelay $0x1  }
0x69: {  	[tilespmem:s11+$0xFFFFFF90] =	vst v7  }
0x6a: {  	v7 =	vld [tilespmem:s10+$0xFFFFF030]  }
0x6b: {  	v8 =	vld [tilespmem:s10+$0xFFFFF130];
	_ =	sdelay $0x1  }
0x6c: {  	v9 =	vld [tilespmem:s10+$0xFFFFFE30];
	_ =	sdelay $0x1  }
0x6d: {  	v10 =	vld [tilespmem:s10+$0xFFFFFF30]  }
0x6e: {  	v7 =	vmul.f32 v7, v6;
	v8 =	vmul.f32 v8, v3;
	_ =	sdelay $0x1  }
0x6f: {  	v7 =	vadd.f32 v8, v7;
	v8 =	vmul.f32 v9, v5;
	_ =	sdelay $0x1  }
0x70: {  	v7 =	vadd.f32 v8, v7;
	v8 =	vmul.f32 v10, v4;
	_ =	sdelay $0x1  }
0x71: {  	v7 =	vadd.f32 v8, v7;
	_ =	sdelay $0x1  }
0x72: {  	[tilespmem:s11+$0xFFFFFFA0] =	vst v7  }
0x73: {  	v7 =	vld [tilespmem:s10+$0xFFFFF040]  }
0x74: {  	v8 =	vld [tilespmem:s10+$0xFFFFF140];
	_ =	sdelay $0x1  }
0x75: {  	v9 =	vld [tilespmem:s10+$0xFFFFFE40];
	_ =	sdelay $0x1  }
0x76: {  	v10 =	vld [tilespmem:s10+$0xFFFFFF40]  }
0x77: {  	v7 =	vmul.f32 v7, v6;
	v8 =	vmul.f32 v8, v3;
	_ =	sdelay $0x1  }
0x78: {  	v7 =	vadd.f32 v8, v7;
	v8 =	vmul.f32 v9, v5;
	_ =	sdelay $0x1  }
0x79: {  	v7 =	vadd.f32 v8, v7;
	v8 =	vmul.f32 v10, v4;
	_ =	sdelay $0x1  }
0x7a: {  	v7 =	vadd.f32 v8, v7;
	_ =	sdelay $0x1  }
0x7b: {  	[tilespmem:s11+$0xFFFFFFB0] =	vst v7  }
0x7c: {  	v7 =	vld [tilespmem:s10+$0xFFFFF050]  }
0x7d: {  	v8 =	vld [tilespmem:s10+$0xFFFFF150];
	_ =	sdelay $0x1  }
0x7e: {  	v9 =	vld [tilespmem:s10+$0xFFFFFE50];
	_ =	sdelay $0x1  }
0x7f: {  	v10 =	vld [tilespmem:s10+$0xFFFFFF50]  }
0x80: {  	v7 =	vmul.f32 v7, v6;
	v8 =	vmul.f32 v8, v3;
	_ =	sdelay $0x1  }
0x81: {  	v7 =	vadd.f32 v8, v7;
	v8 =	vmul.f32 v9, v5;
	_ =	sdelay $0x1  }
0x82: {  	v9 =	vmul.f32 v10, v4;
	v7 =	vadd.f32 v8, v7;
	_ =	sdelay $0x1  }
0x83: {  	v7 =	vadd.f32 v9, v7;
	_ =	sdelay $0x1  }
0x84: {  	[tilespmem:s11+$0xFFFFFFC0] =	vst v7  }
0x85: {  	v7 =	vld [tilespmem:s10+$0xFFFFF060]  }
0x86: {  	v8 =	vld [tilespmem:s10+$0xFFFFF160];
	_ =	sdelay $0x1  }
0x87: {  	v9 =	vld [tilespmem:s10+$0xFFFFFE60];
	_ =	sdelay $0x1  }
0x88: {  	v10 =	vld [tilespmem:s10+$0xFFFFFF60]  }
0x89: {  	v7 =	vmul.f32 v7, v6;
	v8 =	vmul.f32 v8, v3;
	_ =	sdelay $0x1  }
0x8a: {  	v9 =	vmul.f32 v9, v5;
	v7 =	vadd.f32 v8, v7;
	_ =	sdelay $0x1  }
0x8b: {  	v8 =	vmul.f32 v10, v4;
	v7 =	vadd.f32 v9, v7;
	_ =	sdelay $0x1  }
0x8c: {  	v7 =	vadd.f32 v8, v7;
	_ =	sdelay $0x1  }
0x8d: {  	[tilespmem:s11+$0xFFFFFFD0] =	vst v7  }
0x8e: {  	v7 =	vld [tilespmem:s10+$0xFFFFF070]  }
0x8f: {  	v8 =	vld [tilespmem:s10+$0xFFFFF170];
	_ =	sdelay $0x1  }
0x90: {  	v9 =	vld [tilespmem:s10+$0xFFFFFE70];
	_ =	sdelay $0x1  }
0x91: {  	v10 =	vld [tilespmem:s10+$0xFFFFFF70]  }
0x92: {  	v7 =	vmul.f32 v7, v6;
	v8 =	vmul.f32 v8, v3;
	_ =	sdelay $0x1  }
0x93: {  	v9 =	vmul.f32 v9, v5;
	v7 =	vadd.f32 v8, v7;
	_ =	sdelay $0x1  }
0x94: {  	v8 =	vmul.f32 v10, v4;
	v7 =	vadd.f32 v9, v7;
	_ =	sdelay $0x1  }
0x95: {  	v7 =	vadd.f32 v8, v7;
	_ =	sdelay $0x1  }
0x96: {  	[tilespmem:s11+$0xFFFFFFE0] =	vst v7  }
0x97: {  	v7 =	vld [tilespmem:s10+$0xFFFFF080]  }
0x98: {  	v8 =	vld [tilespmem:s10+$0xFFFFF180];
	_ =	sdelay $0x1  }
0x99: {  	v9 =	vld [tilespmem:s10+$0xFFFFFE80];
	_ =	sdelay $0x1  }
0x9a: {  	v10 =	vld [tilespmem:s10+$0xFFFFFF80]  }
0x9b: {  	v7 =	vmul.f32 v7, v6;
	v8 =	vmul.f32 v8, v3;
	_ =	sdelay $0x1  }
0x9c: {  	v9 =	vmul.f32 v9, v5;
	v7 =	vadd.f32 v8, v7;
	_ =	sdelay $0x1  }
0x9d: {  	v8 =	vmul.f32 v10, v4;
	v7 =	vadd.f32 v9, v7;
	_ =	sdelay $0x1  }
0x9e: {  	v7 =	vadd.f32 v8, v7;
	_ =	sdelay $0x1  }
0x9f: {  	[tilespmem:s11+$0xFFFFFFF0] =	vst v7  }
0xa0: {  	v7 =	vld [tilespmem:s10+$0xFFFFF090]  }
0xa1: {  	v8 =	vld [tilespmem:s10+$0xFFFFF190];
	_ =	sdelay $0x1  }
0xa2: {  	v9 =	vld [tilespmem:s10+$0xFFFFFE90];
	_ =	sdelay $0x1  }
0xa3: {  	v10 =	vld [tilespmem:s10+$0xFFFFFF90]  }
0xa4: {  	v7 =	vmul.f32 v7, v6;
	v8 =	vmul.f32 v8, v3;
	_ =	sdelay $0x1  }
0xa5: {  	v7 =	vadd.f32 v8, v7;
	v8 =	vmul.f32 v9, v5;
	_ =	sdelay $0x1  }
0xa6: {  	v9 =	vmul.f32 v10, v4;
	v7 =	vadd.f32 v8, v7;
	_ =	sdelay $0x1  }
0xa7: {  	v7 =	vadd.f32 v9, v7;
	_ =	sdelay $0x1  }
0xa8: {  	[tilespmem:s11+$0x0] =	vst v7  }
0xa9: {  	v7 =	vld [tilespmem:s10+$0xFFFFF0A0]  }
0xaa: {  	v8 =	vld [tilespmem:s10+$0xFFFFF1A0];
	_ =	sdelay $0x1  }
0xab: {  	v9 =	vld [tilespmem:s10+$0xFFFFFEA0];
	_ =	sdelay $0x1  }
0xac: {  	v10 =	vld [tilespmem:s10+$0xFFFFFFA0]  }
0xad: {  	v7 =	vmul.f32 v7, v6;
	v8 =	vmul.f32 v8, v3;
	_ =	sdelay $0x1  }
0xae: {  	v7 =	vadd.f32 v8, v7;
	v8 =	vmul.f32 v9, v5;
	_ =	sdelay $0x1  }
0xaf: {  	v7 =	vadd.f32 v8, v7;
	v8 =	vmul.f32 v10, v4;
	_ =	sdelay $0x1  }
0xb0: {  	v7 =	vadd.f32 v8, v7;
	_ =	sdelay $0x1  }
0xb1: {  	[tilespmem:s11+$0x10] =	vst v7  }
0xb2: {  	v7 =	vld [tilespmem:s10+$0xFFFFF0B0]  }
0xb3: {  	v8 =	vld [tilespmem:s10+$0xFFFFF1B0];
	_ =	sdelay $0x1  }
0xb4: {  	v9 =	vld [tilespmem:s10+$0xFFFFFEB0];
	_ =	sdelay $0x1  }
0xb5: {  	v10 =	vld [tilespmem:s10+$0xFFFFFFB0]  }
0xb6: {  	v7 =	vmul.f32 v7, v6;
	v8 =	vmul.f32 v8, v3;
	_ =	sdelay $0x1  }
0xb7: {  	v7 =	vadd.f32 v8, v7;
	v8 =	vmul.f32 v9, v5;
	_ =	sdelay $0x1  }
0xb8: {  	v9 =	vmul.f32 v10, v4;
	v7 =	vadd.f32 v8, v7;
	_ =	sdelay $0x1  }
0xb9: {  	v7 =	vadd.f32 v9, v7;
	_ =	sdelay $0x1  }
0xba: {  	[tilespmem:s11+$0x20] =	vst v7  }
0xbb: {  	v7 =	vld [tilespmem:s10+$0xFFFFF0C0]  }
0xbc: {  	v8 =	vld [tilespmem:s10+$0xFFFFF1C0];
	_ =	sdelay $0x1  }
0xbd: {  	v9 =	vld [tilespmem:s10+$0xFFFFFEC0];
	_ =	sdelay $0x1  }
0xbe: {  	v10 =	vld [tilespmem:s10+$0xFFFFFFC0]  }
0xbf: {  	v7 =	vmul.f32 v7, v6;
	v8 =	vmul.f32 v8, v3;
	_ =	sdelay $0x1  }
0xc0: {  	v7 =	vadd.f32 v8, v7;
	v8 =	vmul.f32 v9, v5;
	_ =	sdelay $0x1  }
0xc1: {  	v9 =	vmul.f32 v10, v4;
	v7 =	vadd.f32 v8, v7;
	_ =	sdelay $0x1  }
0xc2: {  	v7 =	vadd.f32 v9, v7;
	_ =	sdelay $0x1  }
0xc3: {  	[tilespmem:s11+$0x30] =	vst v7  }
0xc4: {  	v7 =	vld [tilespmem:s10+$0xFFFFF0D0]  }
0xc5: {  	v8 =	vld [tilespmem:s10+$0xFFFFF1D0];
	_ =	sdelay $0x1  }
0xc6: {  	v9 =	vld [tilespmem:s10+$0xFFFFFED0];
	_ =	sdelay $0x1  }
0xc7: {  	v10 =	vld [tilespmem:s10+$0xFFFFFFD0]  }
0xc8: {  	v7 =	vmul.f32 v7, v6;
	v8 =	vmul.f32 v8, v3;
	_ =	sdelay $0x1  }
0xc9: {  	v9 =	vmul.f32 v9, v5;
	v7 =	vadd.f32 v8, v7;
	_ =	sdelay $0x1  }
0xca: {  	v8 =	vmul.f32 v10, v4;
	v7 =	vadd.f32 v9, v7;
	_ =	sdelay $0x1  }
0xcb: {  	v7 =	vadd.f32 v8, v7;
	_ =	sdelay $0x1  }
0xcc: {  	[tilespmem:s11+$0x40] =	vst v7  }
0xcd: {  	v7 =	vld [tilespmem:s10+$0xFFFFF0E0]  }
0xce: {  	v8 =	vld [tilespmem:s10+$0xFFFFF1E0];
	_ =	sdelay $0x1  }
0xcf: {  	v9 =	vld [tilespmem:s10+$0xFFFFFEE0];
	_ =	sdelay $0x1  }
0xd0: {  	v10 =	vld [tilespmem:s10+$0xFFFFFFE0]  }
0xd1: {  	v7 =	vmul.f32 v7, v6;
	v8 =	vmul.f32 v8, v3;
	_ =	sdelay $0x1  }
0xd2: {  	v9 =	vmul.f32 v9, v5;
	v7 =	vadd.f32 v8, v7;
	_ =	sdelay $0x1  }
0xd3: {  	v8 =	vmul.f32 v10, v4;
	v7 =	vadd.f32 v9, v7;
	_ =	sdelay $0x1  }
0xd4: {  	v7 =	vadd.f32 v8, v7;
	_ =	sdelay $0x1  }
0xd5: {  	[tilespmem:s11+$0x50] =	vst v7  }
0xd6: {  	v7 =	vld [tilespmem:s10+$0xFFFFF0F0]  }
0xd7: {  	v8 =	vld [tilespmem:s10+$0xFFFFF1F0]  }
0xd8: {  	v9 =	vld [tilespmem:s10+$0xFFFFFEF0]  }
0xd9: {  	v10 =	vld [tilespmem:s10+$0xFFFFFFF0];
	_ =	sdelay $0x2  }
0xda: {  	v7 =	vmul.f32 v7, v6;
	v11 =	vmul.f32 v8, v3  }
0xdb: {  	s1 =	simm.s32 $0x1;
	s9 =	smov.u32 s10  }
0xdc: {  	s0 =	smov.u32 s11;
	s30 =	smov.u32 s11;
	s29 =	smov.u32 s10;
	v8 =	vmul.f32 v9, v5;
	v9 =	vadd.f32 v11, v7;
	v7 =	vmul.f32 v10, v4  }
.LBB2_11:
0xdd: {  	_ = 	snop  }
0xde: {  	p0 =	sne.s32 s1, $0x6;
	s9 =	sadd.s32 $0x200, s9;
	s0 =	sadd.s32 $0x100, s0;
	v8 =	vadd.f32 v8, v9  }
0xdf: {  	s12 =	smov.u32 s1;
	s1 =	sadd.s32 $0x1, s1  }
0xe0: {  	v7 =	vadd.f32 v7, v8;
	_ =	sdelay $0x1  }
0xe1: {  	[tilespmem:s30+$0x60] =	vst v7  }
0xe2: {  	v7 =	vld [tilespmem:s29+$0xFFFFF100]  }
0xe3: {  	v8 =	vld [tilespmem:s29+$0xFFFFF200]  }
0xe4: {  	v9 =	vmov s12;
	v10 =	vld [tilespmem:s29+$0xFFFFFF00]  }
0xe5: {  	v9 =	vand.u32 $0x7, v9;
	v11 =	vld [tilespmem:s29+$0x0];
	s29 =	smov.u32 s9  }
0xe6: {  	v9 =	vbroadcast v9, $0x0  }
0xe7: {  	v6 =	vmul.f32 v7, v6  }
0xe8: {  	v7 =	vor.u32 v0, v9;
	v3 =	vmul.f32 v8, v3  }
0xe9: {  	v5 =	vmul.f32 v10, v5  }
0xea: {  	v3 =	vadd.f32 v3, v6;
	v4 =	vmul.f32 v11, v4;
	_ =	sdelay $0x1  }
0xeb: {  	v3 =	vadd.f32 v5, v3;
	_ =	sdelay $0x1  }
0xec: {  	v3 =	vadd.f32 v4, v3;
	_ =	sdelay $0x1  }
0xed: {  	[tilespmem:s30+$0x70] =	vst v3;
	s30 =	smov.u32 s0  }
0xee: {  	v4 =	vld.idx.msk [tilespmem:v7+s17+$0x0], $0xffff  }
0xef: {  	v7 =	vld [tilespmem:s9+$0xFFFFF010];
	_ =	sdelay $0x1  }
0xf0: {  	v8 =	vld [tilespmem:s9+$0xFFFFFE10]  }
0xf1: {  	v9 =	vld [tilespmem:s9+$0xFFFFF110]  }
0xf2: {  	v10 =	vld [tilespmem:s9+$0xFFFFFF10]  }
0xf3: {  	v5 =	vsub.f32 $1.000000000e+00, v4  }
0xf4: {  	v3 =	vmul.f32 v4, v2  }
0xf5: {  	v4 =	vmul.f32 v4, v1;
	v6 =	vmul.f32 v5, v2  }
0xf6: {  	v5 =	vmul.f32 v5, v1;
	v9 =	vmul.f32 v9, v3  }
0xf7: {  	v7 =	vmul.f32 v6, v7;
	v10 =	vmul.f32 v10, v4  }
0xf8: {  	v8 =	vmul.f32 v8, v5  }
0xf9: {  	v7 =	vadd.f32 v9, v7;
	_ =	sdelay $0x1  }
0xfa: {  	v7 =	vadd.f32 v8, v7;
	_ =	sdelay $0x1  }
0xfb: {  	v7 =	vadd.f32 v10, v7;
	_ =	sdelay $0x1  }
0xfc: {  	[tilespmem:s0+$0xFFFFFF80] =	vst v7  }
0xfd: {  	v7 =	vld [tilespmem:s9+$0xFFFFF020]  }
0xfe: {  	v8 =	vld [tilespmem:s9+$0xFFFFF120]  }
0xff: {  	v9 =	vld [tilespmem:s9+$0xFFFFFE20];
	_ =	sdelay $0x1  }
0x100: {  	v10 =	vld [tilespmem:s9+$0xFFFFFF20]  }
0x101: {  	v7 =	vmul.f32 v7, v6  }
0x102: {  	v8 =	vmul.f32 v8, v3  }
0x103: {  	v9 =	vmul.f32 v9, v5  }
0x104: {  	v7 =	vadd.f32 v8, v7  }
0x105: {  	v8 =	vmul.f32 v10, v4  }
0x106: {  	v7 =	vadd.f32 v9, v7;
	_ =	sdelay $0x1  }
0x107: {  	v7 =	vadd.f32 v8, v7;
	_ =	sdelay $0x1  }
0x108: {  	[tilespmem:s0+$0xFFFFFF90] =	vst v7  }
0x109: {  	v7 =	vld [tilespmem:s9+$0xFFFFF030]  }
0x10a: {  	v8 =	vld [tilespmem:s9+$0xFFFFF130];
	_ =	sdelay $0x1  }
0x10b: {  	v9 =	vld [tilespmem:s9+$0xFFFFFE30];
	_ =	sdelay $0x1  }
0x10c: {  	v10 =	vld [tilespmem:s9+$0xFFFFFF30];
	v7 =	vmul.f32 v7, v6  }
0x10d: {  	v8 =	vmul.f32 v8, v3;
	_ =	sdelay $0x1  }
0x10e: {  	v7 =	vadd.f32 v8, v7;
	v8 =	vmul.f32 v9, v5;
	_ =	sdelay $0x1  }
0x10f: {  	v7 =	vadd.f32 v8, v7;
	v8 =	vmul.f32 v10, v4;
	_ =	sdelay $0x1  }
0x110: {  	v7 =	vadd.f32 v8, v7;
	_ =	sdelay $0x1  }
0x111: {  	[tilespmem:s0+$0xFFFFFFA0] =	vst v7  }
0x112: {  	v7 =	vld [tilespmem:s9+$0xFFFFF040]  }
0x113: {  	v8 =	vld [tilespmem:s9+$0xFFFFF140];
	_ =	sdelay $0x1  }
0x114: {  	v9 =	vld [tilespmem:s9+$0xFFFFFE40];
	_ =	sdelay $0x1  }
0x115: {  	v10 =	vld [tilespmem:s9+$0xFFFFFF40];
	v7 =	vmul.f32 v7, v6  }
0x116: {  	v8 =	vmul.f32 v8, v3;
	_ =	sdelay $0x1  }
0x117: {  	v7 =	vadd.f32 v8, v7;
	v8 =	vmul.f32 v9, v5;
	_ =	sdelay $0x1  }
0x118: {  	v7 =	vadd.f32 v8, v7;
	v8 =	vmul.f32 v10, v4;
	_ =	sdelay $0x1  }
0x119: {  	v7 =	vadd.f32 v8, v7;
	_ =	sdelay $0x1  }
0x11a: {  	[tilespmem:s0+$0xFFFFFFB0] =	vst v7  }
0x11b: {  	v7 =	vld [tilespmem:s9+$0xFFFFF050]  }
0x11c: {  	v8 =	vld [tilespmem:s9+$0xFFFFF150]  }
0x11d: {  	v9 =	vld [tilespmem:s9+$0xFFFFFF50]  }
0x11e: {  	v10 =	vld [tilespmem:s9+$0xFFFFFE50];
	_ =	sdelay $0x1  }
0x11f: {  	v7 =	vmul.f32 v7, v6  }
0x120: {  	v8 =	vmul.f32 v8, v3  }
0x121: {  	v9 =	vmul.f32 v9, v4  }
0x122: {  	v7 =	vadd.f32 v8, v7;
	v8 =	vmul.f32 v10, v5;
	_ =	sdelay $0x1  }
0x123: {  	v7 =	vadd.f32 v8, v7;
	_ =	sdelay $0x1  }
0x124: {  	v7 =	vadd.f32 v9, v7;
	_ =	sdelay $0x1  }
0x125: {  	[tilespmem:s0+$0xFFFFFFC0] =	vst v7  }
0x126: {  	v7 =	vld [tilespmem:s9+$0xFFFFF060]  }
0x127: {  	v8 =	vld [tilespmem:s9+$0xFFFFF160]  }
0x128: {  	v9 =	vld [tilespmem:s9+$0xFFFFFE60]  }
0x129: {  	v10 =	vld [tilespmem:s9+$0xFFFFFF60];
	_ =	sdelay $0x1  }
0x12a: {  	v7 =	vmul.f32 v7, v6  }
0x12b: {  	v8 =	vmul.f32 v8, v3  }
0x12c: {  	v9 =	vmul.f32 v9, v5  }
0x12d: {  	v7 =	vadd.f32 v8, v7;
	v8 =	vmul.f32 v10, v4;
	_ =	sdelay $0x1  }
0x12e: {  	v7 =	vadd.f32 v9, v7;
	_ =	sdelay $0x1  }
0x12f: {  	v7 =	vadd.f32 v8, v7;
	_ =	sdelay $0x1  }
0x130: {  	[tilespmem:s0+$0xFFFFFFD0] =	vst v7  }
0x131: {  	v7 =	vld [tilespmem:s9+$0xFFFFF070]  }
0x132: {  	v8 =	vld [tilespmem:s9+$0xFFFFF170]  }
0x133: {  	v9 =	vld [tilespmem:s9+$0xFFFFFE70]  }
0x134: {  	v10 =	vld [tilespmem:s9+$0xFFFFFF70];
	_ =	sdelay $0x1  }
0x135: {  	v7 =	vmul.f32 v7, v6  }
0x136: {  	v8 =	vmul.f32 v8, v3  }
0x137: {  	v9 =	vmul.f32 v9, v5  }
0x138: {  	v7 =	vadd.f32 v8, v7;
	v8 =	vmul.f32 v10, v4;
	_ =	sdelay $0x1  }
0x139: {  	v7 =	vadd.f32 v9, v7;
	_ =	sdelay $0x1  }
0x13a: {  	v7 =	vadd.f32 v8, v7;
	_ =	sdelay $0x1  }
0x13b: {  	[tilespmem:s0+$0xFFFFFFE0] =	vst v7  }
0x13c: {  	v7 =	vld [tilespmem:s9+$0xFFFFF080]  }
0x13d: {  	v8 =	vld [tilespmem:s9+$0xFFFFF180]  }
0x13e: {  	v9 =	vld [tilespmem:s9+$0xFFFFFE80]  }
0x13f: {  	v10 =	vld [tilespmem:s9+$0xFFFFFF80];
	_ =	sdelay $0x1  }
0x140: {  	v7 =	vmul.f32 v7, v6  }
0x141: {  	v8 =	vmul.f32 v8, v3  }
0x142: {  	v9 =	vmul.f32 v9, v5  }
0x143: {  	v7 =	vadd.f32 v8, v7;
	v8 =	vmul.f32 v10, v4;
	_ =	sdelay $0x1  }
0x144: {  	v7 =	vadd.f32 v9, v7;
	_ =	sdelay $0x1  }
0x145: {  	v7 =	vadd.f32 v8, v7;
	_ =	sdelay $0x1  }
0x146: {  	[tilespmem:s0+$0xFFFFFFF0] =	vst v7  }
0x147: {  	v7 =	vld [tilespmem:s9+$0xFFFFF090]  }
0x148: {  	v8 =	vld [tilespmem:s9+$0xFFFFF190]  }
0x149: {  	v9 =	vld [tilespmem:s9+$0xFFFFFF90]  }
0x14a: {  	v10 =	vld [tilespmem:s9+$0xFFFFFE90];
	_ =	sdelay $0x1  }
0x14b: {  	v7 =	vmul.f32 v7, v6  }
0x14c: {  	v8 =	vmul.f32 v8, v3  }
0x14d: {  	v9 =	vmul.f32 v9, v4  }
0x14e: {  	v7 =	vadd.f32 v8, v7;
	v8 =	vmul.f32 v10, v5;
	_ =	sdelay $0x1  }
0x14f: {  	v7 =	vadd.f32 v8, v7;
	_ =	sdelay $0x1  }
0x150: {  	v7 =	vadd.f32 v9, v7;
	_ =	sdelay $0x1  }
0x151: {  	[tilespmem:s0+$0x0] =	vst v7  }
0x152: {  	v7 =	vld [tilespmem:s9+$0xFFFFF0A0]  }
0x153: {  	v8 =	vld [tilespmem:s9+$0xFFFFF1A0]  }
0x154: {  	v9 =	vld [tilespmem:s9+$0xFFFFFEA0]  }
0x155: {  	v10 =	vld [tilespmem:s9+$0xFFFFFFA0];
	_ =	sdelay $0x1  }
0x156: {  	v7 =	vmul.f32 v7, v6  }
0x157: {  	v8 =	vmul.f32 v8, v3;
	_ =	sdelay $0x1  }
0x158: {  	v7 =	vadd.f32 v8, v7;
	v8 =	vmul.f32 v9, v5;
	_ =	sdelay $0x1  }
0x159: {  	v7 =	vadd.f32 v8, v7;
	v8 =	vmul.f32 v10, v4;
	_ =	sdelay $0x1  }
0x15a: {  	v7 =	vadd.f32 v8, v7;
	_ =	sdelay $0x1  }
0x15b: {  	[tilespmem:s0+$0x10] =	vst v7  }
0x15c: {  	v7 =	vld [tilespmem:s9+$0xFFFFF0B0]  }
0x15d: {  	v8 =	vld [tilespmem:s9+$0xFFFFF1B0]  }
0x15e: {  	v9 =	vld [tilespmem:s9+$0xFFFFFEB0]  }
0x15f: {  	v10 =	vld [tilespmem:s9+$0xFFFFFFB0];
	_ =	sdelay $0x1  }
0x160: {  	v7 =	vmul.f32 v7, v6  }
0x161: {  	v8 =	vmul.f32 v8, v3;
	_ =	sdelay $0x1  }
0x162: {  	v7 =	vadd.f32 v8, v7;
	v8 =	vmul.f32 v9, v5;
	v9 =	vmul.f32 v10, v4;
	_ =	sdelay $0x1  }
0x163: {  	v7 =	vadd.f32 v8, v7;
	_ =	sdelay $0x1  }
0x164: {  	v7 =	vadd.f32 v9, v7;
	_ =	sdelay $0x1  }
0x165: {  	[tilespmem:s0+$0x20] =	vst v7  }
0x166: {  	v7 =	vld [tilespmem:s9+$0xFFFFF0C0]  }
0x167: {  	v8 =	vld [tilespmem:s9+$0xFFFFF1C0]  }
0x168: {  	v9 =	vld [tilespmem:s9+$0xFFFFFEC0]  }
0x169: {  	v10 =	vld [tilespmem:s9+$0xFFFFFFC0];
	_ =	sdelay $0x1  }
0x16a: {  	v7 =	vmul.f32 v7, v6  }
0x16b: {  	v8 =	vmul.f32 v8, v3;
	_ =	sdelay $0x1  }
0x16c: {  	v7 =	vadd.f32 v8, v7;
	v8 =	vmul.f32 v9, v5;
	v9 =	vmul.f32 v10, v4;
	_ =	sdelay $0x1  }
0x16d: {  	v7 =	vadd.f32 v8, v7;
	_ =	sdelay $0x1  }
0x16e: {  	v7 =	vadd.f32 v9, v7;
	_ =	sdelay $0x1  }
0x16f: {  	[tilespmem:s0+$0x30] =	vst v7  }
0x170: {  	v7 =	vld [tilespmem:s9+$0xFFFFF0D0]  }
0x171: {  	v8 =	vld [tilespmem:s9+$0xFFFFF1D0]  }
0x172: {  	v9 =	vld [tilespmem:s9+$0xFFFFFED0]  }
0x173: {  	v10 =	vld [tilespmem:s9+$0xFFFFFFD0];
	_ =	sdelay $0x1  }
0x174: {  	v7 =	vmul.f32 v7, v6  }
0x175: {  	v8 =	vmul.f32 v8, v3  }
0x176: {  	v9 =	vmul.f32 v9, v5  }
0x177: {  	v7 =	vadd.f32 v8, v7;
	v8 =	vmul.f32 v10, v4;
	_ =	sdelay $0x1  }
0x178: {  	v7 =	vadd.f32 v9, v7;
	_ =	sdelay $0x1  }
0x179: {  	v7 =	vadd.f32 v8, v7;
	_ =	sdelay $0x1  }
0x17a: {  	[tilespmem:s0+$0x40] =	vst v7  }
0x17b: {  	v7 =	vld [tilespmem:s9+$0xFFFFF0E0]  }
0x17c: {  	v8 =	vld [tilespmem:s9+$0xFFFFF1E0]  }
0x17d: {  	v9 =	vld [tilespmem:s9+$0xFFFFFEE0]  }
0x17e: {  	v10 =	vld [tilespmem:s9+$0xFFFFFFE0];
	_ =	sdelay $0x1  }
0x17f: {  	v7 =	vmul.f32 v7, v6  }
0x180: {  	v8 =	vmul.f32 v8, v3  }
0x181: {  	v9 =	vmul.f32 v9, v5  }
0x182: {  	v7 =	vadd.f32 v8, v7;
	v8 =	vmul.f32 v10, v4;
	_ =	sdelay $0x1  }
0x183: {  	v7 =	vadd.f32 v9, v7;
	_ =	sdelay $0x1  }
0x184: {  	v7 =	vadd.f32 v8, v7;
	_ =	sdelay $0x1  }
0x185: {  	[tilespmem:s0+$0x50] =	vst v7  }
0x186: {  	v7 =	vld [tilespmem:s9+$0xFFFFF0F0]  }
0x187: {  	v8 =	vld [tilespmem:s9+$0xFFFFF1F0]  }
0x188: {  	v9 =	vld [tilespmem:s9+$0xFFFFFEF0]  }
0x189: {  	v10 =	vld [tilespmem:s9+$0xFFFFFFF0]  }
.Ltmp5:
0x18a: {  	(pc) =	sbr.rel @p0 .LBB2_11-.Ltmp5, $4  }
0x18b: {  	v7 =	vmul.f32 v7, v6  }
0x18c: {  	v11 =	vmul.f32 v8, v3  }
0x18d: {  	v8 =	vmul.f32 v9, v5  }
0x18e: {  	v9 =	vadd.f32 v11, v7;
	v7 =	vmul.f32 v10, v4  }
0x18f: {  	_ = 	snop  }
0x190: {  	v1 =	vadd.f32 v8, v9;
	_ =	sdelay $0x1  }
0x191: {  	v1 =	vadd.f32 v7, v1;
	_ =	sdelay $0x1  }
0x192: {  	[tilespmem:s30+$0x60] =	vst v1  }
0x193: {  	v1 =	vld [tilespmem:s29+$0xFFFFF100]  }
0x194: {  	v2 =	vld [tilespmem:s29+$0xFFFFF200];
	_ =	sdelay $0x1  }
0x195: {  	v62 =	vld [tilespmem:s29+$0xFFFFFF00];
	_ =	sdelay $0x1  }
0x196: {  	v63 =	vld [tilespmem:s29+$0x0]  }
0x197: {  	v1 =	vmul.f32 v1, v6;
	v2 =	vmul.f32 v2, v3;
	_ =	sdelay $0x1  }
0x198: {  	s31 =	sadd.s32 $0x1, s31;
	v3 =	vmul.f32 v62, v5;
	v1 =	vadd.f32 v2, v1  }
0x199: {  	p0 =	sne.s32 s31, $0x7  }
.Ltmp6:
0x19a: {  	v2 =	vmul.f32 v63, v4;
	v1 =	vadd.f32 v3, v1;
	(pc) =	sbr.rel @p0 .LBB2_10-.Ltmp6, $3  }
0x19b: {  	_ = 	snop  }
0x19c: {  	v1 =	vadd.f32 v2, v1;
	_ =	sdelay $0x1  }
0x19d: {  	s10 =	sadd.s32 $0x1C00, s10;
	s11 =	sadd.s32 $0x700, s11;
	[tilespmem:s30+$0x70] =	vst v1  }
0x19e: {  	s0 =	smul.u32 $0x620, s26;
	s25 =	sadd.s32 $0x1, s25  }
0x19f: {  	p0 =	sne.s32 s25, $0x40  }
.Ltmp7:
0x1a0: {  	s0 =	sadd.s32 s2, s0;
	(pc) =	sbr.rel @p0 .LBB2_2-.Ltmp7, $4  }
0x1a1: {  	[hbm4b:s0+s3] =	stream.linear.scatter [tilespmem:s23], [sflag:$0x3], $0x3100, $0x38;
	[tilespmem:$0x1F940] =	vst v63  }
0x1a2: {  	_ =	swait.ge [sflag:s15], $0x3100  }
0x1a3: {  	[sflag:s15] =	ssyncset.done $0x0  }
0x1a4: {  	[sflag:s15] =	ssyncadd.s32 $0xFFFFCF00  }
0x1a5: {  	s24 =	sadd.s32 $0x1, s24  }
0x1a6: {  	p0 =	sne.s32 s24, s13  }
.Ltmp8:
0x1a7: {  	_ = 	snop;
	(pc) =	sbr.rel @p0 .LBB2_1-.Ltmp8, $1  }
0x1a8: {  	_ =	sdelay $0x3  }
0x1a9: {  	_ =	sfence.sel $0x180000  }
0x1aa: {  	[bflag:$0x0] =	sbarrier.arrive $0xFFFF  }
0x1ab: {  	_ =	strace $0x9000004D  }
0x1ac: {  	s0 =	stileid.u32;
	[bflag:$0x2] =	sbarrier.arrive $0xFFFF  }
0x1ad: {  	p0 =	sne.s32 s0, $0x0;
	s0 =	rddreg [dreg:$0x2]  }
0x1ae: {  	s0 =	sadd.s32 @!p0 $0x100000, s0  }
0x1af: {  	[sflag:s0] =	ssyncadd.tile.s32 @!p0 $0x1;
	_ =	shalt  }
.Lfunc_end2:
_tile_overlayer_lowered:
.L_overlay_start_2:
0x1b0: {  	(tag) =	ssettag $0x2  }
0x1b1: {  	s0 =	rddreg [dreg:$0x0];
	s2 =	stileid.u32  }
0x1b2: {  	s1 =	rddreg [dreg:$0x1];
	p0 =	sne.s32 s2, $0x0  }
0x1b3: {  	s3 =	rddreg [dreg:$0x2];
	[bflag:$0x3] =	sbarrier.arrive $0xFFFF;
	s2 =	simm.s32 @!p0 $0x1C03  }
0x1b4: {  	[timem:s3], [sflag:s2] =	dma.local @!p0 [hbm:s0], s1  }
0x1b5: {  	s0 =	simm.s32 @!p0 $0x3  }
0x1b6: {  	_ =	swait.ge @!p0 [sflag:s0], s1  }
0x1b7: {  	s1 =	ssub.s32 @!p0 $0x0, s1;
	[sflag:s0] =	ssyncset.done @!p0 $0x0  }
0x1b8: {  	[sflag:s0] =	ssyncadd.s32 @!p0 s1  }
0x1b9: {  	[bflag:$0x3] =	sbarrier.arrive $0xFFFF  }
0x1ba: {  	_ =	shalt  }

// kernel: sparse-core-data-format-call.1.cloned.1.call-start
scs
called_computation.1_lowered:
.L_overlay_start_0:
0x0: {  	s1 =	sld [smem:$0x3FD9]  }
0x1: {  	s2 =	sld [smem:$0x3FFE];
	_ =	sdelay $0x1  }
0x2: {  	s3 =	srdreg.scid  }
0x3: {  	s0 =	sand.u32 $0x1, s3  }
0x4: {  	s17 =	sshll.u32 s0, $0xA;
	s1 =	sadd.s32 s2, s1  }
0x5: {  	s1 =	sadd.s32 s1, s17  }
0x6: {  	[smem:$0x3FC2] =	sst s1  }
0x7: {  	_ = 	snop  }
0x8: {  	(tm) =	ssettm $0x1  }
0x9: {  	s18 =	sld [smem:$0x3FFB];
	_ =	sdelay $0x3  }
0xa: {  	_ =	strace s18  }
0xb: {  	s1 =	sld [smem:$0x3FFC];
	_ =	sdelay $0x3  }
0xc: {  	_ =	strace s1  }
0xd: {  	s1 =	sld [smem:$0x3FFD];
	_ =	sdelay $0x3  }
0xe: {  	_ =	strace s1  }
0xf: {  	_ =	strace $0x8FFFFFFF  }
0x10: {  	s19 =	sld [smem:$0x3FDB];
	_ =	sdelay $0x1  }
0x11: {  	s20 =	simm.s32 $_scs_section_size  }
0x12: {  	s4 =	simm.s32 $_size__tile_overlayer_lowered;
	s5 =	simm.s32 $_tile_overlayer_lowered  }
0x13: {  	s23 =	simm.s32 $0x1BFF;
	s22 =	sshll.u32 s5, $0x1;
	s1 =	sadd.s32 s20, s19  }
0x14: {  	s6 =	simm.s32 $0x0;
	s21 =	sshll.u32 s4, $0x1;
	s4 =	sadd.s32 s22, s1  }
0x15: {  	[timem:s6], [sflag:s23] =	dma.local [hbm:s4], s21  }
0x16: {  	_ =	swait.ge [sflag:s23], s21  }
0x17: {  	s2 =	ssub.s32 $0x0, s21;
	[sflag:s23] =	ssyncset.done $0x0  }
0x18: {  	[sflag:s23] =	ssyncadd.s32 s2;
	_ =	sdelay $0x1  }
0x19: {  	s24 =	simm.s32 $0x1B8B  }
0x1a: {  	_ =	swait.ge [sflag:s24], $0x1  }
0x1b: {  	[sflag:s24] =	ssyncset.done $0x0  }
0x1c: {  	s26 =	simm.s32 $0x1B8E;
	s25 =	sld [smem:$0x3FFE];
	[sflag:s24] =	ssyncadd.s32 $0xFFFFFFFF  }
0x1d: {  	s27 =	simm.s32 $execute0_lowered;
	[smem:$0x3FD2] =	sst s26  }
0x1e: {  	s4 =	sshll.u32 s27, $0x1;
	_ =	strace $0x8000004F;
	[dreg:$0x1] =	wrdreg $0xFFFFFFFF  }
0x1f: {  	s28 =	simm.s32 $_size_execute0_lowered;
	s1 =	sadd.s32 s1, s4;
	[dreg:$0x0] =	wrdreg $0x0  }
0x20: {  	s4 =	sshll.u32 s28, $0x1;
	[dreg:$0x2] =	wrdreg s1  }
0x21: {  	[dreg:$0x3] =	wrdreg s4  }
0x22: {  	[dreg:$0x4] =	wrdreg $0xC0  }
0x23: {  	_ =	task [dreg:s6], $0x5FFFF  }
0x24: {  	[dreg:$0x1] =	wrdreg $0xFFFFFFFF  }
0x25: {  	[dreg:$0x0] =	wrdreg $0x60  }
0x26: {  	[dreg:$0x2] =	wrdreg s25  }
0x27: {  	[dreg:$0x3] =	wrdreg $0x9  }
0x28: {  	_ =	task.clear_ibuf [dreg:s6], $0x4FFFF;
	_ =	strace $0x9000004F  }
0x29: {  	s29 =	simm.s32 $0x9;
	_ =	strace $0x80000051  }
0x2a: {  	_ =	swait.ge [sflag:s29], $0x1  }
0x2b: {  	[sflag:s29] =	ssyncadd.s32 $0xFFFFFFFF  }
0x2c: {  	_ =	strace $0x90000051  }
0x2d: {  	_ =	sfence  }
0x2e: {  	s30 =	sld [smem:$0x0];
	_ =	sdelay $0x2  }
0x2f: {  	s31 =	sshll.u32 s3, $0xD;
	s3 =	sshrl.u32 s3, $0x2  }
0x30: {  	s2 =	sand.u32 $0x4000, s31;
	s1 =	sadd.s32 s3, s30  }
0x31: {  	s0 =	sor.u32 s2, s0;
	s1 =	sshll.u32 s1, $0x11  }
0x32: {  	s0 =	sor.u32 s1, s0  }
0x33: {  	s0 =	sadd.s32 $0x8F2B, s0  }
0x34: {  	[sflag:s0] =	ssyncadd.remote.s32 $0x1  }
0x35: {  	_ =	sfence.sel $0xFFFF  }
0x36: {  	[dreg:$0x0] =	wrdreg $0xFFFFFFFF;
	(pc) =	sbr.abs _section_cstart, $3  }
0x37: {  	[dreg:$0x1] =	wrdreg $0xFFFFFFFF  }
0x38: {  	_ =	task.clear_ibuf [dreg:s6], $0x2FFFF;
	_ =	strace $0x9FFFFFFF  }
0x39: {  	(tm) =	ssettm $0x7FFFFFFF  }
tec
execute0_lowered:
.L_overlay_start_1:
0x0: {  	(tag) =	ssettag $0x1  }
0x1: {  	s0 =	srdreg.scid;
	s1 =	rddreg [dreg:$0x0]  }
0x2: {  	_ =	strace $0x80000050;
	s7 =	stileid.u32;
	s8 =	simm.s32 $0x2  }
0x3: {  	s19 =	simm.s32 $0x0;
	s11 =	simm.s32 $0x800;
	s0 =	sshll.u32 s0, $0x7  }
0x4: {  	s12 =	simm.s32 $0x0;
	s18 =	simm.s32 $0x0;
	s2 =	sand.u32 $0x80, s0  }
0x5: {  	s20 =	simm.s32 $0x0;
	s13 =	simm.s32 $0x0;
	s0 =	ssub.s32 $0x100, s2  }
0x6: {  	s14 =	simm.s32 $0x0;
	s15 =	simm.s32 $0x0;
	s4 =	sshrl.u32 s0, $0x7  }
.Ltmp0:
0x7: {  	s0 =	sshrl.u32 s0, $0x8;
	s5 =	sand.u32 $0x1, s4;
	(pc) =	sbr.rel .LBB1_1-.Ltmp0, $4  }
0x8: {  	s17 =	simm.s32 $0x0;
	s3 =	sadd.s32 $0x2E00, s1;
	s0 =	sadd.s32 s0, s5  }
0x9: {  	s7 =	sshll.u32 s7, $0x7;
	s4 =	simm.s32 $0x1;
	s5 =	smul.u32 $0x31, s0  }
0xa: {  	s6 =	sadd.s32 $0x36DE00, s1;
	s16 =	smov.u32 s7;
	[sflag:s4] =	ssyncpa.u1 $0x0  }
0xb: {  	[sflag:s8] =	ssyncpa.u1 $0x0;
	s8 =	sshll.u32 s2, $0x3;
	s9 =	sadd.s32 $0x1, s5  }
.LBB1_9:
0xc: {  	s0 =	sshll.u32 s14, $0x8  }
0xd: {  	s1 =	sshll.u32 s20, $0x3;
	s10 =	sshll.u32 s14, $0x7;
	s0 =	sand.u32 $0xFFFFF800, s0  }
0xe: {  	s24 =	sand.u32 $0x300, s10;
	s0 =	sor.u32 s0, s1  }
0xf: {  	s0 =	sor.u32 s24, s0  }
0x10: {  	p0 =	sgt.s32 s13, $0x30;
	s1 =	smov.u32 s13;
	s0 =	sshrl.u32 s0, $0x8  }
0x11: {  	s1 =	simm.s32 @!p0 $0x30;
	s25 =	smulhi.u32 $0x83126F, s0  }
0x12: {  	s27 =	smul.u32 $0xFA00, s13;
	s28 =	sshll.u32 s14, $0x4;
	s1 =	sadd.s32 s21, s1  }
0x13: {  	s29 =	sshll.u32 s17, $0xE;
	s26 =	sadd.s32 $0xFFFFFFD0, s1;
	s10 =	sshrl.u32 s25, $0x2  }
0x14: {  	s1 =	ssub.s32 $0x31, s1;
	p0 =	sgt.s32 s26, $0x0;
	s10 =	smul.u32 $0x7D0, s10  }
0x15: {  	s31 =	simm.s32 $0x400;
	s20 =	sadd.s32 s6, s27;
	s1 =	simm.s32 @p0 $0x0  }
0x16: {  	s1 =	smul.u32 s1, s22;
	s0 =	ssub.s32 s0, s10;
	s10 =	sand.u32 $0x10, s28  }
0x17: {  	s21 =	sand.u32 $0x4000, s29;
	s0 =	sshll.u32 s0, $0x5;
	s10 =	sadd.s32 s10, s20  }
0x18: {  	s30 =	sor.u32 $0x8000, s21;
	s1 =	sand.u32 $0x3FFFFF80, s1;
	s0 =	sadd.s32 s0, s10  }
0x19: {  	[hbm4b:s0+s31] =	stream.strided.scatter [tilespmem:s30], [sflag:$0x2], s1, s11, s31, $0x38;
	[tilespmem:$0x10000] =	vst v63  }
.LBB1_10:
0x1a: {  	p0 =	slt.u32 s17, $0x2  }
0x1b: {  	p1 =	sgt.s32 @!p0 s19, $0x30  }
0x1c: {  	s0 =	smov.u32 s19;
	s10 =	smov.u32 s18;
	p1 =	por !p1, p0  }
0x1d: {  	s1 =	sshra.s32 @!p0 s19, $0x1F;
	s0 =	simm.s32 @p1 $0x30;
	p1 =	sgt.s32 @!p0 s18, $0x750  }
0x1e: {  	s1 =	sand.u32 @!p0 s1, s19;
	s19 =	sshra.s32 @!p0 s18, $0x1F;
	p1 =	por !p1, p0  }
0x1f: {  	s0 =	ssub.s32 @!p0 s0, s1;
	s1 =	sand.u32 @!p0 s19, s18;
	s10 =	simm.s32 @p1 $0x750  }
0x20: {  	s1 =	ssub.s32 @!p0 s10, s1  }
0x21: {  	s18 =	sadd.s32 @!p0 $0xFFFFFFD0, s0;
	s0 =	ssub.s32 @!p0 $0x31, s0;
	s1 =	sadd.s32 @!p0 $0xFFFFF8B0, s1  }
0x22: {  	p1 =	sgt.s32 @!p0 s18, $0x0;
	p2 =	sgt.s32 @!p0 s1, $0x7F;
	s1 =	sshll.u32 @!p0 s1, $0x7  }
0x23: {  	p1 =	por !p1, p0;
	s1 =	ssub.s32 @!p0 $0x4000, s1;
	p2 =	por !p2, p0  }
0x24: {  	s0 =	simm.s32 @!p1 $0x0;
	s1 =	simm.s32 @!p2 $0x0  }
0x25: {  	s0 =	smul.u32 @!p0 s0, s1;
	s1 =	sadd.s32 $0x1, s15  }
0x26: {  	s21 =	smov.u32 s16;
	s18 =	sadd.s32 $0x800, s16;
	p1 =	sgt.s32 s1, $0x30  }
0x27: {  	s21 =	smov.u32 @p1 s18  }
0x28: {  	s1 =	simm.s32 @p1 $0x0;
	p1 =	sgt.s32 s21, $0x7CF  }
0x29: {  	s12 =	sadd.s32 $0x4000, s12;
	s21 =	smov.u32 @p1 s7;
	p1 =	sne.s32 s17, s9  }
.Ltmp1:
0x2a: {  	s20 =	smov.u32 s2;
	s19 =	smov.u32 s13;
	(pc) =	sbr.rel @!p1 .LBB1_11-.Ltmp1, $4  }
0x2b: {  	s13 =	smov.u32 s15;
	s10 =	simm.s32 @!p0 $0x2;
	s0 =	sand.u32 @!p0 $0x3FFFFF80, s0  }
0x2c: {  	s18 =	smov.u32 s14;
	s14 =	smov.u32 s16;
	_ =	swait.ge @!p0 [sflag:s10], s0  }
0x2d: {  	s0 =	ssub.s32 @!p0 $0x0, s0;
	s15 =	smov.u32 s1;
	[sflag:s10] =	ssyncset.done @!p0 $0x0  }
0x2e: {  	s17 =	sadd.s32 $0x1, s17;
	[sflag:s10] =	ssyncadd.s32 @!p0 s0;
	s16 =	smov.u32 s21  }
.LBB1_1:
0x2f: {  	p0 =	sge.u32 s17, s5;
	s21 =	smov.u32 s16;
	s31 =	sadd.s32 $0xFFFFFFFF, s17  }
0x30: {  	s0 =	sshll.u32 @!p0 s15, $0x8;
	s1 =	sshll.u32 @!p0 s15, $0x7;
	p1 =	sgt.s32 @!p0 s16, $0x750  }
0x31: {  	p2 =	sgt.s32 @!p0 s15, $0x37;
	s10 =	sshra.s32 @!p0 s15, $0x1F;
	s22 =	sshra.s32 @!p0 s16, $0x1F  }
0x32: {  	s0 =	sand.u32 @!p0 $0xFFFFF800, s0;
	s1 =	sand.u32 @!p0 $0x300, s1;
	p1 =	por !p1, p0  }
0x33: {  	p2 =	por !p2, p0;
	s22 =	sand.u32 @!p0 s22, s16;
	s0 =	sor.u32 @!p0 s8, s0  }
0x34: {  	s21 =	simm.s32 @p1 $0x750;
	s0 =	sor.u32 @!p0 s1, s0;
	s1 =	smov.u32 s15  }
0x35: {  	s10 =	sand.u32 @!p0 s10, s15;
	s21 =	ssub.s32 @!p0 s21, s22;
	s1 =	simm.s32 @p2 $0x37  }
0x36: {  	s0 =	sshrl.u32 @!p0 s0, $0x8;
	s21 =	sadd.s32 @!p0 $0xFFFFF8B0, s21;
	s1 =	ssub.s32 @!p0 s1, s10  }
0x37: {  	s10 =	smulhi.u32 @!p0 $0x4924925, s0;
	p2 =	sgt.s32 @!p0 s21, $0x7F;
	s22 =	sadd.s32 @!p0 $0xFFFFFFC9, s1  }
0x38: {  	s21 =	sshll.u32 @!p0 s21, $0x7;
	s1 =	ssub.s32 @!p0 $0x38, s1;
	p1 =	sgt.s32 @!p0 s22, $0x0  }
0x39: {  	s21 =	ssub.s32 @!p0 $0x4000, s21;
	s10 =	smul.u32 @!p0 $0x38, s10;
	p1 =	por !p1, p0  }
0x3a: {  	s22 =	sxor.u32 @!p0 $0xFFFFFFFF, s17;
	s1 =	simm.s32 @!p1 $0x0;
	p1 =	por !p2, p0  }
0x3b: {  	s0 =	ssub.s32 @!p0 s0, s10;
	s10 =	smul.u32 @!p0 $0x700, s16;
	s21 =	simm.s32 @!p1 $0x0  }
0x3c: {  	s22 =	sshll.u32 @!p0 s22, $0xE;
	s1 =	smul.u32 @!p0 s1, s21;
	s21 =	sshll.u32 @!p0 s15, $0x4  }
0x3d: {  	s22 =	sand.u32 @!p0 $0x4000, s22;
	s10 =	sadd.s32 @!p0 s3, s10;
	s21 =	sand.u32 @!p0 $0x10, s21  }
0x3e: {  	s0 =	sshll.u32 @!p0 s0, $0x5;
	s1 =	sand.u32 @!p0 $0x3FFFFF80, s1;
	s10 =	sadd.s32 @!p0 s21, s10  }
0x3f: {  	s21 =	simm.s32 @!p0 $0x3800;
	s0 =	sadd.s32 @!p0 s0, s10;
	s10 =	simm.s32 @!p0 $0x80  }
0x40: {  	[tilespmem:s22], [sflag:$0x1] =	stream.strided.gather @!p0 [hbm4b:s0+s10], s1, s21, s10, $0x38;
	[tilespmem:$0x10000] =	vst v63  }
0x41: {  	p0 =	sge.u32 s31, s5  }
.Ltmp2:
0x42: {  	_ = 	snop;
	(pc) =	sbr.rel @p0 .LBB1_10-.Ltmp2, $1  }
0x43: {  	_ =	sdelay $0x3  }
0x44: {  	p0 =	sgt.s32 s14, $0x750;
	s0 =	smov.u32 s14;
	s1 =	sshra.s32 s14, $0x1F  }
0x45: {  	s10 =	ssub.s32 $0x0, s13;
	s0 =	simm.s32 @!p0 $0x750;
	s1 =	sand.u32 s1, s14  }
0x46: {  	s21 =	sshra.s32 s13, $0x1F;
	s22 =	smov.u32 s13;
	s0 =	ssub.s32 s0, s1  }
0x47: {  	p0 =	sgt.s32 s13, $0x37;
	s21 =	sand.u32 s10, s21;
	s0 =	sadd.s32 $0xFFFFF8B0, s0  }
0x48: {  	s22 =	simm.s32 @!p0 $0x37;
	p0 =	sgt.s32 s0, $0x7F;
	s0 =	sshll.u32 s0, $0x7  }
0x49: {  	s29 =	sadd.s32 s21, s22;
	s22 =	ssub.s32 $0x4000, s0;
	s0 =	sadd.s32 $0x80, s14  }
0x4a: {  	s10 =	sadd.s32 $0x1, s13;
	s22 =	simm.s32 @p0 $0x0;
	p0 =	slt.s32 s0, $0x7D0  }
0x4b: {  	s30 =	sadd.s32 $0xFFFFFFC9, s29;
	s0 =	simm.s32 @!p0 $0x7D0;
	p0 =	slt.s32 s10, $0x31  }
0x4c: {  	s1 =	ssub.s32 $0x38, s29;
	s23 =	ssub.s32 s0, s14;
	s10 =	simm.s32 @!p0 $0x31  }
0x4d: {  	p1 =	sgt.s32 s30, $0x0;
	s24 =	ssub.s32 s10, s13;
	p0 =	slt.s32 s23, $0x1  }
0x4e: {  	s1 =	simm.s32 @p1 $0x0;
	p1 =	slt.s32 @!p0 s24, $0x1  }
0x4f: {  	s1 =	smul.u32 s1, s22;
	p0 =	por p0, p1  }
.Ltmp3:
0x50: {  	_ = 	snop;
	(pc) =	sbr.rel @p0 .LBB1_9-.Ltmp3, $4  }
0x51: {  	s31 =	sand.u32 $0x3FFFFF80, s1  }
0x52: {  	_ =	swait.ge [sflag:s4], s31  }
0x53: {  	s0 =	ssub.s32 $0x0, s31;
	[sflag:s4] =	ssyncset.done $0x0  }
0x54: {  	[sflag:s4] =	ssyncadd.s32 s0  }
0x55: {  	s0 =	sshll.u32 s12, $0x2  }
0x56: {  	s0 =	sand.u32 $0x10000, s0  }
0x57: {  	s25 =	sshrl.u32 s0, $0x2  }
0x58: {  	s27 =	simm.s32 $0x0;
	s28 =	simm.s32 $0x0;
	s26 =	sor.u32 $0x8000, s25  }
.LBB1_4:
0x59: {  	s0 =	sand.u32 $0x3F80, s27  }
0x5a: {  	s30 =	simm.s32 $0x0;
	s31 =	simm.s32 $0x0;
	s10 =	sadd.s32 s0, s26  }
.LBB1_5:
0x5b: {  	s0 =	sand.u32 $0x7, s30  }
0x5c: {  	s0 =	sadd.s32 s0, s28  }
0x5d: {  	s0 =	sshll.u32 s0, $0x9  }
0x5e: {  	s0 =	sshra.s32 s0, $0x2  }
0x5f: {  	s1 =	simm.s32 $0xFFFFFFF0;
	s29 =	smov.u32 s10;
	s0 =	sadd.s32 s0, s25  }
.LBB1_6:
0x60: {  	s1 =	sadd.s32 $0x10, s1  }
0x61: {  	v0 =	vld [tilespmem:s0+$0x0];
	p0 =	slt.u32 s1, $0x70  }
.Ltmp4:
0x62: {  	_ = 	snop;
	(pc) =	sbr.rel @p0 .LBB1_6-.Ltmp4, $2  }
0x63: {  	_ =	sdelay $0x2  }
0x64: {  	s0 =	sadd.s32 $0x10, s0;
	[tilespmem:s29+$0x0] =	vst v0;
	s29 =	sadd.s32 $0x10, s29  }
0x65: {  	s31 =	sadd.s32 $0x1, s31  }
0x66: {  	p0 =	sne.s32 s31, s24  }
.Ltmp5:
0x67: {  	_ = 	snop;
	(pc) =	sbr.rel @p0 .LBB1_5-.Ltmp5, $2  }
0x68: {  	_ =	sdelay $0x2  }
0x69: {  	s10 =	sadd.s32 $0x4000, s10;
	s30 =	sadd.s32 $0x1, s30  }
0x6a: {  	s28 =	sadd.s32 $0x1, s28  }
0x6b: {  	p0 =	sne.s32 s28, s23  }
.Ltmp6:
0x6c: {  	_ = 	snop;
	(pc) =	sbr.rel @p0 .LBB1_4-.Ltmp6, $4  }
.Ltmp7:
0x6d: {  	_ = 	snop;
	(pc) =	sbr.rel @!p0 .LBB1_9-.Ltmp7, $4  }
0x6e: {  	_ = 	snop  }
0x6f: {  	_ = 	snop  }
0x70: {  	s27 =	sadd.s32 $0x80, s27  }
0x71: {  	_ = 	snop  }
.LBB1_11:
0x72: {  	_ =	sfence.sel $0x180000  }
0x73: {  	s0 =	simm.s32 $0x1;
	[bflag:$0x0] =	sbarrier.arrive $0xFFFF  }
0x74: {  	s30 =	simm.s32 $0x2;
	[sflag:s0] =	ssyncpa.u1 $0x1  }
0x75: {  	[sflag:s30] =	ssyncpa.u1 $0x1  }
0x76: {  	_ =	strace $0x90000050  }
0x77: {  	s31 =	stileid.u32;
	[bflag:$0x2] =	sbarrier.arrive $0xFFFF  }
0x78: {  	p0 =	sne.s32 s31, $0x0;
	s0 =	rddreg [dreg:$0x1]  }
0x79: {  	s0 =	sadd.s32 @!p0 $0x100000, s0  }
0x7a: {  	[sflag:s0] =	ssyncadd.tile.s32 @!p0 $0x1;
	_ =	shalt  }
.Lfunc_end1:
_tile_overlayer_lowered:
.L_overlay_start_2:
0x7b: {  	(tag) =	ssettag $0x2  }
0x7c: {  	s0 =	rddreg [dreg:$0x0];
	s2 =	stileid.u32  }
0x7d: {  	s1 =	rddreg [dreg:$0x1];
	p0 =	sne.s32 s2, $0x0  }
0x7e: {  	s3 =	rddreg [dreg:$0x2];
	[bflag:$0x3] =	sbarrier.arrive $0xFFFF;
	s2 =	simm.s32 @!p0 $0x1C01  }
0x7f: {  	[timem:s3], [sflag:s2] =	dma.local @!p0 [hbm:s0], s1  }
0x80: {  	s0 =	simm.s32 @!p0 $0x1  }
0x81: {  	_ =	swait.ge @!p0 [sflag:s0], s1  }
0x82: {  	s1 =	ssub.s32 @!p0 $0x0, s1;
	[sflag:s0] =	ssyncset.done @!p0 $0x0  }
0x83: {  	[sflag:s0] =	ssyncadd.s32 @!p0 s1  }
0x84: {  	[bflag:$0x3] =	sbarrier.arrive $0xFFFF  }
0x85: {  	_ =	shalt  }

// kernel: sparse-core-data-format-call.2.cloned.1.call-start
scs
called_computation.2_lowered:
.L_overlay_start_0:
0x0: {  	s2 =	sld [smem:$0x3FD9]  }
0x1: {  	s3 =	sld [smem:$0x3FFE];
	_ =	sdelay $0x1  }
0x2: {  	s1 =	srdreg.scid  }
0x3: {  	s0 =	sand.u32 $0x1, s1  }
0x4: {  	s18 =	sshll.u32 s0, $0xA;
	s2 =	sadd.s32 s3, s2  }
0x5: {  	s2 =	sadd.s32 s2, s18  }
0x6: {  	[smem:$0x3FC2] =	sst s2  }
0x7: {  	_ = 	snop  }
0x8: {  	s2 =	sld [smem:$0x3FC6];
	(tm) =	ssettm $0x1  }
0x9: {  	s19 =	sld [smem:$0x3FFB];
	_ =	sdelay $0x3  }
0xa: {  	_ =	strace s19  }
0xb: {  	s3 =	sld [smem:$0x3FFC];
	_ =	sdelay $0x3  }
0xc: {  	_ =	strace s3  }
0xd: {  	s3 =	sld [smem:$0x3FFD];
	_ =	sdelay $0x3  }
0xe: {  	_ =	strace s3  }
0xf: {  	_ =	strace $0x8FFFFFFF  }
0x10: {  	s20 =	sld [smem:$0x3FDB];
	_ =	sdelay $0x1  }
0x11: {  	s4 =	simm.s32 $_scs_section_size  }
0x12: {  	s5 =	simm.s32 $_size__tile_overlayer_lowered;
	s6 =	simm.s32 $_tile_overlayer_lowered  }
0x13: {  	s23 =	simm.s32 $0x1BFF;
	s22 =	sshll.u32 s6, $0x1;
	s3 =	sadd.s32 s4, s20  }
0x14: {  	s7 =	simm.s32 $0x0;
	s21 =	sshll.u32 s5, $0x1;
	s5 =	sadd.s32 s22, s3  }
0x15: {  	[timem:s7], [sflag:s23] =	dma.local [hbm:s5], s21  }
0x16: {  	_ =	swait.ge [sflag:s23], s21  }
0x17: {  	s4 =	ssub.s32 $0x0, s21;
	[sflag:s23] =	ssyncset.done $0x0  }
0x18: {  	[sflag:s23] =	ssyncadd.s32 s4;
	_ =	sdelay $0x1  }
0x19: {  	s24 =	simm.s32 $0x1B8B  }
0x1a: {  	_ =	swait.ge [sflag:s24], $0x1  }
0x1b: {  	[sflag:s24] =	ssyncset.done $0x0  }
0x1c: {  	s26 =	simm.s32 $0x1B8E;
	s25 =	sld [smem:$0x3FFE];
	[sflag:s24] =	ssyncadd.s32 $0xFFFFFFFF  }
0x1d: {  	s27 =	simm.s32 $execute0_lowered;
	[smem:$0x3FD2] =	sst s26  }
0x1e: {  	s5 =	sshll.u32 s27, $0x1;
	_ =	strace $0x80000046;
	[dreg:$0x1] =	wrdreg $0xFFFFFFFF  }
0x1f: {  	s28 =	simm.s32 $_size_execute0_lowered;
	s3 =	sadd.s32 s3, s5;
	[dreg:$0x0] =	wrdreg $0x0  }
0x20: {  	s5 =	sshll.u32 s28, $0x1;
	[dreg:$0x2] =	wrdreg s3  }
0x21: {  	[dreg:$0x3] =	wrdreg s5  }
0x22: {  	[dreg:$0x4] =	wrdreg $0xC0  }
0x23: {  	_ =	task [dreg:s7], $0x5FFFF  }
0x24: {  	[dreg:$0x1] =	wrdreg $0xFFFFFFFF  }
0x25: {  	[dreg:$0x0] =	wrdreg $0x60  }
0x26: {  	[dreg:$0x2] =	wrdreg s2  }
0x27: {  	[dreg:$0x3] =	wrdreg s25  }
0x28: {  	[dreg:$0x4] =	wrdreg $0x9  }
0x29: {  	_ =	task.clear_ibuf [dreg:s7], $0x5FFFF;
	_ =	strace $0x90000046  }
0x2a: {  	s29 =	simm.s32 $0x9;
	_ =	strace $0x80000048  }
0x2b: {  	_ =	swait.ge [sflag:s29], $0x1  }
0x2c: {  	[sflag:s29] =	ssyncadd.s32 $0xFFFFFFFF  }
0x2d: {  	_ =	strace $0x90000048  }
0x2e: {  	_ =	sfence  }
0x2f: {  	s30 =	sld [smem:$0x0];
	_ =	sdelay $0x2  }
0x30: {  	s31 =	sshll.u32 s1, $0xD;
	s1 =	sshrl.u32 s1, $0x2  }
0x31: {  	s3 =	sand.u32 $0x4000, s31;
	s1 =	sadd.s32 s1, s30  }
0x32: {  	s0 =	sor.u32 s3, s0;
	s1 =	sshll.u32 s1, $0x11  }
0x33: {  	s0 =	sor.u32 s1, s0  }
0x34: {  	s0 =	sadd.s32 $0x8F2B, s0  }
0x35: {  	[sflag:s0] =	ssyncadd.remote.s32 $0x1  }
0x36: {  	_ =	sfence.sel $0xFFFF  }
0x37: {  	[dreg:$0x0] =	wrdreg $0xFFFFFFFF;
	(pc) =	sbr.abs _section_cstart, $3  }
0x38: {  	[dreg:$0x1] =	wrdreg $0xFFFFFFFF  }
0x39: {  	_ =	task.clear_ibuf [dreg:s7], $0x2FFFF;
	_ =	strace $0x9FFFFFFF  }
0x3a: {  	(tm) =	ssettm $0x7FFFFFFF  }
0x3b: {  	_ =	shalt  }
tec
execute0_lowered:
.L_overlay_start_1:
0x0: {  	(tag) =	ssettag $0x1  }
0x1: {  	s0 =	srdreg.scid  }
0x2: {  	s1 =	sshll.u32 s0, $0x4  }
0x3: {  	s2 =	rddreg [dreg:$0x0];
	s0 =	stileid.u32;
	s1 =	sand.u32 $0x10, s1  }
0x4: {  	s4 =	rddreg [dreg:$0x1];
	s7 =	simm.s32 $0x1;
	s1 =	sor.u32 s0, s1  }
0x5: {  	s8 =	simm.s32 $0x2;
	s9 =	simm.s32 $0x0;
	s3 =	sshll.u32 s1, $0x3  }
0x6: {  	s12 =	simm.s32 $0x0;
	s11 =	simm.s32 $0x0;
	s6 =	ssub.s32 $0x1000, s3  }
.Ltmp0:
0x7: {  	s4 =	sadd.s32 $0x2E00, s4;
	s5 =	sand.u32 $0xF8, s6;
	(pc) =	sbr.rel .LBB1_1-.Ltmp0, $4  }
0x8: {  	s1 =	rddreg [dreg:$0x2];
	_ =	strace $0x80000047;
	p0 =	sne.s32 s5, $0x0  }
0x9: {  	s6 =	sshrl.u32 s6, $0x8;
	s5 =	simm.s32 $0x1;
	s7 =	simm.s32 @!p0 $0x0  }
0xa: {  	s10 =	smov.u32 s3;
	[sflag:s5] =	ssyncpa.u1 $0x0;
	s6 =	sadd.s32 s7, s6  }
0xb: {  	[sflag:s8] =	ssyncpa.u1 $0x0;
	s8 =	simm.s32 $0x0;
	s7 =	sadd.s32 $0x1, s6  }
.LBB1_9:
0xc: {  	s14 =	sadd.s32 $0x100, s10  }
0xd: {  	p1 =	sgt.s32 s14, $0xFFF  }
0xe: {  	s14 =	smov.u32 @p1 s3;
	p1 =	sne.s32 s11, s7  }
.Ltmp1:
0xf: {  	p0 =	slt.u32 s11, $0x2;
	(pc) =	sbr.rel @!p1 .LBB1_10-.Ltmp1, $4  }
0x10: {  	s13 =	simm.s32 @!p0 $0x2  }
0x11: {  	s15 =	sadd.s32 $0x1, s11;
	_ =	swait.ge @!p0 [sflag:s13], $0x4000  }
0x12: {  	s12 =	smov.u32 s10;
	s9 =	sadd.s32 $0x4000, s9;
	[sflag:s13] =	ssyncset.done @!p0 $0x0  }
0x13: {  	s11 =	smov.u32 s15;
	s10 =	smov.u32 s14;
	[sflag:s13] =	ssyncadd.s32 @!p0 $0xFFFFC000  }
.LBB1_1:
0x14: {  	p0 =	sge.u32 s11, s6  }
0x15: {  	s13 =	sxor.u32 @!p0 $0xFFFFFFFF, s11  }
0x16: {  	s31 =	sadd.s32 $0xFFFFFFFF, s11;
	s14 =	sshll.u32 @!p0 s10, $0x8;
	s13 =	sshll.u32 @!p0 s13, $0xE  }
0x17: {  	s15 =	simm.s32 @!p0 $0x0;
	s14 =	sadd.s32 @!p0 s2, s14;
	s13 =	sand.u32 @!p0 $0x4000, s13  }
0x18: {  	[tilespmem:s13], [sflag:$0x1] =	stream.linear.gather @!p0 [hbm4b:s14+s15], $0x4000, $0x38;
	[tilespmem:$0x10000] =	vst v63  }
0x19: {  	p0 =	sge.u32 s31, s6  }
.Ltmp2:
0x1a: {  	_ = 	snop;
	(pc) =	sbr.rel @p0 .LBB1_9-.Ltmp2, $1  }
0x1b: {  	_ =	sdelay $0x3  }
0x1c: {  	s13 =	sshll.u32 s9, $0x2;
	_ =	swait.ge [sflag:s5], $0x4000;
	s14 =	sshll.u32 s11, $0xE  }
0x1d: {  	s16 =	simm.s32 $0x0;
	s17 =	simm.s32 $0x0;
	s15 =	sand.u32 $0x10000, s13  }
0x1e: {  	[sflag:s5] =	ssyncset.done $0x0;
	s31 =	sand.u32 $0x4000, s14;
	s14 =	sshrl.u32 s15, $0x2  }
0x1f: {  	[sflag:s5] =	ssyncadd.s32 $0xFFFFC000;
	s13 =	sor.u32 $0x8000, s31;
	s15 =	sor.u32 $0x8000, s14  }
.LBB1_3:
0x20: {  	s18 =	sshra.s32 s16, $0x2  }
0x21: {  	v0 =	vmov s18;
	_ =	sdelay $0x3  }
0x22: {  	p1 =	por $0x1, $0x1;
	s18 =	simm.s32 $0x0  }
.LBB1_4:
0x23: {  	_ = 	snop  }
0x24: {  	s19 =	sshll.u32 s18, $0xA  }
0x25: {  	s19 =	sand.u32 $0x3FFFFC00, s19  }
0x26: {  	s19 =	sadd.s32 s19, s14  }
0x27: {  	v5 =	vld.idx.msk [tilespmem:v0+s19+$0x70 ss:$0x1], $0xffff  }
0x28: {  	v6 =	vld.idx.msk [tilespmem:v0+s19+$0x10 ss:$0x1], $0xffff  }
0x29: {  	v7 =	vld.idx.msk [tilespmem:v0+s19+$0x20 ss:$0x1], $0xffff  }
0x2a: {  	s31 =	sshll.u32 s18, $0x7;
	v1 =	vld.idx.msk [tilespmem:v0+s19+$0x30 ss:$0x1], $0xffff  }
0x2b: {  	s18 =	sand.u32 $0x3FFFFF80, s31;
	v2 =	vld.idx.msk [tilespmem:v0+s19+$0x40 ss:$0x1], $0xffff  }
0x2c: {  	s18 =	sadd.s32 s18, s15;
	v3 =	vld.idx.msk [tilespmem:v0+s19+$0x50 ss:$0x1], $0xffff  }
0x2d: {  	v4 =	vld.idx.msk [tilespmem:v0+s19+$0x60 ss:$0x1], $0xffff;
	[tilespmem:v0+s18+$0x70 ss:$0x1] =	vst.idx.msk $0xffff, v5  }
0x2e: {  	v5 =	vld.idx.msk [tilespmem:v0+s19+$0x0 ss:$0x1], $0xffff;
	[tilespmem:v0+s18+$0x10 ss:$0x1] =	vst.idx.msk $0xffff, v6;
	s19 =	sadd.s32 $0x80, s19  }
0x2f: {  	p0 =	por p1, p1;
	s20 =	simm.s32 $0x6;
	[tilespmem:v0+s18+$0x20 ss:$0x1] =	vst.idx.msk $0xffff, v7;
	v6 =	vld.idx.msk [tilespmem:v0+s19+$0x70 ss:$0x1], $0xffff  }
.LBB1_5:
0x30: {  	p1 =	sne.s32 s20, $0x1;
	v7 =	vld.idx.msk [tilespmem:v0+s19+$0x10 ss:$0x1], $0xffff;
	[tilespmem:v0+s18+$0x30 ss:$0x1] =	vst.idx.msk $0xffff, v1  }
0x31: {  	v8 =	vld.idx.msk [tilespmem:v0+s19+$0x20 ss:$0x1], $0xffff;
	[tilespmem:v0+s18+$0x40 ss:$0x1] =	vst.idx.msk $0xffff, v2  }
0x32: {  	v1 =	vld.idx.msk [tilespmem:v0+s19+$0x30 ss:$0x1], $0xffff;
	[tilespmem:v0+s18+$0x50 ss:$0x1] =	vst.idx.msk $0xffff, v3  }
.Ltmp3:
0x33: {  	v2 =	vld.idx.msk [tilespmem:v0+s19+$0x40 ss:$0x1], $0xffff;
	[tilespmem:v0+s18+$0x60 ss:$0x1] =	vst.idx.msk $0xffff, v4;
	(pc) =	sbr.rel @p1 .LBB1_5-.Ltmp3, $4  }
0x34: {  	v3 =	vld.idx.msk [tilespmem:v0+s19+$0x50 ss:$0x1], $0xffff;
	[tilespmem:v0+s18+$0x0 ss:$0x1] =	vst.idx.msk $0xffff, v5;
	s18 =	sadd.s32 $0x100, s18  }
0x35: {  	v4 =	vld.idx.msk [tilespmem:v0+s19+$0x60 ss:$0x1], $0xffff;
	[tilespmem:v0+s18+$0x70 ss:$0x1] =	vst.idx.msk $0xffff, v6  }
0x36: {  	v5 =	vld.idx.msk [tilespmem:v0+s19+$0x0 ss:$0x1], $0xffff;
	[tilespmem:v0+s18+$0x10 ss:$0x1] =	vst.idx.msk $0xffff, v7;
	s19 =	sadd.s32 $0x80, s19  }
0x37: {  	s20 =	sadd.s32 $0xFFFFFFFF, s20;
	v6 =	vld.idx.msk [tilespmem:v0+s19+$0x70 ss:$0x1], $0xffff;
	[tilespmem:v0+s18+$0x20 ss:$0x1] =	vst.idx.msk $0xffff, v8  }
0x38: {  	_ =	sdelay $0x3  }
0x39: {  	[tilespmem:v0+s18+$0x30 ss:$0x1] =	vst.idx.msk $0xffff, v1  }
0x3a: {  	v1 =	vld.idx.msk [tilespmem:v0+s19+$0x10 ss:$0x1], $0xffff;
	[tilespmem:v0+s18+$0x40 ss:$0x1] =	vst.idx.msk $0xffff, v2  }
0x3b: {  	v2 =	vld.idx.msk [tilespmem:v0+s19+$0x20 ss:$0x1], $0xffff;
	[tilespmem:v0+s18+$0x50 ss:$0x1] =	vst.idx.msk $0xffff, v3  }
0x3c: {  	v61 =	vld.idx.msk [tilespmem:v0+s19+$0x40 ss:$0x1], $0xffff;
	[tilespmem:v0+s18+$0x60 ss:$0x1] =	vst.idx.msk $0xffff, v4  }
0x3d: {  	s31 =	sadd.s32 $0x100, s18;
	v62 =	vld.idx.msk [tilespmem:v0+s19+$0x50 ss:$0x1], $0xffff;
	[tilespmem:v0+s18+$0x0 ss:$0x1] =	vst.idx.msk $0xffff, v5  }
0x3e: {  	v63 =	vld.idx.msk [tilespmem:v0+s19+$0x60 ss:$0x1], $0xffff;
	[tilespmem:v0+s31+$0x70 ss:$0x1] =	vst.idx.msk $0xffff, v6  }
0x3f: {  	v3 =	vld.idx.msk [tilespmem:v0+s19+$0x30 ss:$0x1], $0xffff;
	[tilespmem:v0+s31+$0x10 ss:$0x1] =	vst.idx.msk $0xffff, v1  }
0x40: {  	v1 =	vld.idx.msk [tilespmem:v0+s19+$0x0 ss:$0x1], $0xffff;
	[tilespmem:v0+s31+$0x20 ss:$0x1] =	vst.idx.msk $0xffff, v2  }
.Ltmp4:
0x41: {  	[tilespmem:v0+s31+$0x40 ss:$0x1] =	vst.idx.msk $0xffff, v61;
	(pc) =	sbr.rel @p0 .LBB1_4-.Ltmp4, $4  }
0x42: {  	[tilespmem:v0+s31+$0x50 ss:$0x1] =	vst.idx.msk $0xffff, v62  }
0x43: {  	[tilespmem:v0+s31+$0x60 ss:$0x1] =	vst.idx.msk $0xffff, v63  }
0x44: {  	[tilespmem:v0+s31+$0x30 ss:$0x1] =	vst.idx.msk $0xffff, v3  }
0x45: {  	p1 =	por $0x0, $0x0;
	s18 =	simm.s32 $0x1;
	[tilespmem:v0+s31+$0x0 ss:$0x1] =	vst.idx.msk $0xffff, v1  }
0x46: {  	s17 =	sadd.s32 $0x1, s17  }
0x47: {  	p0 =	sne.s32 s17, $0x8  }
.Ltmp5:
0x48: {  	_ = 	snop;
	(pc) =	sbr.rel @p0 .LBB1_3-.Ltmp5, $2  }
0x49: {  	_ =	sdelay $0x2  }
0x4a: {  	s16 =	sadd.s32 $0x2000, s16  }
.Ltmp6:
0x4b: {  	(pc) =	sbr.rel .LBB1_9-.Ltmp6, $4  }
0x4c: {  	_ = 	snop  }
0x4d: {  	s12 =	sshll.u32 s12, $0x8  }
0x4e: {  	s12 =	sadd.s32 s4, s12  }
0x4f: {  	[hbm4b:s12+s8] =	stream.linear.scatter [tilespmem:s13], [sflag:$0x2], $0x4000, $0x38;
	[tilespmem:$0x10000] =	vst v63  }
.LBB1_10:
0x50: {  	_ =	sfence.sel $0x180000  }
0x51: {  	s2 =	simm.s32 $0x1;
	[bflag:$0x0] =	sbarrier.arrive $0xFFFF  }
0x52: {  	s31 =	simm.s32 $0x2;
	[sflag:s2] =	ssyncpa.u1 $0x1  }
0x53: {  	[sflag:s31] =	ssyncpa.u1 $0x1  }
0x54: {  	p0 =	sne.s32 s0, $0x0;
	_ =	strace $0x90000047  }
0x55: {  	s0 =	sadd.s32 @!p0 $0x100000, s1;
	[bflag:$0x2] =	sbarrier.arrive $0xFFFF  }
0x56: {  	[sflag:s0] =	ssyncadd.tile.s32 @!p0 $0x1;
	_ =	shalt  }
.Lfunc_end1:
_tile_overlayer_lowered:
.L_overlay_start_2:
0x57: {  	(tag) =	ssettag $0x2  }
0x58: {  	s0 =	rddreg [dreg:$0x0];
	s2 =	stileid.u32  }
0x59: {  	s1 =	rddreg [dreg:$0x1];
	p0 =	sne.s32 s2, $0x0  }
0x5a: {  	s3 =	rddreg [dreg:$0x2];
	[bflag:$0x3] =	sbarrier.arrive $0xFFFF;
	s2 =	simm.s32 @!p0 $0x1C01  }
0x5b: {  	[timem:s3], [sflag:s2] =	dma.local @!p0 [hbm:s0], s1  }
0x5c: {  	s0 =	simm.s32 @!p0 $0x1  }
0x5d: {  	_ =	swait.ge @!p0 [sflag:s0], s1  }
0x5e: {  	s1 =	ssub.s32 @!p0 $0x0, s1;
	[sflag:s0] =	ssyncset.done @!p0 $0x0  }
0x5f: {  	[sflag:s0] =	ssyncadd.s32 @!p0 s1  }
0x60: {  	[bflag:$0x3] =	sbarrier.arrive $0xFFFF  }
0x61: {  	_ =	shalt  }

// kernel: sparse-core-data-format-call.3.cloned.1.call-start
scs
called_computation.3_lowered:
.L_overlay_start_0:
0x0: {  	s2 =	sld [smem:$0x3FD9]  }
0x1: {  	s3 =	sld [smem:$0x3FFE];
	_ =	sdelay $0x1  }
0x2: {  	s1 =	srdreg.scid  }
0x3: {  	s0 =	sand.u32 $0x1, s1  }
0x4: {  	s18 =	sshll.u32 s0, $0xA;
	s2 =	sadd.s32 s3, s2  }
0x5: {  	s2 =	sadd.s32 s2, s18  }
0x6: {  	[smem:$0x3FC2] =	sst s2  }
0x7: {  	_ = 	snop  }
0x8: {  	s19 =	sld [smem:$0x3FC7];
	(tm) =	ssettm $0x1  }
0x9: {  	s20 =	sld [smem:$0x3FFB];
	_ =	sdelay $0x3  }
0xa: {  	_ =	strace s20  }
0xb: {  	s2 =	sld [smem:$0x3FFC];
	_ =	sdelay $0x3  }
0xc: {  	_ =	strace s2  }
0xd: {  	s2 =	sld [smem:$0x3FFD];
	_ =	sdelay $0x3  }
0xe: {  	_ =	strace s2  }
0xf: {  	_ =	strace $0x8FFFFFFF  }
0x10: {  	s21 =	sld [smem:$0x3FDB];
	_ =	sdelay $0x1  }
0x11: {  	s4 =	simm.s32 $_scs_section_size  }
0x12: {  	s5 =	simm.s32 $_size__tile_overlayer_lowered;
	s6 =	simm.s32 $_tile_overlayer_lowered  }
0x13: {  	s7 =	simm.s32 $0x1BFF;
	s22 =	sshll.u32 s6, $0x1;
	s4 =	sadd.s32 s4, s21  }
0x14: {  	s23 =	simm.s32 $0x0;
	s5 =	sshll.u32 s5, $0x1;
	s6 =	sadd.s32 s22, s4  }
0x15: {  	[timem:s23], [sflag:s7] =	dma.local [hbm:s6], s5  }
0x16: {  	_ =	swait.ge [sflag:s7], s5  }
0x17: {  	s5 =	ssub.s32 $0x0, s5;
	[sflag:s7] =	ssyncset.done $0x0  }
0x18: {  	[sflag:s7] =	ssyncadd.s32 s5;
	_ =	sdelay $0x1  }
0x19: {  	s24 =	simm.s32 $0x1B8B  }
0x1a: {  	_ =	swait.ge [sflag:s24], $0x1  }
0x1b: {  	[sflag:s24] =	ssyncset.done $0x0  }
0x1c: {  	[sflag:s24] =	ssyncadd.s32 $0xFFFFFFFF  }
0x1d: {  	s5 =	sld [smem:$0x0]  }
0x1e: {  	s6 =	sand.u32 $0xFFFFFFFE, s1  }
0x1f: {  	p0 =	sne.s32 s1, s6  }
0x20: {  	s6 =	sshll.u32 @p0 s6, $0xE  }
0x21: {  	s6 =	sadd.s32 @p0 $0x11B8D, s6;
	s7 =	sshll.u32 @p0 s5, $0x11  }
0x22: {  	s6 =	sor.u32 @p0 s7, s6  }
0x23: {  	[sflag:s6] =	ssyncadd.remote.s32 @p0 $0x1;
	_ =	sdelay $0x1  }
0x24: {  	s6 =	simm.s32 @p0 $0x1B8D  }
0x25: {  	_ =	swait.eq @p0 [sflag:s6], $0x1  }
0x26: {  	[sflag:s6] =	ssyncadd.s32 @p0 $0xFFFFFFFF  }
0x27: {  	s7 =	sshll.u32 @!p0 s1, $0xE  }
0x28: {  	s7 =	sor.u32 @!p0 $0x4000, s7;
	s6 =	simm.s32 @!p0 $0x1B8D  }
0x29: {  	s5 =	sshll.u32 @!p0 s5, $0x11;
	s7 =	sadd.s32 @!p0 $0x11B8D, s7;
	_ =	swait.eq @!p0 [sflag:s6], $0x1  }
0x2a: {  	s5 =	sor.u32 @!p0 s5, s7;
	[sflag:s6] =	ssyncadd.s32 @!p0 $0xFFFFFFFF  }
0x2b: {  	s26 =	simm.s32 $0x1B8E;
	s25 =	sld [smem:$0x3FFE];
	[sflag:s5] =	ssyncadd.remote.s32 @!p0 $0x1  }
0x2c: {  	s27 =	simm.s32 $execute0_lowered;
	[smem:$0x3FD2] =	sst s26  }
0x2d: {  	s6 =	sshll.u32 s27, $0x1;
	_ =	strace $0x80000049;
	[dreg:$0x1] =	wrdreg $0xFFFFFFFF  }
0x2e: {  	s28 =	simm.s32 $_size_execute0_lowered;
	s4 =	sadd.s32 s4, s6;
	[dreg:$0x0] =	wrdreg $0x0  }
0x2f: {  	s6 =	sshll.u32 s28, $0x1;
	[dreg:$0x2] =	wrdreg s4  }
0x30: {  	[dreg:$0x3] =	wrdreg s6  }
0x31: {  	[dreg:$0x4] =	wrdreg $0xC0  }
0x32: {  	_ =	task [dreg:s23], $0x5FFFF  }
0x33: {  	[dreg:$0x1] =	wrdreg $0xFFFFFFFF  }
0x34: {  	[dreg:$0x0] =	wrdreg $0x60  }
0x35: {  	[dreg:$0x2] =	wrdreg s19  }
0x36: {  	[dreg:$0x3] =	wrdreg s25  }
0x37: {  	[dreg:$0x4] =	wrdreg $0xA  }
0x38: {  	_ =	task.clear_ibuf [dreg:s23], $0x5FFFF;
	_ =	strace $0x90000049  }
0x39: {  	s29 =	simm.s32 $0xA;
	_ =	strace $0x8000004B  }
0x3a: {  	_ =	swait.ge [sflag:s29], $0x1  }
0x3b: {  	[sflag:s29] =	ssyncadd.s32 $0xFFFFFFFF  }
0x3c: {  	_ =	strace $0x9000004B  }
0x3d: {  	_ =	sfence  }
0x3e: {  	s30 =	sld [smem:$0x0];
	_ =	sdelay $0x2  }
0x3f: {  	s31 =	sshll.u32 s1, $0xD;
	s1 =	sshrl.u32 s1, $0x2  }
0x40: {  	s4 =	sand.u32 $0x4000, s31;
	s1 =	sadd.s32 s1, s30  }
0x41: {  	s0 =	sor.u32 s4, s0;
	s1 =	sshll.u32 s1, $0x11  }
0x42: {  	s0 =	sor.u32 s1, s0  }
0x43: {  	s0 =	sadd.s32 $0x8F2B, s0  }
0x44: {  	[sflag:s0] =	ssyncadd.remote.s32 $0x1  }
0x45: {  	_ =	sfence.sel $0xFFFF  }
0x46: {  	[dreg:$0x0] =	wrdreg $0xFFFFFFFF;
	(pc) =	sbr.abs _section_cstart, $3  }
0x47: {  	[dreg:$0x1] =	wrdreg $0xFFFFFFFF  }
0x48: {  	_ =	task.clear_ibuf [dreg:s23], $0x2FFFF;
	_ =	strace $0x9FFFFFFF  }
0x49: {  	(tm) =	ssettm $0x7FFFFFFF  }
tec
execute0_lowered:
.L_overlay_start_1:
0x0: {  	(tag) =	ssettag $0x1  }
0x1: {  	s0 =	srdreg.scid  }
0x2: {  	s1 =	sshll.u32 s0, $0x4  }
0x3: {  	s2 =	rddreg [dreg:$0x0];
	s0 =	stileid.u32;
	s1 =	sand.u32 $0x10, s1  }
0x4: {  	s4 =	rddreg [dreg:$0x1];
	s7 =	simm.s32 $0x1;
	s1 =	sor.u32 s0, s1  }
0x5: {  	s8 =	simm.s32 $0x2;
	s9 =	simm.s32 $0x0;
	s3 =	sshll.u32 s1, $0x3  }
0x6: {  	s12 =	simm.s32 $0x0;
	s11 =	simm.s32 $0x0;
	s6 =	ssub.s32 $0x4000, s3  }
.Ltmp0:
0x7: {  	s4 =	sadd.s32 $0x102E00, s4;
	s5 =	sand.u32 $0xF8, s6;
	(pc) =	sbr.rel .LBB1_1-.Ltmp0, $4  }
0x8: {  	s1 =	rddreg [dreg:$0x2];
	_ =	strace $0x8000004A;
	p0 =	sne.s32 s5, $0x0  }
0x9: {  	s6 =	sshrl.u32 s6, $0x8;
	s5 =	simm.s32 $0x1;
	s7 =	simm.s32 @!p0 $0x0  }
0xa: {  	s10 =	smov.u32 s3;
	[sflag:s5] =	ssyncpa.u1 $0x0;
	s6 =	sadd.s32 s7, s6  }
0xb: {  	[sflag:s8] =	ssyncpa.u1 $0x0;
	s8 =	simm.s32 $0x0;
	s7 =	sadd.s32 $0x1, s6  }
.LBB1_9:
0xc: {  	s14 =	sadd.s32 $0x100, s10  }
0xd: {  	p1 =	sgt.s32 s14, $0x3FFF  }
0xe: {  	s14 =	smov.u32 @p1 s3;
	p1 =	sne.s32 s11, s7  }
.Ltmp1:
0xf: {  	p0 =	slt.u32 s11, $0x2;
	(pc) =	sbr.rel @!p1 .LBB1_10-.Ltmp1, $4  }
0x10: {  	s13 =	simm.s32 @!p0 $0x2  }
0x11: {  	s15 =	sadd.s32 $0x1, s11;
	_ =	swait.ge @!p0 [sflag:s13], $0x4000  }
0x12: {  	s12 =	smov.u32 s10;
	s9 =	sadd.s32 $0x4000, s9;
	[sflag:s13] =	ssyncset.done @!p0 $0x0  }
0x13: {  	s11 =	smov.u32 s15;
	s10 =	smov.u32 s14;
	[sflag:s13] =	ssyncadd.s32 @!p0 $0xFFFFC000  }
.LBB1_1:
0x14: {  	p0 =	sge.u32 s11, s6  }
0x15: {  	s13 =	sxor.u32 @!p0 $0xFFFFFFFF, s11  }
0x16: {  	s31 =	sadd.s32 $0xFFFFFFFF, s11;
	s14 =	sshll.u32 @!p0 s10, $0x8;
	s13 =	sshll.u32 @!p0 s13, $0xE  }
0x17: {  	s15 =	simm.s32 @!p0 $0x0;
	s14 =	sadd.s32 @!p0 s2, s14;
	s13 =	sand.u32 @!p0 $0x4000, s13  }
0x18: {  	[tilespmem:s13], [sflag:$0x1] =	stream.linear.gather @!p0 [hbm4b:s14+s15], $0x4000, $0x38;
	[tilespmem:$0x10000] =	vst v63  }
0x19: {  	p0 =	sge.u32 s31, s6  }
.Ltmp2:
0x1a: {  	_ = 	snop;
	(pc) =	sbr.rel @p0 .LBB1_9-.Ltmp2, $1  }
0x1b: {  	_ =	sdelay $0x3  }
0x1c: {  	s13 =	sshll.u32 s9, $0x2;
	_ =	swait.ge [sflag:s5], $0x4000;
	s14 =	sshll.u32 s11, $0xE  }
0x1d: {  	s16 =	simm.s32 $0x0;
	s17 =	simm.s32 $0x0;
	s15 =	sand.u32 $0x10000, s13  }
0x1e: {  	[sflag:s5] =	ssyncset.done $0x0;
	s31 =	sand.u32 $0x4000, s14;
	s14 =	sshrl.u32 s15, $0x2  }
0x1f: {  	[sflag:s5] =	ssyncadd.s32 $0xFFFFC000;
	s13 =	sor.u32 $0x8000, s31;
	s15 =	sor.u32 $0x8000, s14  }
.LBB1_3:
0x20: {  	s18 =	sshra.s32 s16, $0x2  }
0x21: {  	v0 =	vmov s18;
	_ =	sdelay $0x3  }
0x22: {  	p1 =	por $0x1, $0x1;
	s18 =	simm.s32 $0x0  }
.LBB1_4:
0x23: {  	_ = 	snop  }
0x24: {  	s19 =	sshll.u32 s18, $0xA  }
0x25: {  	s19 =	sand.u32 $0x3FFFFC00, s19  }
0x26: {  	s19 =	sadd.s32 s19, s14  }
0x27: {  	v5 =	vld.idx.msk [tilespmem:v0+s19+$0x70 ss:$0x1], $0xffff  }
0x28: {  	v6 =	vld.idx.msk [tilespmem:v0+s19+$0x10 ss:$0x1], $0xffff  }
0x29: {  	v7 =	vld.idx.msk [tilespmem:v0+s19+$0x20 ss:$0x1], $0xffff  }
0x2a: {  	s31 =	sshll.u32 s18, $0x7;
	v1 =	vld.idx.msk [tilespmem:v0+s19+$0x30 ss:$0x1], $0xffff  }
0x2b: {  	s18 =	sand.u32 $0x3FFFFF80, s31;
	v2 =	vld.idx.msk [tilespmem:v0+s19+$0x40 ss:$0x1], $0xffff  }
0x2c: {  	s18 =	sadd.s32 s18, s15;
	v3 =	vld.idx.msk [tilespmem:v0+s19+$0x50 ss:$0x1], $0xffff  }
0x2d: {  	v4 =	vld.idx.msk [tilespmem:v0+s19+$0x60 ss:$0x1], $0xffff;
	[tilespmem:v0+s18+$0x70 ss:$0x1] =	vst.idx.msk $0xffff, v5  }
0x2e: {  	v5 =	vld.idx.msk [tilespmem:v0+s19+$0x0 ss:$0x1], $0xffff;
	[tilespmem:v0+s18+$0x10 ss:$0x1] =	vst.idx.msk $0xffff, v6;
	s19 =	sadd.s32 $0x80, s19  }
0x2f: {  	p0 =	por p1, p1;
	s20 =	simm.s32 $0x6;
	[tilespmem:v0+s18+$0x20 ss:$0x1] =	vst.idx.msk $0xffff, v7;
	v6 =	vld.idx.msk [tilespmem:v0+s19+$0x70 ss:$0x1], $0xffff  }
.LBB1_5:
0x30: {  	p1 =	sne.s32 s20, $0x1;
	v7 =	vld.idx.msk [tilespmem:v0+s19+$0x10 ss:$0x1], $0xffff;
	[tilespmem:v0+s18+$0x30 ss:$0x1] =	vst.idx.msk $0xffff, v1  }
0x31: {  	v8 =	vld.idx.msk [tilespmem:v0+s19+$0x20 ss:$0x1], $0xffff;
	[tilespmem:v0+s18+$0x40 ss:$0x1] =	vst.idx.msk $0xffff, v2  }
0x32: {  	v1 =	vld.idx.msk [tilespmem:v0+s19+$0x30 ss:$0x1], $0xffff;
	[tilespmem:v0+s18+$0x50 ss:$0x1] =	vst.idx.msk $0xffff, v3  }
.Ltmp3:
0x33: {  	v2 =	vld.idx.msk [tilespmem:v0+s19+$0x40 ss:$0x1], $0xffff;
	[tilespmem:v0+s18+$0x60 ss:$0x1] =	vst.idx.msk $0xffff, v4;
	(pc) =	sbr.rel @p1 .LBB1_5-.Ltmp3, $4  }
0x34: {  	v3 =	vld.idx.msk [tilespmem:v0+s19+$0x50 ss:$0x1], $0xffff;
	[tilespmem:v0+s18+$0x0 ss:$0x1] =	vst.idx.msk $0xffff, v5;
	s18 =	sadd.s32 $0x100, s18  }
0x35: {  	v4 =	vld.idx.msk [tilespmem:v0+s19+$0x60 ss:$0x1], $0xffff;
	[tilespmem:v0+s18+$0x70 ss:$0x1] =	vst.idx.msk $0xffff, v6  }
0x36: {  	v5 =	vld.idx.msk [tilespmem:v0+s19+$0x0 ss:$0x1], $0xffff;
	[tilespmem:v0+s18+$0x10 ss:$0x1] =	vst.idx.msk $0xffff, v7;
	s19 =	sadd.s32 $0x80, s19  }
0x37: {  	s20 =	sadd.s32 $0xFFFFFFFF, s20;
	v6 =	vld.idx.msk [tilespmem:v0+s19+$0x70 ss:$0x1], $0xffff;
	[tilespmem:v0+s18+$0x20 ss:$0x1] =	vst.idx.msk $0xffff, v8  }
0x38: {  	_ =	sdelay $0x3  }
0x39: {  	[tilespmem:v0+s18+$0x30 ss:$0x1] =	vst.idx.msk $0xffff, v1  }
0x3a: {  	v1 =	vld.idx.msk [tilespmem:v0+s19+$0x10 ss:$0x1], $0xffff;
	[tilespmem:v0+s18+$0x40 ss:$0x1] =	vst.idx.msk $0xffff, v2  }
0x3b: {  	v2 =	vld.idx.msk [tilespmem:v0+s19+$0x20 ss:$0x1], $0xffff;
	[tilespmem:v0+s18+$0x50 ss:$0x1] =	vst.idx.msk $0xffff, v3  }
0x3c: {  	v61 =	vld.idx.msk [tilespmem:v0+s19+$0x40 ss:$0x1], $0xffff;
	[tilespmem:v0+s18+$0x60 ss:$0x1] =	vst.idx.msk $0xffff, v4  }
0x3d: {  	s31 =	sadd.s32 $0x100, s18;
	v62 =	vld.idx.msk [tilespmem:v0+s19+$0x50 ss:$0x1], $0xffff;
	[tilespmem:v0+s18+$0x0 ss:$0x1] =	vst.idx.msk $0xffff, v5  }
0x3e: {  	v63 =	vld.idx.msk [tilespmem:v0+s19+$0x60 ss:$0x1], $0xffff;
	[tilespmem:v0+s31+$0x70 ss:$0x1] =	vst.idx.msk $0xffff, v6  }
0x3f: {  	v3 =	vld.idx.msk [tilespmem:v0+s19+$0x30 ss:$0x1], $0xffff;
	[tilespmem:v0+s31+$0x10 ss:$0x1] =	vst.idx.msk $0xffff, v1  }
0x40: {  	v1 =	vld.idx.msk [tilespmem:v0+s19+$0x0 ss:$0x1], $0xffff;
	[tilespmem:v0+s31+$0x20 ss:$0x1] =	vst.idx.msk $0xffff, v2  }
.Ltmp4:
0x41: {  	[tilespmem:v0+s31+$0x40 ss:$0x1] =	vst.idx.msk $0xffff, v61;
	(pc) =	sbr.rel @p0 .LBB1_4-.Ltmp4, $4  }
0x42: {  	[tilespmem:v0+s31+$0x50 ss:$0x1] =	vst.idx.msk $0xffff, v62  }
0x43: {  	[tilespmem:v0+s31+$0x60 ss:$0x1] =	vst.idx.msk $0xffff, v63  }
0x44: {  	[tilespmem:v0+s31+$0x30 ss:$0x1] =	vst.idx.msk $0xffff, v3  }
0x45: {  	p1 =	por $0x0, $0x0;
	s18 =	simm.s32 $0x1;
	[tilespmem:v0+s31+$0x0 ss:$0x1] =	vst.idx.msk $0xffff, v1  }
0x46: {  	s17 =	sadd.s32 $0x1, s17  }
0x47: {  	p0 =	sne.s32 s17, $0x8  }
.Ltmp5:
0x48: {  	_ = 	snop;
	(pc) =	sbr.rel @p0 .LBB1_3-.Ltmp5, $2  }
0x49: {  	_ =	sdelay $0x2  }
0x4a: {  	s16 =	sadd.s32 $0x2000, s16  }
.Ltmp6:
0x4b: {  	(pc) =	sbr.rel .LBB1_9-.Ltmp6, $4  }
0x4c: {  	_ = 	snop  }
0x4d: {  	s12 =	sshll.u32 s12, $0x8  }
0x4e: {  	s12 =	sadd.s32 s4, s12  }
0x4f: {  	[hbm4b:s12+s8] =	stream.linear.scatter [tilespmem:s13], [sflag:$0x2], $0x4000, $0x38;
	[tilespmem:$0x10000] =	vst v63  }
.LBB1_10:
0x50: {  	_ =	sfence.sel $0x180000  }
0x51: {  	s2 =	simm.s32 $0x1;
	[bflag:$0x0] =	sbarrier.arrive $0xFFFF  }
0x52: {  	s31 =	simm.s32 $0x2;
	[sflag:s2] =	ssyncpa.u1 $0x1  }
0x53: {  	[sflag:s31] =	ssyncpa.u1 $0x1  }
0x54: {  	p0 =	sne.s32 s0, $0x0;
	_ =	strace $0x9000004A  }
0x55: {  	s0 =	sadd.s32 @!p0 $0x100000, s1;
	[bflag:$0x2] =	sbarrier.arrive $0xFFFF  }
0x56: {  	[sflag:s0] =	ssyncadd.tile.s32 @!p0 $0x1;
	_ =	shalt  }
.Lfunc_end1:
_tile_overlayer_lowered:
.L_overlay_start_2:
0x57: {  	(tag) =	ssettag $0x2  }
0x58: {  	s0 =	rddreg [dreg:$0x0];
	s2 =	stileid.u32  }
0x59: {  	s1 =	rddreg [dreg:$0x1];
	p0 =	sne.s32 s2, $0x0  }
0x5a: {  	s3 =	rddreg [dreg:$0x2];
	[bflag:$0x3] =	sbarrier.arrive $0xFFFF;
	s2 =	simm.s32 @!p0 $0x1C01  }
0x5b: {  	[timem:s3], [sflag:s2] =	dma.local @!p0 [hbm:s0], s1  }
0x5c: {  	s0 =	simm.s32 @!p0 $0x1  }
0x5d: {  	_ =	swait.ge @!p0 [sflag:s0], s1  }
0x5e: {  	s1 =	ssub.s32 @!p0 $0x0, s1;
	[sflag:s0] =	ssyncset.done @!p0 $0x0  }
0x5f: {  	[sflag:s0] =	ssyncadd.s32 @!p0 s1  }
0x60: {  	[bflag:$0x3] =	sbarrier.arrive $0xFFFF  }
0x61: {  	_ =	shalt  }

// kernel: sparse-core-data-format-call.cloned.1.call-start
scs
called_computation_lowered:
.L_overlay_start_0:
0x0: {  	s2 =	sld [smem:$0x3FD9]  }
0x1: {  	s3 =	sld [smem:$0x3FFE];
	_ =	sdelay $0x1  }
0x2: {  	s1 =	srdreg.scid  }
0x3: {  	s0 =	sand.u32 $0x1, s1  }
0x4: {  	s18 =	sshll.u32 s0, $0xA;
	s2 =	sadd.s32 s3, s2  }
0x5: {  	s2 =	sadd.s32 s2, s18  }
0x6: {  	[smem:$0x3FC2] =	sst s2  }
0x7: {  	_ = 	snop  }
0x8: {  	s2 =	sld [smem:$0x3FD0];
	(tm) =	ssettm $0x1  }
0x9: {  	s19 =	sld [smem:$0x3FFB];
	_ =	sdelay $0x3  }
0xa: {  	_ =	strace s19  }
0xb: {  	s3 =	sld [smem:$0x3FFC];
	_ =	sdelay $0x3  }
0xc: {  	_ =	strace s3  }
0xd: {  	s3 =	sld [smem:$0x3FFD];
	_ =	sdelay $0x3  }
0xe: {  	_ =	strace s3  }
0xf: {  	_ =	strace $0x8FFFFFFF  }
0x10: {  	s20 =	sld [smem:$0x3FDB];
	_ =	sdelay $0x1  }
0x11: {  	s4 =	simm.s32 $_scs_section_size  }
0x12: {  	s5 =	simm.s32 $_size__tile_overlayer_lowered;
	s6 =	simm.s32 $_tile_overlayer_lowered  }
0x13: {  	s23 =	simm.s32 $0x1BFF;
	s22 =	sshll.u32 s6, $0x1;
	s3 =	sadd.s32 s4, s20  }
0x14: {  	s7 =	simm.s32 $0x0;
	s21 =	sshll.u32 s5, $0x1;
	s5 =	sadd.s32 s22, s3  }
0x15: {  	[timem:s7], [sflag:s23] =	dma.local [hbm:s5], s21  }
0x16: {  	_ =	swait.ge [sflag:s23], s21  }
0x17: {  	s4 =	ssub.s32 $0x0, s21;
	[sflag:s23] =	ssyncset.done $0x0  }
0x18: {  	[sflag:s23] =	ssyncadd.s32 s4;
	_ =	sdelay $0x1  }
0x19: {  	s24 =	simm.s32 $0x1B8B  }
0x1a: {  	_ =	swait.ge [sflag:s24], $0x1  }
0x1b: {  	[sflag:s24] =	ssyncset.done $0x0  }
0x1c: {  	s26 =	simm.s32 $0x1B8E;
	s25 =	sld [smem:$0x3FFE];
	[sflag:s24] =	ssyncadd.s32 $0xFFFFFFFF  }
0x1d: {  	s27 =	simm.s32 $execute0_lowered;
	[smem:$0x3FD2] =	sst s26  }
0x1e: {  	s5 =	sshll.u32 s27, $0x1;
	_ =	strace $0x80000052;
	[dreg:$0x1] =	wrdreg $0xFFFFFFFF  }
0x1f: {  	s28 =	simm.s32 $_size_execute0_lowered;
	s3 =	sadd.s32 s3, s5;
	[dreg:$0x0] =	wrdreg $0x0  }
0x20: {  	s5 =	sshll.u32 s28, $0x1;
	[dreg:$0x2] =	wrdreg s3  }
0x21: {  	[dreg:$0x3] =	wrdreg s5  }
0x22: {  	[dreg:$0x4] =	wrdreg $0xC0  }
0x23: {  	_ =	task [dreg:s7], $0x5FFFF  }
0x24: {  	[dreg:$0x1] =	wrdreg $0xFFFFFFFF  }
0x25: {  	[dreg:$0x0] =	wrdreg $0x60  }
0x26: {  	[dreg:$0x2] =	wrdreg s25  }
0x27: {  	[dreg:$0x3] =	wrdreg s2  }
0x28: {  	[dreg:$0x4] =	wrdreg $0x9  }
0x29: {  	_ =	task.clear_ibuf [dreg:s7], $0x5FFFF;
	_ =	strace $0x90000052  }
0x2a: {  	s29 =	simm.s32 $0x9;
	_ =	strace $0x80000054  }
0x2b: {  	_ =	swait.ge [sflag:s29], $0x1  }
0x2c: {  	[sflag:s29] =	ssyncadd.s32 $0xFFFFFFFF  }
0x2d: {  	_ =	strace $0x90000054  }
0x2e: {  	_ =	sfence  }
0x2f: {  	s30 =	sld [smem:$0x0];
	_ =	sdelay $0x2  }
0x30: {  	s31 =	sshll.u32 s1, $0xD;
	s1 =	sshrl.u32 s1, $0x2  }
0x31: {  	s3 =	sand.u32 $0x4000, s31;
	s1 =	sadd.s32 s1, s30  }
0x32: {  	s0 =	sor.u32 s3, s0;
	s1 =	sshll.u32 s1, $0x11  }
0x33: {  	s0 =	sor.u32 s1, s0  }
0x34: {  	s0 =	sadd.s32 $0x8F2B, s0  }
0x35: {  	[sflag:s0] =	ssyncadd.remote.s32 $0x1  }
0x36: {  	_ =	sfence.sel $0xFFFF  }
0x37: {  	[dreg:$0x0] =	wrdreg $0xFFFFFFFF;
	(pc) =	sbr.abs _section_cstart, $3  }
0x38: {  	[dreg:$0x1] =	wrdreg $0xFFFFFFFF  }
0x39: {  	_ =	task.clear_ibuf [dreg:s7], $0x2FFFF;
	_ =	strace $0x9FFFFFFF  }
0x3a: {  	(tm) =	ssettm $0x7FFFFFFF  }
0x3b: {  	_ =	shalt  }
tec
execute0_lowered:
.L_overlay_start_1:
0x0: {  	(tag) =	ssettag $0x1  }
0x1: {  	s0 =	rddreg [dreg:$0x0];
	s3 =	stileid.u32  }
0x2: {  	s2 =	srdreg.scid;
	_ =	strace $0x80000053;
	s26 =	simm.s32 $0x1  }
0x3: {  	s28 =	simm.s32 $0x2;
	s17 =	simm.s32 $0x0;
	s18 =	simm.s32 $0x0  }
0x4: {  	s19 =	simm.s32 $0x0;
	s11 =	simm.s32 $0x0;
	s12 =	simm.s32 $0x0  }
0x5: {  	s13 =	simm.s32 $0x0;
	s14 =	simm.s32 $0x0;
	s5 =	sand.u32 $0x1, s3  }
0x6: {  	s3 =	sshll.u32 s3, $0x5;
	s2 =	sshll.u32 s2, $0x9;
	s1 =	smul.u32 $0x7D00, s5  }
0x7: {  	s25 =	sor.u32 s3, s2;
	s27 =	ssub.s32 $0x2, s5;
	[dreg:$0xe] =	wrdreg s5  }
0x8: {  	s6 =	sand.u32 $0x3C0, s25;
	s29 =	sshrl.u32 s27, $0x1;
	s0 =	sadd.s32 s1, s0  }
0x9: {  	s1 =	sand.u32 $0x1, s27;
	s30 =	smax.u32 s6, $0x3A8;
	s4 =	sshll.u32 s6, $0x5  }
0xa: {  	[dreg:$0xf] =	wrdreg s6;
	s1 =	sadd.s32 s1, s29;
	s31 =	sshll.u32 s30, $0x8  }
.Ltmp0:
0xb: {  	s0 =	sadd.s32 s4, s0;
	s8 =	sxor.u32 $0x3E800, s31;
	(pc) =	sbr.rel .LBB1_1-.Ltmp0, $4  }
0xc: {  	s7 =	smul.u32 $0x31, s1;
	s9 =	sadd.s32 $0x36DE00, s0;
	[dreg:$0x11] =	wrdreg s8  }
0xd: {  	s15 =	simm.s32 $0x0;
	s16 =	simm.s32 $0x0;
	[dreg:$0x12] =	wrdreg s9  }
0xe: {  	[sflag:s26] =	ssyncpa.u1 $0x0;
	s10 =	sadd.s32 $0x1, s7;
	[dreg:$0x10] =	wrdreg s7  }
0xf: {  	[sflag:s28] =	ssyncpa.u1 $0x0;
	s4 =	simm.s32 $0x0;
	[dreg:$0x13] =	wrdreg s10  }
.LBB1_13:
0x10: {  	s13 =	rddreg [dreg:$0x16]  }
0x11: {  	s12 =	rddreg [dreg:$0x15]  }
0x12: {  	s2 =	rddreg [dreg:$0x1d]  }
0x13: {  	s3 =	rddreg [dreg:$0x1]  }
0x14: {  	s11 =	rddreg [dreg:$0x14]  }
0x15: {  	s29 =	sld [smem:$0x7FD]  }
0x16: {  	s31 =	rddreg [dreg:$0x1e]  }
0x17: {  	s5 =	rddreg [dreg:$0xe]  }
0x18: {  	s6 =	rddreg [dreg:$0xf]  }
0x19: {  	s7 =	rddreg [dreg:$0x10]  }
0x1a: {  	s8 =	rddreg [dreg:$0x11]  }
0x1b: {  	s9 =	rddreg [dreg:$0x12]  }
0x1c: {  	s10 =	rddreg [dreg:$0x13]  }
0x1d: {  	s14 =	rddreg [dreg:$0x17];
	s0 =	smul.u32 $0x36B00, s13  }
0x1e: {  	s15 =	rddreg [dreg:$0x18];
	s1 =	smul.u32 $0x7D00, s12  }
0x1f: {  	s16 =	rddreg [dreg:$0x19];
	s2 =	smul.u32 $0x17ED00, s2;
	s0 =	sadd.s32 s3, s0  }
0x20: {  	s30 =	simm.s32 $0x0;
	s17 =	rddreg [dreg:$0x1a];
	s0 =	sadd.s32 s1, s0  }
0x21: {  	s18 =	rddreg [dreg:$0x1b];
	s28 =	sshll.u32 s11, $0x5;
	s0 =	sadd.s32 s2, s0  }
0x22: {  	s19 =	rddreg [dreg:$0x1c];
	s2 =	sor.u32 $0x8000, s29;
	s0 =	sadd.s32 s28, s0  }
0x23: {  	[hbm4b:s0+s30] =	stream.linear.scatter [tilespmem:s2], [sflag:$0x2], s31, $0x38;
	[tilespmem:$0x10000] =	vst v63  }
.LBB1_14:
0x24: {  	p0 =	slt.u32 s16, $0x2;
	s1 =	smov.u32 s19;
	s2 =	smov.u32 s18  }
0x25: {  	p1 =	sgt.s32 @!p0 s19, $0x6;
	s0 =	sshra.s32 @!p0 s19, $0x1F;
	p2 =	sgt.s32 @!p0 s18, $0x6  }
0x26: {  	p1 =	por !p1, p0;
	s0 =	sand.u32 @!p0 s0, s19;
	p2 =	por !p2, p0  }
0x27: {  	s1 =	simm.s32 @p1 $0x6;
	s2 =	simm.s32 @p2 $0x6;
	p1 =	sgt.s32 @!p0 s17, $0x3A8  }
0x28: {  	s0 =	ssub.s32 @!p0 s1, s0;
	s1 =	sshra.s32 @!p0 s18, $0x1F;
	p1 =	por !p1, p0  }
0x29: {  	s1 =	sand.u32 @!p0 s1, s18;
	s3 =	sadd.s32 @!p0 $0xFFFFFFFA, s0;
	s17 =	simm.s32 @p1 $0x3A8  }
0x2a: {  	s0 =	ssub.s32 @!p0 $0x7, s0;
	p1 =	sgt.s32 @!p0 s3, $0x0;
	s1 =	ssub.s32 @!p0 s2, s1  }
0x2b: {  	s3 =	sshll.u32 @!p0 s17, $0x8;
	p1 =	por !p1, p0;
	s2 =	sadd.s32 @!p0 $0xFFFFFFFA, s1  }
0x2c: {  	s0 =	simm.s32 @!p1 $0x0;
	p1 =	sgt.s32 @!p0 s2, $0x0;
	s2 =	ssub.s32 @!p0 $0x3E800, s3  }
0x2d: {  	s1 =	ssub.s32 @!p0 $0x7, s1;
	p1 =	por !p1, p0;
	s0 =	smul.u32 @!p0 s0, s2  }
0x2e: {  	s1 =	simm.s32 @!p1 $0x0  }
0x2f: {  	s0 =	smul.u32 @!p0 s1, s0;
	s1 =	sadd.s32 $0x1, s14  }
0x30: {  	s2 =	simm.s32 $0x1;
	p1 =	sgt.s32 s1, $0x6  }
0x31: {  	s3 =	simm.s32 @!p0 $0x2;
	s0 =	sand.u32 @!p0 $0x3FFFFF00, s0;
	s2 =	simm.s32 @!p1 $0x0  }
0x32: {  	s4 =	ssub.s32 @!p0 $0x0, s0;
	_ =	swait.ge @!p0 [sflag:s3], s0;
	s0 =	sadd.s32 s2, s15  }
0x33: {  	s1 =	simm.s32 @p1 $0x0;
	p1 =	sgt.s32 s0, $0x6  }
0x34: {  	s0 =	simm.s32 @p1 $0x0;
	p1 =	sne.s32 s16, s10  }
.Ltmp1:
0x35: {  	s31 =	sadd.s32 $0x1, s16;
	(pc) =	sbr.rel @!p1 .LBB1_15-.Ltmp1, $4  }
0x36: {  	s19 =	smov.u32 s13;
	s13 =	smov.u32 s15;
	s18 =	smov.u32 s12  }
0x37: {  	s12 =	smov.u32 s14;
	s17 =	smov.u32 s11;
	[sflag:s3] =	ssyncset.done @!p0 $0x0  }
0x38: {  	s11 =	smov.u32 s6;
	s14 =	smov.u32 s1;
	[sflag:s3] =	ssyncadd.s32 @!p0 s4  }
0x39: {  	s4 =	smov.u32 s5;
	s16 =	smov.u32 s31;
	s15 =	smov.u32 s0  }
.LBB1_1:
0x3a: {  	p0 =	sge.u32 s16, s7  }
0x3b: {  	s0 =	smov.u32 s15;
	p1 =	sgt.s32 @!p0 s15, $0x6  }
0x3c: {  	s1 =	sshra.s32 @!p0 s15, $0x1F;
	s2 =	sshra.s32 @!p0 s14, $0x1F;
	p1 =	por !p1, p0  }
0x3d: {  	s1 =	sand.u32 @!p0 s1, s15;
	s0 =	simm.s32 @p1 $0x6;
	p1 =	sgt.s32 @!p0 s14, $0x6  }
0x3e: {  	s0 =	ssub.s32 @!p0 s0, s1;
	p1 =	por !p1, p0;
	s1 =	smov.u32 s14  }
0x3f: {  	s2 =	sand.u32 @!p0 s2, s14;
	s3 =	sadd.s32 @!p0 $0xFFFFFFFA, s0;
	s1 =	simm.s32 @p1 $0x6  }
0x40: {  	p1 =	sgt.s32 @!p0 s3, $0x0;
	s1 =	ssub.s32 @!p0 s1, s2  }
0x41: {  	s0 =	ssub.s32 @!p0 $0x7, s0;
	p1 =	por !p1, p0;
	s2 =	sadd.s32 @!p0 $0xFFFFFFFA, s1  }
0x42: {  	s0 =	simm.s32 @!p1 $0x0;
	p1 =	sgt.s32 @!p0 s2, $0x0;
	s2 =	smul.u32 @!p0 $0x6D600, s15  }
0x43: {  	s1 =	ssub.s32 @!p0 $0x7, s1;
	p1 =	por !p1, p0;
	s0 =	smul.u32 @!p0 s0, s8  }
0x44: {  	s3 =	smul.u32 @!p0 $0xFA00, s14;
	s1 =	simm.s32 @!p1 $0x0  }
0x45: {  	s2 =	sadd.s32 @!p0 s2, s9;
	s0 =	smul.u32 @!p0 s1, s0;
	s1 =	sxor.u32 @!p0 $0xFFFFFFFF, s16  }
0x46: {  	s31 =	sadd.s32 $0xFFFFFFFF, s16;
	s2 =	sadd.s32 @!p0 s3, s2;
	s1 =	sshll.u32 @!p0 s1, $0xE  }
0x47: {  	s3 =	simm.s32 @!p0 $0x0;
	s1 =	sand.u32 @!p0 $0x4000, s1;
	s0 =	sand.u32 @!p0 $0x3FFFF800, s0  }
0x48: {  	[tilespmem:s1], [sflag:$0x1] =	stream.linear.gather @!p0 [hbm4b:s2+s3], s0, $0x38;
	[tilespmem:$0x10000] =	vst v63  }
0x49: {  	p0 =	sge.u32 s31, s7  }
.Ltmp2:
0x4a: {  	_ = 	snop;
	(pc) =	sbr.rel @p0 .LBB1_14-.Ltmp2, $1  }
0x4b: {  	_ =	sdelay $0x3  }
0x4c: {  	[dreg:$0x1d] =	wrdreg s4  }
0x4d: {  	[dreg:$0x1c] =	wrdreg s19  }
0x4e: {  	[dreg:$0x1b] =	wrdreg s18  }
0x4f: {  	[dreg:$0x1a] =	wrdreg s17  }
0x50: {  	[dreg:$0x18] =	wrdreg s15  }
0x51: {  	[dreg:$0x17] =	wrdreg s14  }
0x52: {  	p0 =	sgt.s32 s13, $0x6;
	s0 =	smov.u32 s13;
	s1 =	sshra.s32 s13, $0x1F  }
0x53: {  	s2 =	smov.u32 s12;
	s3 =	sshra.s32 s12, $0x1F;
	p2 =	sgt.s32 s11, $0x3A8  }
0x54: {  	s0 =	simm.s32 @!p0 $0x6;
	s1 =	sand.u32 s1, s13;
	p0 =	sgt.s32 s12, $0x6  }
0x55: {  	s27 =	sand.u32 s3, s12;
	s0 =	ssub.s32 s0, s1;
	s2 =	simm.s32 @!p0 $0x6  }
0x56: {  	[dreg:$0x16] =	wrdreg s13;
	s0 =	sadd.s32 $0xFFFFFFFA, s0;
	s1 =	ssub.s32 s2, s27  }
0x57: {  	s3 =	sadd.s32 $0x1, s13;
	p0 =	sgt.s32 s0, $0x0;
	s2 =	sadd.s32 $0xFFFFFFFA, s1  }
0x58: {  	s0 =	sshll.u32 s0, $0x8;
	p1 =	sgt.s32 s2, $0x0;
	s2 =	smov.u32 s11  }
0x59: {  	s1 =	ssub.s32 $0x7, s1;
	s0 =	ssub.s32 $0x100, s0;
	s2 =	simm.s32 @!p2 $0x3A8  }
0x5a: {  	s0 =	simm.s32 @p0 $0x0;
	p0 =	slt.s32 s3, $0x7;
	s2 =	ssub.s32 $0x3E8, s2  }
0x5b: {  	s1 =	simm.s32 @p1 $0x0;
	s0 =	smul.u32 s2, s0;
	s2 =	sadd.s32 $0x1, s12  }
0x5c: {  	p1 =	slt.s32 s11, $0x3A8;
	s3 =	simm.s32 @!p0 $0x7;
	p0 =	slt.s32 s2, $0x7  }
0x5d: {  	s3 =	ssub.s32 s3, s13;
	s1 =	smul.u32 s1, s0;
	s2 =	simm.s32 @!p0 $0x7  }
0x5e: {  	s0 =	smov.u32 s11;
	p0 =	slt.s32 s3, $0x1;
	s2 =	ssub.s32 s2, s12  }
0x5f: {  	[dreg:$0x15] =	wrdreg s12;
	s0 =	simm.s32 @!p1 $0x3A8;
	p1 =	slt.s32 @!p0 s2, $0x1  }
0x60: {  	s28 =	sand.u32 $0x3FFFFF00, s1;
	s1 =	ssub.s32 @!p0 s0, s11;
	p1 =	por p0, p1  }
0x61: {  	[dreg:$0x14] =	wrdreg s11;
	p2 =	slt.s32 @!p1 s1, $0xFFFFFFC1  }
0x62: {  	[dreg:$0x1f] =	wrdreg s3;
	p1 =	por p1, p2  }
.Ltmp3:
0x63: {  	[smem:$0x7FC] =	sst s2;
	(pc) =	sbr.rel @p1 .LBB1_13-.Ltmp3, $4  }
0x64: {  	s30 =	simm.s32 $0x1;
	[dreg:$0x1e] =	wrdreg s28  }
0x65: {  	s31 =	sshll.u32 s16, $0xE;
	s29 =	ssub.s32 $0x0, s28;
	_ =	swait.ge [sflag:s30], s28  }
0x66: {  	[dreg:$0x19] =	wrdreg s16;
	s1 =	sand.u32 $0x4000, s31;
	[sflag:s30] =	ssyncset.done $0x0  }
0x67: {  	[smem:$0x7FD] =	sst s1;
	[sflag:s30] =	ssyncadd.s32 s29  }
0x68: {  	s1 =	rddreg [dreg:$0x14]  }
.Ltmp4:
0x69: {  	s0 =	ssub.s32 s0, s1;
	s1 =	sld [smem:$0x7FD];
	(pc) =	sbr.rel .LBB1_4-.Ltmp4, $4  }
0x6a: {  	_ = 	snop  }
0x6b: {  	s0 =	sadd.s32 $0x40, s0  }
0x6c: {  	[smem:$0x7FB] =	sst s0;
	s1 =	sor.u32 @!p0 $0x8000, s1  }
0x6d: {  	[smem:$0x7FA] =	sst s1;
	s1 =	simm.s32 $0x0  }
.LBB1_12:
0x6e: {  	s1 =	sld [smem:$0x7F7];
	_ =	sdelay $0x2  }
0x6f: {  	s0 =	rddreg [dreg:$0x1f];
	s1 =	sadd.s32 $0x1, s1  }
0x70: {  	p0 =	sne.s32 s1, s0  }
.Ltmp5:
0x71: {  	_ = 	snop;
	(pc) =	sbr.rel @!p0 .LBB1_13-.Ltmp5, $1  }
0x72: {  	_ =	sdelay $0x3  }
.LBB1_4:
0x73: {  	s29 =	sld [smem:$0x7FD]  }
0x74: {  	s30 =	sld [smem:$0x7FA]  }
0x75: {  	s0 =	sshll.u32 s1, $0xE  }
0x76: {  	[smem:$0x7F7] =	sst s1;
	s1 =	sadd.s32 s0, s29  }
0x77: {  	s0 =	sadd.s32 s0, s30;
	[smem:$0x7F8] =	sst s1  }
0x78: {  	s31 =	simm.s32 $0x0;
	[smem:$0x7F9] =	sst s0  }
.LBB1_5:
0x79: {  	s28 =	sld [smem:$0x7FB];
	_ =	sdelay $0x2  }
0x7a: {  	p1 =	sne.s32 s28, $0x1  }
.Ltmp6:
0x7b: {  	s0 =	sld [smem:$0x7F8];
	(pc) =	sbr.rel @!p1 .LBB1_6-.Ltmp6, $4  }
0x7c: {  	s27 =	sld [smem:$0x7F9]  }
0x7d: {  	s2 =	sshll.u32 s31, $0xE;
	s29 =	simm.s32 $0x0  }
0x7e: {  	p0 =	por $0x0, $0x0;
	s11 =	sand.u32 $0xFFFFF800, s29;
	s12 =	sand.u32 $0x380, s29  }
0x7f: {  	s30 =	sadd.s32 s2, s0;
	s24 =	sadd.s32 s2, s27;
	s3 =	sadd.s32 $0xFFFFFFFF, s28  }
0x80: {  	[smem:$0x7F6] =	sst s31;
	s4 =	sor.u32 s12, s11;
	s1 =	sand.u32 $0x80, s29  }
0x81: {  	s5 =	smov.u32 s24;
	p1 =	sne.s32 s3, $0x1;
	p0 =	por $0x1, $0x1  }
0x82: {  	s2 =	sand.u32 $0x3B00, s4;
	s0 =	sor.u32 $0x410, s4;
	s6 =	sor.u32 $0x470, s4  }
0x83: {  	s7 =	sor.u32 $0x420, s4;
	s8 =	sor.u32 $0x430, s4;
	s10 =	sor.u32 $0x440, s4  }
0x84: {  	s12 =	sor.u32 $0x450, s4;
	s4 =	sor.u32 $0x460, s4;
	s28 =	sor.u32 $0x10, s1  }
0x85: {  	s29 =	sor.u32 $0x20, s1;
	s26 =	sor.u32 $0x30, s1;
	s9 =	sand.u32 $0x3F00, s6  }
0x86: {  	s6 =	sand.u32 $0xF0, s6;
	s13 =	sor.u32 $0x400, s2;
	s18 =	sand.u32 $0x3F00, s0  }
0x87: {  	s19 =	sand.u32 $0x3F00, s7;
	s20 =	sand.u32 $0x3F00, s8;
	s21 =	sand.u32 $0x3F00, s10  }
0x88: {  	s16 =	sand.u32 $0x3F00, s12;
	s17 =	sand.u32 $0x3F00, s4;
	s0 =	sand.u32 $0x90, s0  }
0x89: {  	s7 =	sand.u32 $0xA0, s7;
	s8 =	sand.u32 $0xB0, s8;
	s10 =	sand.u32 $0xC0, s10  }
0x8a: {  	s12 =	sand.u32 $0xD0, s12;
	s4 =	sand.u32 $0xE0, s4;
	s23 =	sadd.s32 s9, s30  }
0x8b: {  	s14 =	sadd.s32 s13, s30;
	s15 =	sadd.s32 s18, s30;
	s25 =	sadd.s32 s19, s30  }
0x8c: {  	s22 =	sadd.s32 s20, s30;
	s9 =	sadd.s32 s9, s24;
	s24 =	sadd.s32 s21, s30  }
0x8d: {  	s27 =	sadd.s32 s16, s30;
	s18 =	sadd.s32 s18, s5;
	s31 =	sadd.s32 s20, s5  }
0x8e: {  	s16 =	sadd.s32 s16, s5;
	s13 =	sadd.s32 s13, s5;
	s11 =	sadd.s32 s6, s23  }
0x8f: {  	s6 =	sadd.s32 s6, s9;
	s9 =	sadd.s32 s2, s30;
	s23 =	sadd.s32 s17, s30  }
0x90: {  	s15 =	sadd.s32 s0, s15;
	s0 =	sadd.s32 s0, s18;
	s14 =	sadd.s32 s1, s14;
	v0 =	vld [tilespmem:s11+$0x0]  }
0x91: {  	s20 =	sadd.s32 s8, s22;
	s8 =	sadd.s32 s8, s31;
	s22 =	sor.u32 $0x60, s1;
	v1 =	vld [tilespmem:s14+$0x0]  }
0x92: {  	s24 =	sadd.s32 s10, s24;
	s31 =	sadd.s32 s21, s5;
	s21 =	sadd.s32 s12, s27;
	v2 =	vld [tilespmem:s15+$0x0]  }
0x93: {  	s12 =	sadd.s32 s12, s16;
	s13 =	sadd.s32 s1, s13;
	s2 =	sadd.s32 s2, s5;
	v4 =	vld [tilespmem:s20+$0x0]  }
0x94: {  	s11 =	sadd.s32 s7, s25;
	s25 =	sadd.s32 s19, s5;
	s19 =	sor.u32 $0x40, s1;
	v5 =	vld [tilespmem:s24+$0x0]  }
0x95: {  	s14 =	sor.u32 $0x50, s1;
	s10 =	sadd.s32 s10, s31;
	s24 =	sadd.s32 s28, s9;
	v3 =	vld [tilespmem:s11+$0x0]  }
0x96: {  	s31 =	sadd.s32 s4, s23;
	v6 =	vld [tilespmem:s21+$0x0];
	s15 =	sadd.s32 s29, s9;
	s16 =	sadd.s32 s26, s9;
	[tilespmem:s6+$0x0] =	vst v0  }
0x97: {  	s21 =	sadd.s32 s17, s5;
	s7 =	sadd.s32 s7, s25;
	s25 =	sadd.s32 s1, s9;
	v7 =	vld [tilespmem:s31+$0x0];
	[tilespmem:s13+$0x0] =	vst v1  }
0x98: {  	s18 =	sadd.s32 s1, s2;
	s20 =	sadd.s32 s28, s2;
	s27 =	sadd.s32 s29, s2;
	v0 =	vld [tilespmem:s25+$0x0];
	[tilespmem:s0+$0x0] =	vst v2  }
0x99: {  	s29 =	simm.s32 $0x80;
	s11 =	sor.u32 $0x70, s1;
	v1 =	vld [tilespmem:s24+$0x0];
	[dreg:$0x3] =	wrdreg s5  }
.Ltmp7:
0x9a: {  	s23 =	sadd.s32 s19, s9;
	s31 =	sadd.s32 s22, s9;
	v2 =	vld [tilespmem:s15+$0x0];
	[tilespmem:s7+$0x0] =	vst v3;
	(pc) =	sbr.rel @!p1 .LBB1_8-.Ltmp7, $4  }
0x9b: {  	s13 =	sadd.s32 s4, s21;
	s25 =	sadd.s32 s14, s9;
	s24 =	sadd.s32 s11, s9;
	v3 =	vld [tilespmem:s16+$0x0];
	[tilespmem:s8+$0x0] =	vst v4  }
0x9c: {  	s21 =	sadd.s32 s26, s2;
	s0 =	sadd.s32 s19, s2;
	s9 =	sadd.s32 s14, s2;
	v4 =	vld [tilespmem:s23+$0x0];
	[tilespmem:s10+$0x0] =	vst v5  }
0x9d: {  	s8 =	sadd.s32 s22, s2;
	s7 =	sadd.s32 s11, s2;
	s2 =	simm.s32 $0x100;
	v5 =	vld [tilespmem:s25+$0x0];
	[tilespmem:s12+$0x0] =	vst v6  }
0x9e: {  	v6 =	vld [tilespmem:s31+$0x0];
	[tilespmem:s13+$0x0] =	vst v7;
	s12 =	sand.u32 $0x380, s29;
	s10 =	sadd.s32 $0xFFFFFFFF, s3;
	s11 =	sand.u32 $0xFFFFF800, s2  }
.LBB1_9:
0x9f: {  	p1 =	sne.s32 s10, $0x1;
	s11 =	sor.u32 s12, s11  }
0xa0: {  	s3 =	sand.u32 $0x80, s29;
	s29 =	sadd.s32 $0x80, s29;
	s2 =	sadd.s32 $0x100, s2  }
0xa1: {  	s10 =	sadd.s32 $0xFFFFFFFF, s10;
	s4 =	sor.u32 $0x410, s11;
	s12 =	sor.u32 $0x470, s11  }
0xa2: {  	s13 =	sor.u32 $0x420, s11;
	s14 =	sor.u32 $0x430, s11;
	s16 =	sor.u32 $0x440, s11  }
0xa3: {  	s17 =	sor.u32 $0x450, s11;
	s19 =	sor.u32 $0x460, s11;
	[tilespmem:s18+$0x0] =	vst v0;
	s18 =	sand.u32 $0x3B00, s11  }
0xa4: {  	s15 =	sand.u32 $0x3F00, s12;
	s12 =	sand.u32 $0xF0, s12;
	s1 =	sand.u32 $0x3F00, s4  }
0xa5: {  	s11 =	sand.u32 $0x3F00, s16;
	s5 =	sand.u32 $0x3F00, s17;
	s16 =	sand.u32 $0xC0, s16  }
0xa6: {  	s17 =	sand.u32 $0xD0, s17;
	s6 =	sadd.s32 s15, s30;
	[dreg:$0x5] =	wrdreg s1  }
0xa7: {  	s31 =	sor.u32 $0x400, s18;
	[dreg:$0xd] =	wrdreg s5;
	s23 =	sadd.s32 s1, s30;
	[tilespmem:s20+$0x0] =	vst v1  }
0xa8: {  	s26 =	sadd.s32 s5, s30;
	s5 =	sor.u32 $0x60, s3;
	s1 =	sor.u32 $0x70, s3;
	[tilespmem:s27+$0x0] =	vst v2  }
0xa9: {  	[tilespmem:s21+$0x0] =	vst v3;
	s28 =	sadd.s32 s12, s6;
	[dreg:$0x4] =	wrdreg s31;
	s20 =	sand.u32 $0x3F00, s13  }
0xaa: {  	v0 =	vld [tilespmem:s24+$0x0];
	[tilespmem:s0+$0x0] =	vst v4;
	s21 =	sand.u32 $0x3F00, s14;
	s22 =	sadd.s32 s31, s30;
	s6 =	sand.u32 $0x3F00, s19  }
0xab: {  	[tilespmem:s9+$0x0] =	vst v5;
	s0 =	rddreg [dreg:$0x3];
	s9 =	sadd.s32 s11, s30;
	s27 =	sadd.s32 s18, s30  }
0xac: {  	s14 =	sand.u32 $0xB0, s14;
	s31 =	sor.u32 $0x40, s3;
	[dreg:$0x7] =	wrdreg s6  }
0xad: {  	[tilespmem:s8+$0x0] =	vst v6;
	s24 =	sadd.s32 s20, s30;
	s25 =	sadd.s32 s21, s30;
	s8 =	sadd.s32 s15, s0  }
0xae: {  	v1 =	vld [tilespmem:s28+$0x0];
	s28 =	sor.u32 $0x30, s3;
	s22 =	sadd.s32 s3, s22;
	s15 =	sadd.s32 s16, s9  }
0xaf: {  	[tilespmem:s7+$0x0] =	vst v0;
	s7 =	sadd.s32 s12, s8;
	s12 =	sand.u32 $0x90, s4;
	s8 =	sadd.s32 s6, s30  }
0xb0: {  	s4 =	sand.u32 $0xA0, s13;
	s13 =	sor.u32 $0x10, s3;
	s6 =	sand.u32 $0xE0, s19  }
0xb1: {  	v5 =	vld [tilespmem:s15+$0x0];
	s19 =	sor.u32 $0x50, s3;
	s24 =	sadd.s32 s4, s24;
	s9 =	sadd.s32 s13, s27  }
0xb2: {  	s23 =	sadd.s32 s12, s23;
	[dreg:$0xc] =	wrdreg s9;
	v3 =	vld [tilespmem:s24+$0x0];
	s24 =	sadd.s32 s19, s27  }
0xb3: {  	s20 =	sadd.s32 s20, s0;
	v2 =	vld [tilespmem:s23+$0x0];
	s23 =	sadd.s32 s6, s8;
	[dreg:$0x8] =	wrdreg s24  }
0xb4: {  	s15 =	sadd.s32 s21, s0;
	[tilespmem:s7+$0x0] =	vst v1;
	s7 =	sor.u32 $0x20, s3;
	v7 =	vld [tilespmem:s23+$0x0];
	s23 =	rddreg [dreg:$0x7]  }
0xb5: {  	v1 =	vld [tilespmem:s22+$0x0];
	s22 =	sadd.s32 s14, s25;
	s14 =	sadd.s32 s14, s15;
	s15 =	rddreg [dreg:$0xc]  }
0xb6: {  	s11 =	sadd.s32 s11, s0;
	s9 =	sadd.s32 s7, s27;
	v4 =	vld [tilespmem:s22+$0x0];
	s22 =	rddreg [dreg:$0x4]  }
0xb7: {  	s11 =	sadd.s32 s16, s11;
	[dreg:$0xb] =	wrdreg s9;
	s9 =	sadd.s32 s28, s27  }
0xb8: {  	s25 =	sadd.s32 s17, s26;
	[dreg:$0xa] =	wrdreg s9;
	s9 =	sadd.s32 s31, s27  }
0xb9: {  	s26 =	sadd.s32 s3, s27;
	s24 =	sadd.s32 s1, s27;
	[dreg:$0x9] =	wrdreg s9  }
0xba: {  	s8 =	sadd.s32 s23, s0;
	s9 =	sadd.s32 s5, s27;
	s23 =	rddreg [dreg:$0xa]  }
0xbb: {  	v6 =	vld [tilespmem:s25+$0x0];
	s25 =	sadd.s32 s18, s0;
	[tilespmem:s11+$0x0] =	vst v5;
	s11 =	sand.u32 $0xFFFFF800, s2;
	[dreg:$0x6] =	wrdreg s9  }
0xbc: {  	s22 =	sadd.s32 s22, s0;
	s18 =	sadd.s32 s3, s25;
	s9 =	rddreg [dreg:$0x5]  }
0xbd: {  	v0 =	vld [tilespmem:s26+$0x0];
	s22 =	sadd.s32 s3, s22;
	s27 =	sadd.s32 s9, s0;
	s9 =	rddreg [dreg:$0xd]  }
0xbe: {  	[tilespmem:s22+$0x0] =	vst v1;
	v1 =	vld [tilespmem:s15+$0x0];
	s22 =	rddreg [dreg:$0xb];
	s21 =	sadd.s32 s9, s0;
	s26 =	sadd.s32 s12, s27  }
.Ltmp8:
0xbf: {  	s12 =	sadd.s32 s4, s20;
	s20 =	sadd.s32 s13, s25;
	[tilespmem:s26+$0x0] =	vst v2;
	v2 =	vld [tilespmem:s22+$0x0];
	(pc) =	sbr.rel @p1 .LBB1_9-.Ltmp8, $4  }
0xc0: {  	s27 =	sadd.s32 s7, s25;
	s0 =	sadd.s32 s31, s25;
	[tilespmem:s12+$0x0] =	vst v3;
	v3 =	vld [tilespmem:s23+$0x0];
	s26 =	rddreg [dreg:$0x9]  }
0xc1: {  	[tilespmem:s14+$0x0] =	vst v4;
	s16 =	sadd.s32 s17, s21;
	s21 =	sadd.s32 s28, s25;
	s28 =	rddreg [dreg:$0x8];
	v4 =	vld [tilespmem:s26+$0x0]  }
0xc2: {  	s9 =	sadd.s32 s19, s25;
	s31 =	rddreg [dreg:$0x6];
	s17 =	sadd.s32 s6, s8;
	v5 =	vld [tilespmem:s28+$0x0];
	[tilespmem:s16+$0x0] =	vst v6  }
0xc3: {  	s7 =	sadd.s32 s1, s25;
	s8 =	sadd.s32 s5, s25;
	s12 =	sand.u32 $0x380, s29;
	v6 =	vld [tilespmem:s31+$0x0];
	[tilespmem:s17+$0x0] =	vst v7  }
0xc4: {  	[smem:$0x7F5] =	sst s24  }
0xc5: {  	s31 =	sld [smem:$0x7F6]  }
0xc6: {  	s6 =	smov.u32 s30;
	s24 =	rddreg [dreg:$0x3]  }
.LBB1_11:
0xc7: {  	s2 =	sor.u32 s12, s11  }
0xc8: {  	s1 =	sand.u32 $0x80, s29;
	s3 =	sand.u32 $0x3B00, s2  }
0xc9: {  	s4 =	sor.u32 $0x410, s2;
	s5 =	sor.u32 $0x470, s2;
	s10 =	sor.u32 $0x420, s2  }
0xca: {  	s11 =	sor.u32 $0x430, s2;
	s13 =	sor.u32 $0x440, s2;
	s15 =	sor.u32 $0x450, s2  }
0xcb: {  	s16 =	sor.u32 $0x460, s2;
	s25 =	sand.u32 $0x3F00, s5;
	s5 =	sand.u32 $0xF0, s5  }
0xcc: {  	s17 =	sor.u32 $0x400, s3;
	s19 =	sand.u32 $0x3F00, s4;
	s26 =	sadd.s32 s25, s24  }
0xcd: {  	s22 =	sand.u32 $0x3F00, s10;
	s12 =	sand.u32 $0x3F00, s11;
	s2 =	sadd.s32 s5, s26  }
0xce: {  	s23 =	sand.u32 $0x3F00, s13;
	s4 =	sand.u32 $0x90, s4;
	[smem:$0x7F4] =	sst s2  }
0xcf: {  	s10 =	sand.u32 $0xA0, s10;
	s11 =	sand.u32 $0xB0, s11;
	s13 =	sand.u32 $0xC0, s13;
	[tilespmem:s18+$0x0] =	vst @p0 v0  }
0xd0: {  	s14 =	sadd.s32 s25, s6;
	s25 =	sadd.s32 s17, s6;
	s30 =	sadd.s32 s22, s6;
	[tilespmem:s20+$0x0] =	vst @p0 v1  }
0xd1: {  	s28 =	sadd.s32 s23, s6;
	s14 =	sadd.s32 s5, s14;
	s2 =	sld [smem:$0x7F5]  }
0xd2: {  	s22 =	sadd.s32 s22, s24;
	s5 =	sand.u32 $0x3F00, s15;
	s28 =	sadd.s32 s13, s28;
	v48 =	vld [tilespmem:s14+$0x0]  }
0xd3: {  	s26 =	sand.u32 $0x3F00, s16;
	s29 =	sadd.s32 s5, s6;
	s5 =	sadd.s32 s5, s24;
	v53 =	vld [tilespmem:s28+$0x0]  }
0xd4: {  	s18 =	sadd.s32 s19, s6;
	s20 =	sadd.s32 s12, s6;
	[tilespmem:s27+$0x0] =	vst @p0 v2;
	s27 =	sadd.s32 s1, s25;
	v0 =	vld @p0 [tilespmem:s2+$0x0]  }
0xd5: {  	s14 =	sand.u32 $0xE0, s16;
	s12 =	sadd.s32 s12, s24;
	[tilespmem:s21+$0x0] =	vst @p0 v3;
	s21 =	sadd.s32 s4, s18;
	v49 =	vld [tilespmem:s27+$0x0]  }
0xd6: {  	s28 =	sadd.s32 s26, s24;
	[tilespmem:s0+$0x0] =	vst @p0 v4;
	s0 =	sand.u32 $0xD0, s15;
	s25 =	sadd.s32 s10, s30;
	v50 =	vld [tilespmem:s21+$0x0]  }
0xd7: {  	[tilespmem:s9+$0x0] =	vst @p0 v5;
	s15 =	sor.u32 $0x30, s1;
	s27 =	sadd.s32 s11, s20;
	v51 =	vld [tilespmem:s25+$0x0];
	s20 =	sadd.s32 s17, s24  }
0xd8: {  	[tilespmem:s8+$0x0] =	vst @p0 v6;
	s30 =	sadd.s32 s0, s29;
	s21 =	sadd.s32 s19, s24;
	v52 =	vld [tilespmem:s27+$0x0];
	s9 =	sadd.s32 s1, s20  }
0xd9: {  	s4 =	sadd.s32 s4, s21;
	s2 =	sadd.s32 s3, s6;
	s6 =	sadd.s32 s26, s6;
	[tilespmem:s7+$0x0] =	vst @p0 v0  }
0xda: {  	v54 =	vld [tilespmem:s30+$0x0];
	s30 =	sor.u32 $0x10, s1;
	s6 =	sadd.s32 s14, s6;
	s27 =	sld [smem:$0x7F4];
	[tilespmem:s9+$0x0] =	vst v49  }
0xdb: {  	s29 =	sadd.s32 s10, s22;
	s10 =	sadd.s32 s11, s12;
	s12 =	sadd.s32 s30, s2;
	v55 =	vld [tilespmem:s6+$0x0];
	[tilespmem:s4+$0x0] =	vst v50  }
0xdc: {  	s25 =	sadd.s32 s23, s24;
	s17 =	sor.u32 $0x40, s1;
	s18 =	sadd.s32 s15, s2;
	v57 =	vld [tilespmem:s12+$0x0];
	[tilespmem:s29+$0x0] =	vst v51  }
0xdd: {  	s13 =	sadd.s32 s13, s25;
	s20 =	sor.u32 $0x50, s1;
	s21 =	sadd.s32 s17, s2;
	v59 =	vld [tilespmem:s18+$0x0];
	[tilespmem:s10+$0x0] =	vst v52  }
0xde: {  	s0 =	sadd.s32 s0, s5;
	s22 =	sor.u32 $0x60, s1;
	s23 =	sadd.s32 s20, s2;
	v60 =	vld [tilespmem:s21+$0x0];
	[tilespmem:s13+$0x0] =	vst v53  }
0xdf: {  	s19 =	sadd.s32 s14, s28;
	s3 =	sadd.s32 s3, s24;
	s25 =	sadd.s32 s22, s2;
	v61 =	vld [tilespmem:s23+$0x0];
	[tilespmem:s0+$0x0] =	vst v54  }
0xe0: {  	s11 =	sor.u32 $0x20, s1;
	s26 =	sadd.s32 s30, s3;
	v62 =	vld [tilespmem:s25+$0x0];
	[tilespmem:s19+$0x0] =	vst v55  }
0xe1: {  	s16 =	sadd.s32 s11, s2;
	s28 =	sadd.s32 s15, s3;
	[tilespmem:s26+$0x0] =	vst v57  }
0xe2: {  	v58 =	vld [tilespmem:s16+$0x0];
	s9 =	sadd.s32 s1, s2;
	s29 =	sadd.s32 s17, s3;
	[tilespmem:s28+$0x0] =	vst v59  }
0xe3: {  	s30 =	sadd.s32 s20, s3;
	v56 =	vld [tilespmem:s9+$0x0];
	[tilespmem:s29+$0x0] =	vst v60  }
0xe4: {  	s0 =	sadd.s32 s22, s3;
	[tilespmem:s30+$0x0] =	vst v61  }
0xe5: {  	[tilespmem:s0+$0x0] =	vst v62  }
0xe6: {  	[tilespmem:s27+$0x0] =	vst v48;
	s27 =	sadd.s32 s11, s3  }
0xe7: {  	s24 =	sadd.s32 s1, s3;
	[tilespmem:s27+$0x0] =	vst v58  }
0xe8: {  	[tilespmem:s24+$0x0] =	vst v56  }
0xe9: {  	s0 =	sld [smem:$0x7FC]  }
0xea: {  	s1 =	sor.u32 $0x70, s1  }
0xeb: {  	s31 =	sadd.s32 $0x1, s31;
	s2 =	sadd.s32 s1, s2  }
0xec: {  	v63 =	vld [tilespmem:s2+$0x0];
	p0 =	sne.s32 s31, s0  }
.Ltmp9:
0xed: {  	_ = 	snop;
	(pc) =	sbr.rel @p0 .LBB1_5-.Ltmp9, $4  }
.Ltmp10:
0xee: {  	_ = 	snop;
	(pc) =	sbr.rel @!p0 .LBB1_12-.Ltmp10, $4  }
0xef: {  	_ = 	snop  }
0xf0: {  	s1 =	sadd.s32 s1, s3  }
0xf1: {  	[tilespmem:s1+$0x0] =	vst v63  }
0xf2: {  	_ = 	snop  }
.LBB1_6:
.Ltmp11:
0xf3: {  	(pc) =	sbr.rel .LBB1_11-.Ltmp11, $3  }
0xf4: {  	_ =	sdelay $0x1  }
0xf5: {  	_ = 	snop  }
0xf6: {  	s6 =	smov.u32 s30  }
.LBB1_8:
.Ltmp12:
0xf7: {  	(pc) =	sbr.rel .LBB1_11-.Ltmp12, $4  }
0xf8: {  	_ = 	snop  }
0xf9: {  	[smem:$0x7F5] =	sst s24  }
0xfa: {  	s31 =	sld [smem:$0x7F6]  }
0xfb: {  	s6 =	smov.u32 s30;
	s24 =	rddreg [dreg:$0x3]  }
.LBB1_15:
0xfc: {  	_ =	sfence.sel $0x180000  }
0xfd: {  	s0 =	simm.s32 $0x1;
	[bflag:$0x0] =	sbarrier.arrive $0xFFFF  }
0xfe: {  	s30 =	simm.s32 $0x2;
	[sflag:s0] =	ssyncpa.u1 $0x1  }
0xff: {  	[sflag:s30] =	ssyncpa.u1 $0x1  }
0x100: {  	_ =	strace $0x90000053  }
0x101: {  	s31 =	stileid.u32;
	[bflag:$0x2] =	sbarrier.arrive $0xFFFF  }
0x102: {  	p0 =	sne.s32 s31, $0x0;
	s0 =	rddreg [dreg:$0x2]  }
0x103: {  	s0 =	sadd.s32 @!p0 $0x100000, s0  }
0x104: {  	[sflag:s0] =	ssyncadd.tile.s32 @!p0 $0x1;
	_ =	shalt  }
.Lfunc_end1:
_tile_overlayer_lowered:
.L_overlay_start_2:
0x105: {  	(tag) =	ssettag $0x2  }
0x106: {  	s0 =	rddreg [dreg:$0x0];
	s2 =	stileid.u32  }
0x107: {  	s1 =	rddreg [dreg:$0x1];
	p0 =	sne.s32 s2, $0x0  }
0x108: {  	s3 =	rddreg [dreg:$0x2];
	[bflag:$0x3] =	sbarrier.arrive $0xFFFF;
	s2 =	simm.s32 @!p0 $0x1C01  }
0x109: {  	[timem:s3], [sflag:s2] =	dma.local @!p0 [hbm:s0], s1  }
0x10a: {  	s0 =	simm.s32 @!p0 $0x1  }
0x10b: {  	_ =	swait.ge @!p0 [sflag:s0], s1  }
0x10c: {  	s1 =	ssub.s32 @!p0 $0x0, s1;
	[sflag:s0] =	ssyncset.done @!p0 $0x0  }
0x10d: {  	[sflag:s0] =	ssyncadd.s32 @!p0 s1  }
0x10e: {  	[bflag:$0x3] =	sbarrier.arrive $0xFFFF  }
0x10f: {  	_ =	shalt  }

</sc_bundles>
